<compile_context>
chip_gen: v7x
topology: tpu7x:2x2x1
jax: 0.10.2.dev20260603
libtpu: 0.0.44.dev20260713+nightly
codegen_flags: <defaults>
</compile_context>

<pallas_src>
import functools

import jax
import jax.numpy as jnp
from jax import lax
from jax.experimental import pallas as pl
from jax.experimental.pallas import tpu as pltpu
from jax.experimental.pallas import tpu_sc as plsc

VOCAB = 1000000
HALF = VOCAB // 2
DIM = 64
P = 0.1
KEEP_THRESH = 0xE6666600
SCALE = float(1.0 / (1.0 - P))

MBLK = 4000
B_OUT = 16384
S_OUT = 50
N_LOOKUPS = B_OUT * S_OUT

NC, NS = 2, 16
NW = NC * NS
PER_W = N_LOOKUPS // NW
CHUNK = 2 * S_OUT
N_CHUNKS = PER_W // CHUNK
ROWS_W = PER_W // S_OUT
NBUF = 8


def _threefry_key():
    def rotl(x, r):
        return ((x << r) | (x >> (32 - r))) & 0xFFFFFFFF

    def tf(k0, k1, c0, c1):
        ks = [k0, k1, k0 ^ k1 ^ 0x1BD11BDA]
        x0, x1 = (c0 + ks[0]) & 0xFFFFFFFF, (c1 + ks[1]) & 0xFFFFFFFF
        rots = [(13, 15, 26, 6), (17, 29, 16, 24)]
        for i in range(5):
            for r in rots[i % 2]:
                x0 = (x0 + x1) & 0xFFFFFFFF
                x1 = rotl(x1, r)
                x1 ^= x0
            x0 = (x0 + ks[(i + 1) % 3]) & 0xFFFFFFFF
            x1 = (x1 + ks[(i + 2) % 3] + i + 1) & 0xFFFFFFFF
        return x0, x1

    return tf(0, 0, 0, 123)


K0, K1 = _threefry_key()


def _mask_body(w_ref, o_ref):
    g = pl.program_id(0)
    shp = (MBLK // 2, 128)
    w = w_ref[...]
    row = lax.broadcasted_iota(jnp.uint32, shp, 0)
    col = lax.broadcasted_iota(jnp.uint32, shp, 1)
    base = (g * (MBLK * DIM)).astype(jnp.uint32)
    c1 = base + row * jnp.uint32(128) + col

    k0 = jnp.uint32(K0)
    k1 = jnp.uint32(K1)
    k2 = jnp.uint32(K0 ^ K1 ^ 0x1BD11BDA)
    ks = (k0, k1, k2)
    x0 = jnp.broadcast_to(k0, shp)
    x1 = c1 + k1
    rots = ((13, 15, 26, 6), (17, 29, 16, 24))
    for i in range(5):
        for r in rots[i % 2]:
            x0 = x0 + x1
            x1 = (x1 << jnp.uint32(r)) | (x1 >> jnp.uint32(32 - r))
            x1 = x1 ^ x0
        x0 = x0 + ks[(i + 1) % 3]
        x1 = x1 + ks[(i + 2) % 3] + jnp.uint32(i + 1)
    bits = x0 ^ x1
    keep = bits < jnp.uint32(KEEP_THRESH)
    o_ref[...] = jnp.where(keep, w * jnp.float32(SCALE), jnp.float32(0.0))


_mask_call = pl.pallas_call(
    _mask_body,
    grid=(VOCAB // MBLK,),
    in_specs=[pl.BlockSpec((MBLK // 2, 128), lambda i: (i, 0))],
    out_specs=pl.BlockSpec((MBLK // 2, 128), lambda i: (i, 0)),
    out_shape=jax.ShapeDtypeStruct((HALF, 128), jnp.float32),
)


def _gather_body(table, words_r, out, idx_v, *rest):
    bufs = rest[:NBUF]
    gsems = rest[NBUF:2 * NBUF]
    wsems = rest[2 * NBUF:3 * NBUF]
    wid = lax.axis_index("s") * NC + lax.axis_index("c")
    pltpu.sync_copy(words_r.at[wid], idx_v)
    rbase = wid * ROWS_W

    def writes(j, b):
        yield bufs[b].at[pl.ds(0, S_OUT)], out.at[rbase + 2 * j]
        yield bufs[b].at[pl.ds(S_OUT, S_OUT)], out.at[rbase + 2 * j + 1]

    for b in range(NBUF):
        for src, dst in writes(b, b):
            pltpu.make_async_copy(src, dst, wsems[b]).start()

    def ring_round(r, carry):
        j0 = r * NBUF
        for b in range(NBUF):
            for src, dst in writes(j0 + b, b):
                pltpu.make_async_copy(src, dst, wsems[b]).wait()
            pltpu.make_async_copy(
                table.at[idx_v.at[j0 + b]], bufs[b], gsems[b]).start()
        for b in range(NBUF):
            pltpu.make_async_copy(
                table.at[idx_v.at[j0 + b]], bufs[b], gsems[b]).wait()
            for src, dst in writes(j0 + b, b):
                pltpu.make_async_copy(src, dst, wsems[b]).start()
        return carry

    lax.fori_loop(0, N_CHUNKS // NBUF, ring_round, 0)
    for b in range(NBUF):
        for src, dst in writes(b, b):
            pltpu.make_async_copy(src, dst, wsems[b]).wait()


@functools.cache
def _gather_call():
    return functools.partial(
        pl.kernel,
        out_type=jax.ShapeDtypeStruct((B_OUT, S_OUT, DIM), jnp.float32),
        mesh=plsc.VectorSubcoreMesh(core_axis_name="c", subcore_axis_name="s"),
        scratch_types=(
            [pltpu.VMEM((N_CHUNKS, CHUNK), jnp.int32)]
            + [pltpu.VMEM((CHUNK, DIM), jnp.float32)] * NBUF
            + [pltpu.SemaphoreType.DMA] * (2 * NBUF)
        ),
        compiler_params=pltpu.CompilerParams(use_tc_tiling_on_sc=False),
    )(_gather_body)


def kernel(words, weight):
    masked128 = _mask_call(weight.reshape(HALF, 128))
    table = masked128.reshape(VOCAB, DIM)
    gidx = words.reshape(NW, N_CHUNKS, CHUNK).astype(jnp.int32)
    return _gather_call()(table, gidx)

# --- scband reference (transcript-rebuilt; emitter-appended) ---
"""Pipeline reference for scband-embedding-dropout-15152644620959 (READ-ONLY COPY).

The authoritative reference and input builder live on the scoring server;
editing this copy changes nothing except your own understanding.
"""

import jax, jax.numpy as jnp
import numpy as np

VOCAB = 1000000
DIM = 64
P = 0.1


def setup_inputs(seed: int = 0) -> dict:
    key = jax.random.key(seed)
    k1, k2 = jax.random.split(key)
    words = jax.random.randint(k1, (16384, 50), 0, VOCAB)
    weight = jax.random.normal(k2, (VOCAB, DIM), dtype=jnp.float32)
    return {"words": words, "weight": weight}


def reference(words, weight):
    # Dropout applied to the full embedding weight matrix (row-wise element dropout),
    # with inverted scaling 1/(1-p), matching nn.Dropout in train mode.
    mask_key = jax.random.fold_in(jax.random.key(0), 123)
    keep = jax.random.bernoulli(mask_key, 1.0 - P, weight.shape)
    masked_embed_weight = jnp.where(keep, weight / (1.0 - P), jnp.zeros_like(weight))
    # scale is None, padding_idx is None -> plain embedding gather
    X = jnp.take(masked_embed_weight, words, axis=0)
    return X

if __name__ == "__main__":
    import jax
    _d = setup_inputs()
    print(jax.jit(kernel)(*tuple(_d.values())))

</pallas_src>

<mosaic_0001>
#map = affine_map<(d0, d1) -> (0, 0)>
#map1 = affine_map<(d0, d1) -> (0, 0, 0)>
module attributes {stable_mosaic.version = 14 : i64} {
  func.func @_gather_body(%arg0: i32, %arg1: i32, %arg2: memref<1000000x64xf32, #tpu.memory_space<hbm>>, %arg3: memref<32x256x100xi32, #tpu.memory_space<hbm>>, %arg4: memref<16384x50x64xf32, #tpu.memory_space<hbm>>, %arg5: memref<256x100xi32, #tpu.memory_space<vmem>>, %arg6: memref<100x64xf32, #tpu.memory_space<vmem>>, %arg7: memref<100x64xf32, #tpu.memory_space<vmem>>, %arg8: memref<100x64xf32, #tpu.memory_space<vmem>>, %arg9: memref<100x64xf32, #tpu.memory_space<vmem>>, %arg10: memref<100x64xf32, #tpu.memory_space<vmem>>, %arg11: memref<100x64xf32, #tpu.memory_space<vmem>>, %arg12: memref<100x64xf32, #tpu.memory_space<vmem>>, %arg13: memref<100x64xf32, #tpu.memory_space<vmem>>, %arg14: memref<!tpu.dma_semaphore, #tpu.memory_space<semaphore_mem>>, %arg15: memref<!tpu.dma_semaphore, #tpu.memory_space<semaphore_mem>>, %arg16: memref<!tpu.dma_semaphore, #tpu.memory_space<semaphore_mem>>, %arg17: memref<!tpu.dma_semaphore, #tpu.memory_space<semaphore_mem>>, %arg18: memref<!tpu.dma_semaphore, #tpu.memory_space<semaphore_mem>>, %arg19: memref<!tpu.dma_semaphore, #tpu.memory_space<semaphore_mem>>, %arg20: memref<!tpu.dma_semaphore, #tpu.memory_space<semaphore_mem>>, %arg21: memref<!tpu.dma_semaphore, #tpu.memory_space<semaphore_mem>>, %arg22: memref<!tpu.dma_semaphore, #tpu.memory_space<semaphore_mem>>, %arg23: memref<!tpu.dma_semaphore, #tpu.memory_space<semaphore_mem>>, %arg24: memref<!tpu.dma_semaphore, #tpu.memory_space<semaphore_mem>>, %arg25: memref<!tpu.dma_semaphore, #tpu.memory_space<semaphore_mem>>, %arg26: memref<!tpu.dma_semaphore, #tpu.memory_space<semaphore_mem>>, %arg27: memref<!tpu.dma_semaphore, #tpu.memory_space<semaphore_mem>>, %arg28: memref<!tpu.dma_semaphore, #tpu.memory_space<semaphore_mem>>, %arg29: memref<!tpu.dma_semaphore, #tpu.memory_space<semaphore_mem>>) attributes {dimension_semantics = [#tpu.dimension_semantics<core_parallel>, #tpu.dimension_semantics<subcore_parallel>], iteration_bounds = array<i64: 2, 16>, scalar_prefetch = 0 : i64, scratch_operands = 25 : i64, tpu.core_type = #tpu.core_type<sc_vector_subcore>, window_params = [{transform_indices = #map}, {transform_indices = #map1}, {transform_indices = #map1}]} {
    %mul3A = arith.constant 2 : i32
    %mul3A_0 = arith.muli %arg1, %mul3A : i32
    %add3A = arith.addi %mul3A_0, %arg0 : i32
    "tpu.region"() ({
      %run_scoped3A = tpu.sem_alloc : memref<!tpu.dma_semaphore, #tpu.memory_space<semaphore_mem>>
      %dma_start3A_550 = arith.constant 0 : i32
      %dma_start3A_551 = arith.constant 0 : i32
      %dma_start3A_552 = tpu.memref_slice %arg3[%add3A, %dma_start3A_550, %dma_start3A_551] : memref<32x256x100xi32, #tpu.memory_space<hbm>> -> memref<1x256x100xi32, #tpu.memory_space<hbm>>
      %dma_start3A_553 = tpu.memref_squeeze %dma_start3A_552 : memref<1x256x100xi32, #tpu.memory_space<hbm>> -> memref<256x100xi32, #tpu.memory_space<hbm>>
      %dma_start3A_554 = arith.constant 0 : i32
      %dma_start3A_555 = arith.constant 0 : i32
      %dma_start3A_556 = tpu.memref_slice %arg3[%add3A, %dma_start3A_554, %dma_start3A_555] : memref<32x256x100xi32, #tpu.memory_space<hbm>> -> memref<1x256x100xi32, #tpu.memory_space<hbm>>
      %dma_start3A_557 = tpu.memref_squeeze %dma_start3A_556 : memref<1x256x100xi32, #tpu.memory_space<hbm>> -> memref<256x100xi32, #tpu.memory_space<hbm>>
      tpu.enqueue_dma source(%dma_start3A_557 : memref<256x100xi32, #tpu.memory_space<hbm>>) target(%arg5 : memref<256x100xi32, #tpu.memory_space<vmem>>) target_semaphore(%run_scoped3A : memref<!tpu.dma_semaphore, #tpu.memory_space<semaphore_mem>>)
      %dma_wait3A_558 = arith.constant 0 : i32
      %dma_wait3A_559 = arith.constant 0 : i32
      %dma_wait3A_560 = tpu.memref_slice %arg3[%add3A, %dma_wait3A_558, %dma_wait3A_559] : memref<32x256x100xi32, #tpu.memory_space<hbm>> -> memref<1x256x100xi32, #tpu.memory_space<hbm>>
      %dma_wait3A_561 = tpu.memref_squeeze %dma_wait3A_560 : memref<1x256x100xi32, #tpu.memory_space<hbm>> -> memref<256x100xi32, #tpu.memory_space<hbm>>
      %dma_wait3A_562 = arith.constant 0 : i32
      %dma_wait3A_563 = arith.constant 0 : i32
      %dma_wait3A_564 = tpu.memref_slice %arg3[%add3A, %dma_wait3A_562, %dma_wait3A_563] : memref<32x256x100xi32, #tpu.memory_space<hbm>> -> memref<1x256x100xi32, #tpu.memory_space<hbm>>
      %dma_wait3A_565 = tpu.memref_squeeze %dma_wait3A_564 : memref<1x256x100xi32, #tpu.memory_space<hbm>> -> memref<256x100xi32, #tpu.memory_space<hbm>>
      tpu.wait_dma2 semaphore(%run_scoped3A : memref<!tpu.dma_semaphore, #tpu.memory_space<semaphore_mem>>) src(%dma_wait3A_565 : memref<256x100xi32, #tpu.memory_space<hbm>>) dst(%arg5 : memref<256x100xi32, #tpu.memory_space<vmem>>)
      tpu.yield
    }) : () -> ()
    %mul3A_1 = arith.constant 512 : i32
    %mul3A_2 = arith.muli %add3A, %mul3A_1 : i32
    %add3A_3 = arith.constant 0 : i32
    %add3A_4 = arith.addi %mul3A_2, %add3A_3 : i32
    %dma_start3A = arith.constant 0 : i32
    %dma_start3A_5 = arith.constant 0 : i32
    %dma_start3A_6 = tpu.memref_slice %arg6[%dma_start3A, %dma_start3A_5] : memref<100x64xf32, #tpu.memory_space<vmem>> -> memref<50x64xf32, #tpu.memory_space<vmem>>
    %dma_start3A_7 = arith.constant 0 : i32
    %dma_start3A_8 = arith.constant 0 : i32
    %dma_start3A_9 = tpu.memref_slice %arg4[%add3A_4, %dma_start3A_7, %dma_start3A_8] : memref<16384x50x64xf32, #tpu.memory_space<hbm>> -> memref<1x50x64xf32, #tpu.memory_space<hbm>>
    %dma_start3A_10 = tpu.memref_squeeze %dma_start3A_9 : memref<1x50x64xf32, #tpu.memory_space<hbm>> -> memref<50x64xf32, #tpu.memory_space<hbm>>
    %dma_start3A_11 = arith.constant 0 : i32
    %dma_start3A_12 = arith.constant 0 : i32
    %dma_start3A_13 = tpu.memref_slice %arg4[%add3A_4, %dma_start3A_11, %dma_start3A_12] : memref<16384x50x64xf32, #tpu.memory_space<hbm>> -> memref<1x50x64xf32, #tpu.memory_space<hbm>>
    %dma_start3A_14 = tpu.memref_squeeze %dma_start3A_13 : memref<1x50x64xf32, #tpu.memory_space<hbm>> -> memref<50x64xf32, #tpu.memory_space<hbm>>
    %dma_start3A_15 = arith.constant 0 : i32
    %dma_start3A_16 = arith.constant 0 : i32
    %dma_start3A_17 = tpu.memref_slice %arg6[%dma_start3A_15, %dma_start3A_16] : memref<100x64xf32, #tpu.memory_space<vmem>> -> memref<50x64xf32, #tpu.memory_space<vmem>>
    tpu.enqueue_dma source(%dma_start3A_17 : memref<50x64xf32, #tpu.memory_space<vmem>>) target(%dma_start3A_14 : memref<50x64xf32, #tpu.memory_space<hbm>>) target_semaphore(%arg22 : memref<!tpu.dma_semaphore, #tpu.memory_space<semaphore_mem>>)
    %add3A_18 = arith.constant 0 : i32
    %add3A_19 = arith.addi %mul3A_2, %add3A_18 : i32
    %add3A_20 = arith.constant 1 : i32
    %add3A_21 = arith.addi %add3A_19, %add3A_20 : i32
    %dma_start3A_22 = arith.constant 50 : i32
    %dma_start3A_23 = arith.constant 0 : i32
    %dma_start3A_24 = tpu.memref_slice %arg6[%dma_start3A_22, %dma_start3A_23] : memref<100x64xf32, #tpu.memory_space<vmem>> -> memref<50x64xf32, #tpu.memory_space<vmem>>
    %dma_start3A_25 = arith.constant 0 : i32
    %dma_start3A_26 = arith.constant 0 : i32
    %dma_start3A_27 = tpu.memref_slice %arg4[%add3A_21, %dma_start3A_25, %dma_start3A_26] : memref<16384x50x64xf32, #tpu.memory_space<hbm>> -> memref<1x50x64xf32, #tpu.memory_space<hbm>>
    %dma_start3A_28 = tpu.memref_squeeze %dma_start3A_27 : memref<1x50x64xf32, #tpu.memory_space<hbm>> -> memref<50x64xf32, #tpu.memory_space<hbm>>
    %dma_start3A_29 = arith.constant 0 : i32
    %dma_start3A_30 = arith.constant 0 : i32
    %dma_start3A_31 = tpu.memref_slice %arg4[%add3A_21, %dma_start3A_29, %dma_start3A_30] : memref<16384x50x64xf32, #tpu.memory_space<hbm>> -> memref<1x50x64xf32, #tpu.memory_space<hbm>>
    %dma_start3A_32 = tpu.memref_squeeze %dma_start3A_31 : memref<1x50x64xf32, #tpu.memory_space<hbm>> -> memref<50x64xf32, #tpu.memory_space<hbm>>
    %dma_start3A_33 = arith.constant 50 : i32
    %dma_start3A_34 = arith.constant 0 : i32
    %dma_start3A_35 = tpu.memref_slice %arg6[%dma_start3A_33, %dma_start3A_34] : memref<100x64xf32, #tpu.memory_space<vmem>> -> memref<50x64xf32, #tpu.memory_space<vmem>>
    tpu.enqueue_dma source(%dma_start3A_35 : memref<50x64xf32, #tpu.memory_space<vmem>>) target(%dma_start3A_32 : memref<50x64xf32, #tpu.memory_space<hbm>>) target_semaphore(%arg22 : memref<!tpu.dma_semaphore, #tpu.memory_space<semaphore_mem>>)
    %add3A_36 = arith.constant 2 : i32
    %add3A_37 = arith.addi %mul3A_2, %add3A_36 : i32
    %dma_start3A_38 = arith.constant 0 : i32
    %dma_start3A_39 = arith.constant 0 : i32
    %dma_start3A_40 = tpu.memref_slice %arg7[%dma_start3A_38, %dma_start3A_39] : memref<100x64xf32, #tpu.memory_space<vmem>> -> memref<50x64xf32, #tpu.memory_space<vmem>>
    %dma_start3A_41 = arith.constant 0 : i32
    %dma_start3A_42 = arith.constant 0 : i32
    %dma_start3A_43 = tpu.memref_slice %arg4[%add3A_37, %dma_start3A_41, %dma_start3A_42] : memref<16384x50x64xf32, #tpu.memory_space<hbm>> -> memref<1x50x64xf32, #tpu.memory_space<hbm>>
    %dma_start3A_44 = tpu.memref_squeeze %dma_start3A_43 : memref<1x50x64xf32, #tpu.memory_space<hbm>> -> memref<50x64xf32, #tpu.memory_space<hbm>>
    %dma_start3A_45 = arith.constant 0 : i32
    %dma_start3A_46 = arith.constant 0 : i32
    %dma_start3A_47 = tpu.memref_slice %arg4[%add3A_37, %dma_start3A_45, %dma_start3A_46] : memref<16384x50x64xf32, #tpu.memory_space<hbm>> -> memref<1x50x64xf32, #tpu.memory_space<hbm>>
    %dma_start3A_48 = tpu.memref_squeeze %dma_start3A_47 : memref<1x50x64xf32, #tpu.memory_space<hbm>> -> memref<50x64xf32, #tpu.memory_space<hbm>>
    %dma_start3A_49 = arith.constant 0 : i32
    %dma_start3A_50 = arith.constant 0 : i32
    %dma_start3A_51 = tpu.memref_slice %arg7[%dma_start3A_49, %dma_start3A_50] : memref<100x64xf32, #tpu.memory_space<vmem>> -> memref<50x64xf32, #tpu.memory_space<vmem>>
    tpu.enqueue_dma source(%dma_start3A_51 : memref<50x64xf32, #tpu.memory_space<vmem>>) target(%dma_start3A_48 : memref<50x64xf32, #tpu.memory_space<hbm>>) target_semaphore(%arg23 : memref<!tpu.dma_semaphore, #tpu.memory_space<semaphore_mem>>)
    %add3A_52 = arith.constant 2 : i32
    %add3A_53 = arith.addi %mul3A_2, %add3A_52 : i32
    %add3A_54 = arith.constant 1 : i32
    %add3A_55 = arith.addi %add3A_53, %add3A_54 : i32
    %dma_start3A_56 = arith.constant 50 : i32
    %dma_start3A_57 = arith.constant 0 : i32
    %dma_start3A_58 = tpu.memref_slice %arg7[%dma_start3A_56, %dma_start3A_57] : memref<100x64xf32, #tpu.memory_space<vmem>> -> memref<50x64xf32, #tpu.memory_space<vmem>>
    %dma_start3A_59 = arith.constant 0 : i32
    %dma_start3A_60 = arith.constant 0 : i32
    %dma_start3A_61 = tpu.memref_slice %arg4[%add3A_55, %dma_start3A_59, %dma_start3A_60] : memref<16384x50x64xf32, #tpu.memory_space<hbm>> -> memref<1x50x64xf32, #tpu.memory_space<hbm>>
    %dma_start3A_62 = tpu.memref_squeeze %dma_start3A_61 : memref<1x50x64xf32, #tpu.memory_space<hbm>> -> memref<50x64xf32, #tpu.memory_space<hbm>>
    %dma_start3A_63 = arith.constant 0 : i32
    %dma_start3A_64 = arith.constant 0 : i32
    %dma_start3A_65 = tpu.memref_slice %arg4[%add3A_55, %dma_start3A_63, %dma_start3A_64] : memref<16384x50x64xf32, #tpu.memory_space<hbm>> -> memref<1x50x64xf32, #tpu.memory_space<hbm>>
    %dma_start3A_66 = tpu.memref_squeeze %dma_start3A_65 : memref<1x50x64xf32, #tpu.memory_space<hbm>> -> memref<50x64xf32, #tpu.memory_space<hbm>>
    %dma_start3A_67 = arith.constant 50 : i32
    %dma_start3A_68 = arith.constant 0 : i32
    %dma_start3A_69 = tpu.memref_slice %arg7[%dma_start3A_67, %dma_start3A_68] : memref<100x64xf32, #tpu.memory_space<vmem>> -> memref<50x64xf32, #tpu.memory_space<vmem>>
    tpu.enqueue_dma source(%dma_start3A_69 : memref<50x64xf32, #tpu.memory_space<vmem>>) target(%dma_start3A_66 : memref<50x64xf32, #tpu.memory_space<hbm>>) target_semaphore(%arg23 : memref<!tpu.dma_semaphore, #tpu.memory_space<semaphore_mem>>)
    %add3A_70 = arith.constant 4 : i32
    %add3A_71 = arith.addi %mul3A_2, %add3A_70 : i32
    %dma_start3A_72 = arith.constant 0 : i32
    %dma_start3A_73 = arith.constant 0 : i32
    %dma_start3A_74 = tpu.memref_slice %arg8[%dma_start3A_72, %dma_start3A_73] : memref<100x64xf32, #tpu.memory_space<vmem>> -> memref<50x64xf32, #tpu.memory_space<vmem>>
    %dma_start3A_75 = arith.constant 0 : i32
    %dma_start3A_76 = arith.constant 0 : i32
    %dma_start3A_77 = tpu.memref_slice %arg4[%add3A_71, %dma_start3A_75, %dma_start3A_76] : memref<16384x50x64xf32, #tpu.memory_space<hbm>> -> memref<1x50x64xf32, #tpu.memory_space<hbm>>
    %dma_start3A_78 = tpu.memref_squeeze %dma_start3A_77 : memref<1x50x64xf32, #tpu.memory_space<hbm>> -> memref<50x64xf32, #tpu.memory_space<hbm>>
    %dma_start3A_79 = arith.constant 0 : i32
    %dma_start3A_80 = arith.constant 0 : i32
    %dma_start3A_81 = tpu.memref_slice %arg4[%add3A_71, %dma_start3A_79, %dma_start3A_80] : memref<16384x50x64xf32, #tpu.memory_space<hbm>> -> memref<1x50x64xf32, #tpu.memory_space<hbm>>
    %dma_start3A_82 = tpu.memref_squeeze %dma_start3A_81 : memref<1x50x64xf32, #tpu.memory_space<hbm>> -> memref<50x64xf32, #tpu.memory_space<hbm>>
    %dma_start3A_83 = arith.constant 0 : i32
    %dma_start3A_84 = arith.constant 0 : i32
    %dma_start3A_85 = tpu.memref_slice %arg8[%dma_start3A_83, %dma_start3A_84] : memref<100x64xf32, #tpu.memory_space<vmem>> -> memref<50x64xf32, #tpu.memory_space<vmem>>
    tpu.enqueue_dma source(%dma_start3A_85 : memref<50x64xf32, #tpu.memory_space<vmem>>) target(%dma_start3A_82 : memref<50x64xf32, #tpu.memory_space<hbm>>) target_semaphore(%arg24 : memref<!tpu.dma_semaphore, #tpu.memory_space<semaphore_mem>>)
    %add3A_86 = arith.constant 4 : i32
    %add3A_87 = arith.addi %mul3A_2, %add3A_86 : i32
    %add3A_88 = arith.constant 1 : i32
    %add3A_89 = arith.addi %add3A_87, %add3A_88 : i32
    %dma_start3A_90 = arith.constant 50 : i32
    %dma_start3A_91 = arith.constant 0 : i32
    %dma_start3A_92 = tpu.memref_slice %arg8[%dma_start3A_90, %dma_start3A_91] : memref<100x64xf32, #tpu.memory_space<vmem>> -> memref<50x64xf32, #tpu.memory_space<vmem>>
    %dma_start3A_93 = arith.constant 0 : i32
    %dma_start3A_94 = arith.constant 0 : i32
    %dma_start3A_95 = tpu.memref_slice %arg4[%add3A_89, %dma_start3A_93, %dma_start3A_94] : memref<16384x50x64xf32, #tpu.memory_space<hbm>> -> memref<1x50x64xf32, #tpu.memory_space<hbm>>
    %dma_start3A_96 = tpu.memref_squeeze %dma_start3A_95 : memref<1x50x64xf32, #tpu.memory_space<hbm>> -> memref<50x64xf32, #tpu.memory_space<hbm>>
    %dma_start3A_97 = arith.constant 0 : i32
    %dma_start3A_98 = arith.constant 0 : i32
    %dma_start3A_99 = tpu.memref_slice %arg4[%add3A_89, %dma_start3A_97, %dma_start3A_98] : memref<16384x50x64xf32, #tpu.memory_space<hbm>> -> memref<1x50x64xf32, #tpu.memory_space<hbm>>
    %dma_start3A_100 = tpu.memref_squeeze %dma_start3A_99 : memref<1x50x64xf32, #tpu.memory_space<hbm>> -> memref<50x64xf32, #tpu.memory_space<hbm>>
    %dma_start3A_101 = arith.constant 50 : i32
    %dma_start3A_102 = arith.constant 0 : i32
    %dma_start3A_103 = tpu.memref_slice %arg8[%dma_start3A_101, %dma_start3A_102] : memref<100x64xf32, #tpu.memory_space<vmem>> -> memref<50x64xf32, #tpu.memory_space<vmem>>
    tpu.enqueue_dma source(%dma_start3A_103 : memref<50x64xf32, #tpu.memory_space<vmem>>) target(%dma_start3A_100 : memref<50x64xf32, #tpu.memory_space<hbm>>) target_semaphore(%arg24 : memref<!tpu.dma_semaphore, #tpu.memory_space<semaphore_mem>>)
    %add3A_104 = arith.constant 6 : i32
    %add3A_105 = arith.addi %mul3A_2, %add3A_104 : i32
    %dma_start3A_106 = arith.constant 0 : i32
    %dma_start3A_107 = arith.constant 0 : i32
    %dma_start3A_108 = tpu.memref_slice %arg9[%dma_start3A_106, %dma_start3A_107] : memref<100x64xf32, #tpu.memory_space<vmem>> -> memref<50x64xf32, #tpu.memory_space<vmem>>
    %dma_start3A_109 = arith.constant 0 : i32
    %dma_start3A_110 = arith.constant 0 : i32
    %dma_start3A_111 = tpu.memref_slice %arg4[%add3A_105, %dma_start3A_109, %dma_start3A_110] : memref<16384x50x64xf32, #tpu.memory_space<hbm>> -> memref<1x50x64xf32, #tpu.memory_space<hbm>>
    %dma_start3A_112 = tpu.memref_squeeze %dma_start3A_111 : memref<1x50x64xf32, #tpu.memory_space<hbm>> -> memref<50x64xf32, #tpu.memory_space<hbm>>
    %dma_start3A_113 = arith.constant 0 : i32
    %dma_start3A_114 = arith.constant 0 : i32
    %dma_start3A_115 = tpu.memref_slice %arg4[%add3A_105, %dma_start3A_113, %dma_start3A_114] : memref<16384x50x64xf32, #tpu.memory_space<hbm>> -> memref<1x50x64xf32, #tpu.memory_space<hbm>>
    %dma_start3A_116 = tpu.memref_squeeze %dma_start3A_115 : memref<1x50x64xf32, #tpu.memory_space<hbm>> -> memref<50x64xf32, #tpu.memory_space<hbm>>
    %dma_start3A_117 = arith.constant 0 : i32
    %dma_start3A_118 = arith.constant 0 : i32
    %dma_start3A_119 = tpu.memref_slice %arg9[%dma_start3A_117, %dma_start3A_118] : memref<100x64xf32, #tpu.memory_space<vmem>> -> memref<50x64xf32, #tpu.memory_space<vmem>>
    tpu.enqueue_dma source(%dma_start3A_119 : memref<50x64xf32, #tpu.memory_space<vmem>>) target(%dma_start3A_116 : memref<50x64xf32, #tpu.memory_space<hbm>>) target_semaphore(%arg25 : memref<!tpu.dma_semaphore, #tpu.memory_space<semaphore_mem>>)
    %add3A_120 = arith.constant 6 : i32
    %add3A_121 = arith.addi %mul3A_2, %add3A_120 : i32
    %add3A_122 = arith.constant 1 : i32
    %add3A_123 = arith.addi %add3A_121, %add3A_122 : i32
    %dma_start3A_124 = arith.constant 50 : i32
    %dma_start3A_125 = arith.constant 0 : i32
    %dma_start3A_126 = tpu.memref_slice %arg9[%dma_start3A_124, %dma_start3A_125] : memref<100x64xf32, #tpu.memory_space<vmem>> -> memref<50x64xf32, #tpu.memory_space<vmem>>
    %dma_start3A_127 = arith.constant 0 : i32
    %dma_start3A_128 = arith.constant 0 : i32
    %dma_start3A_129 = tpu.memref_slice %arg4[%add3A_123, %dma_start3A_127, %dma_start3A_128] : memref<16384x50x64xf32, #tpu.memory_space<hbm>> -> memref<1x50x64xf32, #tpu.memory_space<hbm>>
    %dma_start3A_130 = tpu.memref_squeeze %dma_start3A_129 : memref<1x50x64xf32, #tpu.memory_space<hbm>> -> memref<50x64xf32, #tpu.memory_space<hbm>>
    %dma_start3A_131 = arith.constant 0 : i32
    %dma_start3A_132 = arith.constant 0 : i32
    %dma_start3A_133 = tpu.memref_slice %arg4[%add3A_123, %dma_start3A_131, %dma_start3A_132] : memref<16384x50x64xf32, #tpu.memory_space<hbm>> -> memref<1x50x64xf32, #tpu.memory_space<hbm>>
    %dma_start3A_134 = tpu.memref_squeeze %dma_start3A_133 : memref<1x50x64xf32, #tpu.memory_space<hbm>> -> memref<50x64xf32, #tpu.memory_space<hbm>>
    %dma_start3A_135 = arith.constant 50 : i32
    %dma_start3A_136 = arith.constant 0 : i32
    %dma_start3A_137 = tpu.memref_slice %arg9[%dma_start3A_135, %dma_start3A_136] : memref<100x64xf32, #tpu.memory_space<vmem>> -> memref<50x64xf32, #tpu.memory_space<vmem>>
    tpu.enqueue_dma source(%dma_start3A_137 : memref<50x64xf32, #tpu.memory_space<vmem>>) target(%dma_start3A_134 : memref<50x64xf32, #tpu.memory_space<hbm>>) target_semaphore(%arg25 : memref<!tpu.dma_semaphore, #tpu.memory_space<semaphore_mem>>)
    %add3A_138 = arith.constant 8 : i32
    %add3A_139 = arith.addi %mul3A_2, %add3A_138 : i32
    %dma_start3A_140 = arith.constant 0 : i32
    %dma_start3A_141 = arith.constant 0 : i32
    %dma_start3A_142 = tpu.memref_slice %arg10[%dma_start3A_140, %dma_start3A_141] : memref<100x64xf32, #tpu.memory_space<vmem>> -> memref<50x64xf32, #tpu.memory_space<vmem>>
    %dma_start3A_143 = arith.constant 0 : i32
    %dma_start3A_144 = arith.constant 0 : i32
    %dma_start3A_145 = tpu.memref_slice %arg4[%add3A_139, %dma_start3A_143, %dma_start3A_144] : memref<16384x50x64xf32, #tpu.memory_space<hbm>> -> memref<1x50x64xf32, #tpu.memory_space<hbm>>
    %dma_start3A_146 = tpu.memref_squeeze %dma_start3A_145 : memref<1x50x64xf32, #tpu.memory_space<hbm>> -> memref<50x64xf32, #tpu.memory_space<hbm>>
    %dma_start3A_147 = arith.constant 0 : i32
    %dma_start3A_148 = arith.constant 0 : i32
    %dma_start3A_149 = tpu.memref_slice %arg4[%add3A_139, %dma_start3A_147, %dma_start3A_148] : memref<16384x50x64xf32, #tpu.memory_space<hbm>> -> memref<1x50x64xf32, #tpu.memory_space<hbm>>
    %dma_start3A_150 = tpu.memref_squeeze %dma_start3A_149 : memref<1x50x64xf32, #tpu.memory_space<hbm>> -> memref<50x64xf32, #tpu.memory_space<hbm>>
    %dma_start3A_151 = arith.constant 0 : i32
    %dma_start3A_152 = arith.constant 0 : i32
    %dma_start3A_153 = tpu.memref_slice %arg10[%dma_start3A_151, %dma_start3A_152] : memref<100x64xf32, #tpu.memory_space<vmem>> -> memref<50x64xf32, #tpu.memory_space<vmem>>
    tpu.enqueue_dma source(%dma_start3A_153 : memref<50x64xf32, #tpu.memory_space<vmem>>) target(%dma_start3A_150 : memref<50x64xf32, #tpu.memory_space<hbm>>) target_semaphore(%arg26 : memref<!tpu.dma_semaphore, #tpu.memory_space<semaphore_mem>>)
    %add3A_154 = arith.constant 8 : i32
    %add3A_155 = arith.addi %mul3A_2, %add3A_154 : i32
    %add3A_156 = arith.constant 1 : i32
    %add3A_157 = arith.addi %add3A_155, %add3A_156 : i32
    %dma_start3A_158 = arith.constant 50 : i32
    %dma_start3A_159 = arith.constant 0 : i32
    %dma_start3A_160 = tpu.memref_slice %arg10[%dma_start3A_158, %dma_start3A_159] : memref<100x64xf32, #tpu.memory_space<vmem>> -> memref<50x64xf32, #tpu.memory_space<vmem>>
    %dma_start3A_161 = arith.constant 0 : i32
    %dma_start3A_162 = arith.constant 0 : i32
    %dma_start3A_163 = tpu.memref_slice %arg4[%add3A_157, %dma_start3A_161, %dma_start3A_162] : memref<16384x50x64xf32, #tpu.memory_space<hbm>> -> memref<1x50x64xf32, #tpu.memory_space<hbm>>
    %dma_start3A_164 = tpu.memref_squeeze %dma_start3A_163 : memref<1x50x64xf32, #tpu.memory_space<hbm>> -> memref<50x64xf32, #tpu.memory_space<hbm>>
    %dma_start3A_165 = arith.constant 0 : i32
    %dma_start3A_166 = arith.constant 0 : i32
    %dma_start3A_167 = tpu.memref_slice %arg4[%add3A_157, %dma_start3A_165, %dma_start3A_166] : memref<16384x50x64xf32, #tpu.memory_space<hbm>> -> memref<1x50x64xf32, #tpu.memory_space<hbm>>
    %dma_start3A_168 = tpu.memref_squeeze %dma_start3A_167 : memref<1x50x64xf32, #tpu.memory_space<hbm>> -> memref<50x64xf32, #tpu.memory_space<hbm>>
    %dma_start3A_169 = arith.constant 50 : i32
    %dma_start3A_170 = arith.constant 0 : i32
    %dma_start3A_171 = tpu.memref_slice %arg10[%dma_start3A_169, %dma_start3A_170] : memref<100x64xf32, #tpu.memory_space<vmem>> -> memref<50x64xf32, #tpu.memory_space<vmem>>
    tpu.enqueue_dma source(%dma_start3A_171 : memref<50x64xf32, #tpu.memory_space<vmem>>) target(%dma_start3A_168 : memref<50x64xf32, #tpu.memory_space<hbm>>) target_semaphore(%arg26 : memref<!tpu.dma_semaphore, #tpu.memory_space<semaphore_mem>>)
    %add3A_172 = arith.constant 10 : i32
    %add3A_173 = arith.addi %mul3A_2, %add3A_172 : i32
    %dma_start3A_174 = arith.constant 0 : i32
    %dma_start3A_175 = arith.constant 0 : i32
    %dma_start3A_176 = tpu.memref_slice %arg11[%dma_start3A_174, %dma_start3A_175] : memref<100x64xf32, #tpu.memory_space<vmem>> -> memref<50x64xf32, #tpu.memory_space<vmem>>
    %dma_start3A_177 = arith.constant 0 : i32
    %dma_start3A_178 = arith.constant 0 : i32
    %dma_start3A_179 = tpu.memref_slice %arg4[%add3A_173, %dma_start3A_177, %dma_start3A_178] : memref<16384x50x64xf32, #tpu.memory_space<hbm>> -> memref<1x50x64xf32, #tpu.memory_space<hbm>>
    %dma_start3A_180 = tpu.memref_squeeze %dma_start3A_179 : memref<1x50x64xf32, #tpu.memory_space<hbm>> -> memref<50x64xf32, #tpu.memory_space<hbm>>
    %dma_start3A_181 = arith.constant 0 : i32
    %dma_start3A_182 = arith.constant 0 : i32
    %dma_start3A_183 = tpu.memref_slice %arg4[%add3A_173, %dma_start3A_181, %dma_start3A_182] : memref<16384x50x64xf32, #tpu.memory_space<hbm>> -> memref<1x50x64xf32, #tpu.memory_space<hbm>>
    %dma_start3A_184 = tpu.memref_squeeze %dma_start3A_183 : memref<1x50x64xf32, #tpu.memory_space<hbm>> -> memref<50x64xf32, #tpu.memory_space<hbm>>
    %dma_start3A_185 = arith.constant 0 : i32
    %dma_start3A_186 = arith.constant 0 : i32
    %dma_start3A_187 = tpu.memref_slice %arg11[%dma_start3A_185, %dma_start3A_186] : memref<100x64xf32, #tpu.memory_space<vmem>> -> memref<50x64xf32, #tpu.memory_space<vmem>>
    tpu.enqueue_dma source(%dma_start3A_187 : memref<50x64xf32, #tpu.memory_space<vmem>>) target(%dma_start3A_184 : memref<50x64xf32, #tpu.memory_space<hbm>>) target_semaphore(%arg27 : memref<!tpu.dma_semaphore, #tpu.memory_space<semaphore_mem>>)
    %add3A_188 = arith.constant 10 : i32
    %add3A_189 = arith.addi %mul3A_2, %add3A_188 : i32
    %add3A_190 = arith.constant 1 : i32
    %add3A_191 = arith.addi %add3A_189, %add3A_190 : i32
    %dma_start3A_192 = arith.constant 50 : i32
    %dma_start3A_193 = arith.constant 0 : i32
    %dma_start3A_194 = tpu.memref_slice %arg11[%dma_start3A_192, %dma_start3A_193] : memref<100x64xf32, #tpu.memory_space<vmem>> -> memref<50x64xf32, #tpu.memory_space<vmem>>
    %dma_start3A_195 = arith.constant 0 : i32
    %dma_start3A_196 = arith.constant 0 : i32
    %dma_start3A_197 = tpu.memref_slice %arg4[%add3A_191, %dma_start3A_195, %dma_start3A_196] : memref<16384x50x64xf32, #tpu.memory_space<hbm>> -> memref<1x50x64xf32, #tpu.memory_space<hbm>>
    %dma_start3A_198 = tpu.memref_squeeze %dma_start3A_197 : memref<1x50x64xf32, #tpu.memory_space<hbm>> -> memref<50x64xf32, #tpu.memory_space<hbm>>
    %dma_start3A_199 = arith.constant 0 : i32
    %dma_start3A_200 = arith.constant 0 : i32
    %dma_start3A_201 = tpu.memref_slice %arg4[%add3A_191, %dma_start3A_199, %dma_start3A_200] : memref<16384x50x64xf32, #tpu.memory_space<hbm>> -> memref<1x50x64xf32, #tpu.memory_space<hbm>>
    %dma_start3A_202 = tpu.memref_squeeze %dma_start3A_201 : memref<1x50x64xf32, #tpu.memory_space<hbm>> -> memref<50x64xf32, #tpu.memory_space<hbm>>
    %dma_start3A_203 = arith.constant 50 : i32
    %dma_start3A_204 = arith.constant 0 : i32
    %dma_start3A_205 = tpu.memref_slice %arg11[%dma_start3A_203, %dma_start3A_204] : memref<100x64xf32, #tpu.memory_space<vmem>> -> memref<50x64xf32, #tpu.memory_space<vmem>>
    tpu.enqueue_dma source(%dma_start3A_205 : memref<50x64xf32, #tpu.memory_space<vmem>>) target(%dma_start3A_202 : memref<50x64xf32, #tpu.memory_space<hbm>>) target_semaphore(%arg27 : memref<!tpu.dma_semaphore, #tpu.memory_space<semaphore_mem>>)
    %add3A_206 = arith.constant 12 : i32
    %add3A_207 = arith.addi %mul3A_2, %add3A_206 : i32
    %dma_start3A_208 = arith.constant 0 : i32
    %dma_start3A_209 = arith.constant 0 : i32
    %dma_start3A_210 = tpu.memref_slice %arg12[%dma_start3A_208, %dma_start3A_209] : memref<100x64xf32, #tpu.memory_space<vmem>> -> memref<50x64xf32, #tpu.memory_space<vmem>>
    %dma_start3A_211 = arith.constant 0 : i32
    %dma_start3A_212 = arith.constant 0 : i32
    %dma_start3A_213 = tpu.memref_slice %arg4[%add3A_207, %dma_start3A_211, %dma_start3A_212] : memref<16384x50x64xf32, #tpu.memory_space<hbm>> -> memref<1x50x64xf32, #tpu.memory_space<hbm>>
    %dma_start3A_214 = tpu.memref_squeeze %dma_start3A_213 : memref<1x50x64xf32, #tpu.memory_space<hbm>> -> memref<50x64xf32, #tpu.memory_space<hbm>>
    %dma_start3A_215 = arith.constant 0 : i32
    %dma_start3A_216 = arith.constant 0 : i32
    %dma_start3A_217 = tpu.memref_slice %arg4[%add3A_207, %dma_start3A_215, %dma_start3A_216] : memref<16384x50x64xf32, #tpu.memory_space<hbm>> -> memref<1x50x64xf32, #tpu.memory_space<hbm>>
    %dma_start3A_218 = tpu.memref_squeeze %dma_start3A_217 : memref<1x50x64xf32, #tpu.memory_space<hbm>> -> memref<50x64xf32, #tpu.memory_space<hbm>>
    %dma_start3A_219 = arith.constant 0 : i32
    %dma_start3A_220 = arith.constant 0 : i32
    %dma_start3A_221 = tpu.memref_slice %arg12[%dma_start3A_219, %dma_start3A_220] : memref<100x64xf32, #tpu.memory_space<vmem>> -> memref<50x64xf32, #tpu.memory_space<vmem>>
    tpu.enqueue_dma source(%dma_start3A_221 : memref<50x64xf32, #tpu.memory_space<vmem>>) target(%dma_start3A_218 : memref<50x64xf32, #tpu.memory_space<hbm>>) target_semaphore(%arg28 : memref<!tpu.dma_semaphore, #tpu.memory_space<semaphore_mem>>)
    %add3A_222 = arith.constant 12 : i32
    %add3A_223 = arith.addi %mul3A_2, %add3A_222 : i32
    %add3A_224 = arith.constant 1 : i32
    %add3A_225 = arith.addi %add3A_223, %add3A_224 : i32
    %dma_start3A_226 = arith.constant 50 : i32
    %dma_start3A_227 = arith.constant 0 : i32
    %dma_start3A_228 = tpu.memref_slice %arg12[%dma_start3A_226, %dma_start3A_227] : memref<100x64xf32, #tpu.memory_space<vmem>> -> memref<50x64xf32, #tpu.memory_space<vmem>>
    %dma_start3A_229 = arith.constant 0 : i32
    %dma_start3A_230 = arith.constant 0 : i32
    %dma_start3A_231 = tpu.memref_slice %arg4[%add3A_225, %dma_start3A_229, %dma_start3A_230] : memref<16384x50x64xf32, #tpu.memory_space<hbm>> -> memref<1x50x64xf32, #tpu.memory_space<hbm>>
    %dma_start3A_232 = tpu.memref_squeeze %dma_start3A_231 : memref<1x50x64xf32, #tpu.memory_space<hbm>> -> memref<50x64xf32, #tpu.memory_space<hbm>>
    %dma_start3A_233 = arith.constant 0 : i32
    %dma_start3A_234 = arith.constant 0 : i32
    %dma_start3A_235 = tpu.memref_slice %arg4[%add3A_225, %dma_start3A_233, %dma_start3A_234] : memref<16384x50x64xf32, #tpu.memory_space<hbm>> -> memref<1x50x64xf32, #tpu.memory_space<hbm>>
    %dma_start3A_236 = tpu.memref_squeeze %dma_start3A_235 : memref<1x50x64xf32, #tpu.memory_space<hbm>> -> memref<50x64xf32, #tpu.memory_space<hbm>>
    %dma_start3A_237 = arith.constant 50 : i32
    %dma_start3A_238 = arith.constant 0 : i32
    %dma_start3A_239 = tpu.memref_slice %arg12[%dma_start3A_237, %dma_start3A_238] : memref<100x64xf32, #tpu.memory_space<vmem>> -> memref<50x64xf32, #tpu.memory_space<vmem>>
    tpu.enqueue_dma source(%dma_start3A_239 : memref<50x64xf32, #tpu.memory_space<vmem>>) target(%dma_start3A_236 : memref<50x64xf32, #tpu.memory_space<hbm>>) target_semaphore(%arg28 : memref<!tpu.dma_semaphore, #tpu.memory_space<semaphore_mem>>)
    %add3A_240 = arith.constant 14 : i32
    %add3A_241 = arith.addi %mul3A_2, %add3A_240 : i32
    %dma_start3A_242 = arith.constant 0 : i32
    %dma_start3A_243 = arith.constant 0 : i32
    %dma_start3A_244 = tpu.memref_slice %arg13[%dma_start3A_242, %dma_start3A_243] : memref<100x64xf32, #tpu.memory_space<vmem>> -> memref<50x64xf32, #tpu.memory_space<vmem>>
    %dma_start3A_245 = arith.constant 0 : i32
    %dma_start3A_246 = arith.constant 0 : i32
    %dma_start3A_247 = tpu.memref_slice %arg4[%add3A_241, %dma_start3A_245, %dma_start3A_246] : memref<16384x50x64xf32, #tpu.memory_space<hbm>> -> memref<1x50x64xf32, #tpu.memory_space<hbm>>
    %dma_start3A_248 = tpu.memref_squeeze %dma_start3A_247 : memref<1x50x64xf32, #tpu.memory_space<hbm>> -> memref<50x64xf32, #tpu.memory_space<hbm>>
    %dma_start3A_249 = arith.constant 0 : i32
    %dma_start3A_250 = arith.constant 0 : i32
    %dma_start3A_251 = tpu.memref_slice %arg4[%add3A_241, %dma_start3A_249, %dma_start3A_250] : memref<16384x50x64xf32, #tpu.memory_space<hbm>> -> memref<1x50x64xf32, #tpu.memory_space<hbm>>
    %dma_start3A_252 = tpu.memref_squeeze %dma_start3A_251 : memref<1x50x64xf32, #tpu.memory_space<hbm>> -> memref<50x64xf32, #tpu.memory_space<hbm>>
    %dma_start3A_253 = arith.constant 0 : i32
    %dma_start3A_254 = arith.constant 0 : i32
    %dma_start3A_255 = tpu.memref_slice %arg13[%dma_start3A_253, %dma_start3A_254] : memref<100x64xf32, #tpu.memory_space<vmem>> -> memref<50x64xf32, #tpu.memory_space<vmem>>
    tpu.enqueue_dma source(%dma_start3A_255 : memref<50x64xf32, #tpu.memory_space<vmem>>) target(%dma_start3A_252 : memref<50x64xf32, #tpu.memory_space<hbm>>) target_semaphore(%arg29 : memref<!tpu.dma_semaphore, #tpu.memory_space<semaphore_mem>>)
    %add3A_256 = arith.constant 14 : i32
    %add3A_257 = arith.addi %mul3A_2, %add3A_256 : i32
    %add3A_258 = arith.constant 1 : i32
    %add3A_259 = arith.addi %add3A_257, %add3A_258 : i32
    %dma_start3A_260 = arith.constant 50 : i32
    %dma_start3A_261 = arith.constant 0 : i32
    %dma_start3A_262 = tpu.memref_slice %arg13[%dma_start3A_260, %dma_start3A_261] : memref<100x64xf32, #tpu.memory_space<vmem>> -> memref<50x64xf32, #tpu.memory_space<vmem>>
    %dma_start3A_263 = arith.constant 0 : i32
    %dma_start3A_264 = arith.constant 0 : i32
    %dma_start3A_265 = tpu.memref_slice %arg4[%add3A_259, %dma_start3A_263, %dma_start3A_264] : memref<16384x50x64xf32, #tpu.memory_space<hbm>> -> memref<1x50x64xf32, #tpu.memory_space<hbm>>
    %dma_start3A_266 = tpu.memref_squeeze %dma_start3A_265 : memref<1x50x64xf32, #tpu.memory_space<hbm>> -> memref<50x64xf32, #tpu.memory_space<hbm>>
    %dma_start3A_267 = arith.constant 0 : i32
    %dma_start3A_268 = arith.constant 0 : i32
    %dma_start3A_269 = tpu.memref_slice %arg4[%add3A_259, %dma_start3A_267, %dma_start3A_268] : memref<16384x50x64xf32, #tpu.memory_space<hbm>> -> memref<1x50x64xf32, #tpu.memory_space<hbm>>
    %dma_start3A_270 = tpu.memref_squeeze %dma_start3A_269 : memref<1x50x64xf32, #tpu.memory_space<hbm>> -> memref<50x64xf32, #tpu.memory_space<hbm>>
    %dma_start3A_271 = arith.constant 50 : i32
    %dma_start3A_272 = arith.constant 0 : i32
    %dma_start3A_273 = tpu.memref_slice %arg13[%dma_start3A_271, %dma_start3A_272] : memref<100x64xf32, #tpu.memory_space<vmem>> -> memref<50x64xf32, #tpu.memory_space<vmem>>
    tpu.enqueue_dma source(%dma_start3A_273 : memref<50x64xf32, #tpu.memory_space<vmem>>) target(%dma_start3A_270 : memref<50x64xf32, #tpu.memory_space<hbm>>) target_semaphore(%arg29 : memref<!tpu.dma_semaphore, #tpu.memory_space<semaphore_mem>>)
    %scan3A = arith.constant 0 : i32
    %scan3A_274 = arith.constant 0 : i32
    %scan3A_275 = arith.constant 32 : i32
    %scan3A_276 = arith.addi %scan3A_274, %scan3A_275 : i32
    %scan3A_277 = arith.constant 1 : i32
    scf.for %scan3A_550 = %scan3A_274 to %scan3A_276 step %scan3A_277  : i32 {
      %mul3A_551 = arith.constant 8 : i32
      %mul3A_552 = arith.muli %scan3A_550, %mul3A_551 : i32
      %add3A_553 = arith.constant 0 : i32
      %add3A_554 = arith.addi %mul3A_552, %add3A_553 : i32
      %mul3A_555 = arith.constant 2 : i32
      %mul3A_556 = arith.muli %mul3A_555, %add3A_554 : i32
      %add3A_557 = arith.addi %mul3A_2, %mul3A_556 : i32
      %dma_wait3A_558 = arith.constant 0 : i32
      %dma_wait3A_559 = arith.constant 0 : i32
      %dma_wait3A_560 = tpu.memref_slice %arg6[%dma_wait3A_558, %dma_wait3A_559] : memref<100x64xf32, #tpu.memory_space<vmem>> -> memref<50x64xf32, #tpu.memory_space<vmem>>
      %dma_wait3A_561 = arith.constant 0 : i32
      %dma_wait3A_562 = arith.constant 0 : i32
      %dma_wait3A_563 = tpu.memref_slice %arg4[%add3A_557, %dma_wait3A_561, %dma_wait3A_562] : memref<16384x50x64xf32, #tpu.memory_space<hbm>> -> memref<1x50x64xf32, #tpu.memory_space<hbm>>
      %dma_wait3A_564 = tpu.memref_squeeze %dma_wait3A_563 : memref<1x50x64xf32, #tpu.memory_space<hbm>> -> memref<50x64xf32, #tpu.memory_space<hbm>>
      %dma_wait3A_565 = arith.constant 0 : i32
      %dma_wait3A_566 = arith.constant 0 : i32
      %dma_wait3A_567 = tpu.memref_slice %arg4[%add3A_557, %dma_wait3A_565, %dma_wait3A_566] : memref<16384x50x64xf32, #tpu.memory_space<hbm>> -> memref<1x50x64xf32, #tpu.memory_space<hbm>>
      %dma_wait3A_568 = tpu.memref_squeeze %dma_wait3A_567 : memref<1x50x64xf32, #tpu.memory_space<hbm>> -> memref<50x64xf32, #tpu.memory_space<hbm>>
      %dma_wait3A_569 = arith.constant 0 : i32
      %dma_wait3A_570 = arith.constant 0 : i32
      %dma_wait3A_571 = tpu.memref_slice %arg6[%dma_wait3A_569, %dma_wait3A_570] : memref<100x64xf32, #tpu.memory_space<vmem>> -> memref<50x64xf32, #tpu.memory_space<vmem>>
      tpu.wait_dma2 semaphore(%arg22 : memref<!tpu.dma_semaphore, #tpu.memory_space<semaphore_mem>>) src(%dma_wait3A_571 : memref<50x64xf32, #tpu.memory_space<vmem>>) dst(%dma_wait3A_568 : memref<50x64xf32, #tpu.memory_space<hbm>>)
      %mul3A_572 = arith.constant 2 : i32
      %mul3A_573 = arith.muli %mul3A_572, %add3A_554 : i32
      %add3A_574 = arith.addi %mul3A_2, %mul3A_573 : i32
      %add3A_575 = arith.constant 1 : i32
      %add3A_576 = arith.addi %add3A_574, %add3A_575 : i32
      %dma_wait3A_577 = arith.constant 50 : i32
      %dma_wait3A_578 = arith.constant 0 : i32
      %dma_wait3A_579 = tpu.memref_slice %arg6[%dma_wait3A_577, %dma_wait3A_578] : memref<100x64xf32, #tpu.memory_space<vmem>> -> memref<50x64xf32, #tpu.memory_space<vmem>>
      %dma_wait3A_580 = arith.constant 0 : i32
      %dma_wait3A_581 = arith.constant 0 : i32
      %dma_wait3A_582 = tpu.memref_slice %arg4[%add3A_576, %dma_wait3A_580, %dma_wait3A_581] : memref<16384x50x64xf32, #tpu.memory_space<hbm>> -> memref<1x50x64xf32, #tpu.memory_space<hbm>>
      %dma_wait3A_583 = tpu.memref_squeeze %dma_wait3A_582 : memref<1x50x64xf32, #tpu.memory_space<hbm>> -> memref<50x64xf32, #tpu.memory_space<hbm>>
      %dma_wait3A_584 = arith.constant 0 : i32
      %dma_wait3A_585 = arith.constant 0 : i32
      %dma_wait3A_586 = tpu.memref_slice %arg4[%add3A_576, %dma_wait3A_584, %dma_wait3A_585] : memref<16384x50x64xf32, #tpu.memory_space<hbm>> -> memref<1x50x64xf32, #tpu.memory_space<hbm>>
      %dma_wait3A_587 = tpu.memref_squeeze %dma_wait3A_586 : memref<1x50x64xf32, #tpu.memory_space<hbm>> -> memref<50x64xf32, #tpu.memory_space<hbm>>
      %dma_wait3A_588 = arith.constant 50 : i32
      %dma_wait3A_589 = arith.constant 0 : i32
      %dma_wait3A_590 = tpu.memref_slice %arg6[%dma_wait3A_588, %dma_wait3A_589] : memref<100x64xf32, #tpu.memory_space<vmem>> -> memref<50x64xf32, #tpu.memory_space<vmem>>
      tpu.wait_dma2 semaphore(%arg22 : memref<!tpu.dma_semaphore, #tpu.memory_space<semaphore_mem>>) src(%dma_wait3A_590 : memref<50x64xf32, #tpu.memory_space<vmem>>) dst(%dma_wait3A_587 : memref<50x64xf32, #tpu.memory_space<hbm>>)
      %add3A_591 = arith.constant 0 : i32
      %add3A_592 = arith.addi %mul3A_552, %add3A_591 : i32
      %dma_start3A_593 = arith.constant 0 : i32
      %dma_start3A_594 = tpu.memref_slice %arg5[%add3A_592, %dma_start3A_593] : memref<256x100xi32, #tpu.memory_space<vmem>> -> memref<1x100xi32, #tpu.memory_space<vmem>>
      %dma_start3A_595 = tpu.memref_squeeze %dma_start3A_594 : memref<1x100xi32, #tpu.memory_space<vmem>> -> memref<100xi32, #tpu.memory_space<vmem>>
      %dma_start3A_596 = arith.constant 0 : i32
      %dma_start3A_597 = arith.constant 0 : i32
      %dma_start3A_598 = tpu.memref_slice %arg2[%dma_start3A_596, %dma_start3A_597] : memref<1000000x64xf32, #tpu.memory_space<hbm>> -> memref<1000000x64xf32, #tpu.memory_space<hbm>>
      tpu.enqueue_indirect_dma source(%dma_start3A_598 : memref<1000000x64xf32, #tpu.memory_space<hbm>>) target(%arg6 : memref<100x64xf32, #tpu.memory_space<vmem>>) offsets(%dma_start3A_595 : memref<100xi32, #tpu.memory_space<vmem>>) semaphore(%arg14 : memref<!tpu.dma_semaphore, #tpu.memory_space<semaphore_mem>>)
      %add3A_599 = arith.constant 1 : i32
      %add3A_600 = arith.addi %mul3A_552, %add3A_599 : i32
      %mul3A_601 = arith.constant 2 : i32
      %mul3A_602 = arith.muli %mul3A_601, %add3A_600 : i32
      %add3A_603 = arith.addi %mul3A_2, %mul3A_602 : i32
      %dma_wait3A_604 = arith.constant 0 : i32
      %dma_wait3A_605 = arith.constant 0 : i32
      %dma_wait3A_606 = tpu.memref_slice %arg7[%dma_wait3A_604, %dma_wait3A_605] : memref<100x64xf32, #tpu.memory_space<vmem>> -> memref<50x64xf32, #tpu.memory_space<vmem>>
      %dma_wait3A_607 = arith.constant 0 : i32
      %dma_wait3A_608 = arith.constant 0 : i32
      %dma_wait3A_609 = tpu.memref_slice %arg4[%add3A_603, %dma_wait3A_607, %dma_wait3A_608] : memref<16384x50x64xf32, #tpu.memory_space<hbm>> -> memref<1x50x64xf32, #tpu.memory_space<hbm>>
      %dma_wait3A_610 = tpu.memref_squeeze %dma_wait3A_609 : memref<1x50x64xf32, #tpu.memory_space<hbm>> -> memref<50x64xf32, #tpu.memory_space<hbm>>
      %dma_wait3A_611 = arith.constant 0 : i32
      %dma_wait3A_612 = arith.constant 0 : i32
      %dma_wait3A_613 = tpu.memref_slice %arg4[%add3A_603, %dma_wait3A_611, %dma_wait3A_612] : memref<16384x50x64xf32, #tpu.memory_space<hbm>> -> memref<1x50x64xf32, #tpu.memory_space<hbm>>
      %dma_wait3A_614 = tpu.memref_squeeze %dma_wait3A_613 : memref<1x50x64xf32, #tpu.memory_space<hbm>> -> memref<50x64xf32, #tpu.memory_space<hbm>>
      %dma_wait3A_615 = arith.constant 0 : i32
      %dma_wait3A_616 = arith.constant 0 : i32
      %dma_wait3A_617 = tpu.memref_slice %arg7[%dma_wait3A_615, %dma_wait3A_616] : memref<100x64xf32, #tpu.memory_space<vmem>> -> memref<50x64xf32, #tpu.memory_space<vmem>>
      tpu.wait_dma2 semaphore(%arg23 : memref<!tpu.dma_semaphore, #tpu.memory_space<semaphore_mem>>) src(%dma_wait3A_617 : memref<50x64xf32, #tpu.memory_space<vmem>>) dst(%dma_wait3A_614 : memref<50x64xf32, #tpu.memory_space<hbm>>)
      %mul3A_618 = arith.constant 2 : i32
      %mul3A_619 = arith.muli %mul3A_618, %add3A_600 : i32
      %add3A_620 = arith.addi %mul3A_2, %mul3A_619 : i32
      %add3A_621 = arith.constant 1 : i32
      %add3A_622 = arith.addi %add3A_620, %add3A_621 : i32
      %dma_wait3A_623 = arith.constant 50 : i32
      %dma_wait3A_624 = arith.constant 0 : i32
      %dma_wait3A_625 = tpu.memref_slice %arg7[%dma_wait3A_623, %dma_wait3A_624] : memref<100x64xf32, #tpu.memory_space<vmem>> -> memref<50x64xf32, #tpu.memory_space<vmem>>
      %dma_wait3A_626 = arith.constant 0 : i32
      %dma_wait3A_627 = arith.constant 0 : i32
      %dma_wait3A_628 = tpu.memref_slice %arg4[%add3A_622, %dma_wait3A_626, %dma_wait3A_627] : memref<16384x50x64xf32, #tpu.memory_space<hbm>> -> memref<1x50x64xf32, #tpu.memory_space<hbm>>
      %dma_wait3A_629 = tpu.memref_squeeze %dma_wait3A_628 : memref<1x50x64xf32, #tpu.memory_space<hbm>> -> memref<50x64xf32, #tpu.memory_space<hbm>>
      %dma_wait3A_630 = arith.constant 0 : i32
      %dma_wait3A_631 = arith.constant 0 : i32
      %dma_wait3A_632 = tpu.memref_slice %arg4[%add3A_622, %dma_wait3A_630, %dma_wait3A_631] : memref<16384x50x64xf32, #tpu.memory_space<hbm>> -> memref<1x50x64xf32, #tpu.memory_space<hbm>>
      %dma_wait3A_633 = tpu.memref_squeeze %dma_wait3A_632 : memref<1x50x64xf32, #tpu.memory_space<hbm>> -> memref<50x64xf32, #tpu.memory_space<hbm>>
      %dma_wait3A_634 = arith.constant 50 : i32
      %dma_wait3A_635 = arith.constant 0 : i32
      %dma_wait3A_636 = tpu.memref_slice %arg7[%dma_wait3A_634, %dma_wait3A_635] : memref<100x64xf32, #tpu.memory_space<vmem>> -> memref<50x64xf32, #tpu.memory_space<vmem>>
      tpu.wait_dma2 semaphore(%arg23 : memref<!tpu.dma_semaphore, #tpu.memory_space<semaphore_mem>>) src(%dma_wait3A_636 : memref<50x64xf32, #tpu.memory_space<vmem>>) dst(%dma_wait3A_633 : memref<50x64xf32, #tpu.memory_space<hbm>>)
      %add3A_637 = arith.constant 1 : i32
      %add3A_638 = arith.addi %mul3A_552, %add3A_637 : i32
      %dma_start3A_639 = arith.constant 0 : i32
      %dma_start3A_640 = tpu.memref_slice %arg5[%add3A_638, %dma_start3A_639] : memref<256x100xi32, #tpu.memory_space<vmem>> -> memref<1x100xi32, #tpu.memory_space<vmem>>
      %dma_start3A_641 = tpu.memref_squeeze %dma_start3A_640 : memref<1x100xi32, #tpu.memory_space<vmem>> -> memref<100xi32, #tpu.memory_space<vmem>>
      %dma_start3A_642 = arith.constant 0 : i32
      %dma_start3A_643 = arith.constant 0 : i32
      %dma_start3A_644 = tpu.memref_slice %arg2[%dma_start3A_642, %dma_start3A_643] : memref<1000000x64xf32, #tpu.memory_space<hbm>> -> memref<1000000x64xf32, #tpu.memory_space<hbm>>
      tpu.enqueue_indirect_dma source(%dma_start3A_644 : memref<1000000x64xf32, #tpu.memory_space<hbm>>) target(%arg7 : memref<100x64xf32, #tpu.memory_space<vmem>>) offsets(%dma_start3A_641 : memref<100xi32, #tpu.memory_space<vmem>>) semaphore(%arg15 : memref<!tpu.dma_semaphore, #tpu.memory_space<semaphore_mem>>)
      %add3A_645 = arith.constant 2 : i32
      %add3A_646 = arith.addi %mul3A_552, %add3A_645 : i32
      %mul3A_647 = arith.constant 2 : i32
      %mul3A_648 = arith.muli %mul3A_647, %add3A_646 : i32
      %add3A_649 = arith.addi %mul3A_2, %mul3A_648 : i32
      %dma_wait3A_650 = arith.constant 0 : i32
      %dma_wait3A_651 = arith.constant 0 : i32
      %dma_wait3A_652 = tpu.memref_slice %arg8[%dma_wait3A_650, %dma_wait3A_651] : memref<100x64xf32, #tpu.memory_space<vmem>> -> memref<50x64xf32, #tpu.memory_space<vmem>>
      %dma_wait3A_653 = arith.constant 0 : i32
      %dma_wait3A_654 = arith.constant 0 : i32
      %dma_wait3A_655 = tpu.memref_slice %arg4[%add3A_649, %dma_wait3A_653, %dma_wait3A_654] : memref<16384x50x64xf32, #tpu.memory_space<hbm>> -> memref<1x50x64xf32, #tpu.memory_space<hbm>>
      %dma_wait3A_656 = tpu.memref_squeeze %dma_wait3A_655 : memref<1x50x64xf32, #tpu.memory_space<hbm>> -> memref<50x64xf32, #tpu.memory_space<hbm>>
      %dma_wait3A_657 = arith.constant 0 : i32
      %dma_wait3A_658 = arith.constant 0 : i32
      %dma_wait3A_659 = tpu.memref_slice %arg4[%add3A_649, %dma_wait3A_657, %dma_wait3A_658] : memref<16384x50x64xf32, #tpu.memory_space<hbm>> -> memref<1x50x64xf32, #tpu.memory_space<hbm>>
      %dma_wait3A_660 = tpu.memref_squeeze %dma_wait3A_659 : memref<1x50x64xf32, #tpu.memory_space<hbm>> -> memref<50x64xf32, #tpu.memory_space<hbm>>
      %dma_wait3A_661 = arith.constant 0 : i32
      %dma_wait3A_662 = arith.constant 0 : i32
      %dma_wait3A_663 = tpu.memref_slice %arg8[%dma_wait3A_661, %dma_wait3A_662] : memref<100x64xf32, #tpu.memory_space<vmem>> -> memref<50x64xf32, #tpu.memory_space<vmem>>
      tpu.wait_dma2 semaphore(%arg24 : memref<!tpu.dma_semaphore, #tpu.memory_space<semaphore_mem>>) src(%dma_wait3A_663 : memref<50x64xf32, #tpu.memory_space<vmem>>) dst(%dma_wait3A_660 : memref<50x64xf32, #tpu.memory_space<hbm>>)
      %mul3A_664 = arith.constant 2 : i32
      %mul3A_665 = arith.muli %mul3A_664, %add3A_646 : i32
      %add3A_666 = arith.addi %mul3A_2, %mul3A_665 : i32
      %add3A_667 = arith.constant 1 : i32
      %add3A_668 = arith.addi %add3A_666, %add3A_667 : i32
      %dma_wait3A_669 = arith.constant 50 : i32
      %dma_wait3A_670 = arith.constant 0 : i32
      %dma_wait3A_671 = tpu.memref_slice %arg8[%dma_wait3A_669, %dma_wait3A_670] : memref<100x64xf32, #tpu.memory_space<vmem>> -> memref<50x64xf32, #tpu.memory_space<vmem>>
      %dma_wait3A_672 = arith.constant 0 : i32
      %dma_wait3A_673 = arith.constant 0 : i32
      %dma_wait3A_674 = tpu.memref_slice %arg4[%add3A_668, %dma_wait3A_672, %dma_wait3A_673] : memref<16384x50x64xf32, #tpu.memory_space<hbm>> -> memref<1x50x64xf32, #tpu.memory_space<hbm>>
      %dma_wait3A_675 = tpu.memref_squeeze %dma_wait3A_674 : memref<1x50x64xf32, #tpu.memory_space<hbm>> -> memref<50x64xf32, #tpu.memory_space<hbm>>
      %dma_wait3A_676 = arith.constant 0 : i32
      %dma_wait3A_677 = arith.constant 0 : i32
      %dma_wait3A_678 = tpu.memref_slice %arg4[%add3A_668, %dma_wait3A_676, %dma_wait3A_677] : memref<16384x50x64xf32, #tpu.memory_space<hbm>> -> memref<1x50x64xf32, #tpu.memory_space<hbm>>
      %dma_wait3A_679 = tpu.memref_squeeze %dma_wait3A_678 : memref<1x50x64xf32, #tpu.memory_space<hbm>> -> memref<50x64xf32, #tpu.memory_space<hbm>>
      %dma_wait3A_680 = arith.constant 50 : i32
      %dma_wait3A_681 = arith.constant 0 : i32
      %dma_wait3A_682 = tpu.memref_slice %arg8[%dma_wait3A_680, %dma_wait3A_681] : memref<100x64xf32, #tpu.memory_space<vmem>> -> memref<50x64xf32, #tpu.memory_space<vmem>>
      tpu.wait_dma2 semaphore(%arg24 : memref<!tpu.dma_semaphore, #tpu.memory_space<semaphore_mem>>) src(%dma_wait3A_682 : memref<50x64xf32, #tpu.memory_space<vmem>>) dst(%dma_wait3A_679 : memref<50x64xf32, #tpu.memory_space<hbm>>)
      %add3A_683 = arith.constant 2 : i32
      %add3A_684 = arith.addi %mul3A_552, %add3A_683 : i32
      %dma_start3A_685 = arith.constant 0 : i32
      %dma_start3A_686 = tpu.memref_slice %arg5[%add3A_684, %dma_start3A_685] : memref<256x100xi32, #tpu.memory_space<vmem>> -> memref<1x100xi32, #tpu.memory_space<vmem>>
      %dma_start3A_687 = tpu.memref_squeeze %dma_start3A_686 : memref<1x100xi32, #tpu.memory_space<vmem>> -> memref<100xi32, #tpu.memory_space<vmem>>
      %dma_start3A_688 = arith.constant 0 : i32
      %dma_start3A_689 = arith.constant 0 : i32
      %dma_start3A_690 = tpu.memref_slice %arg2[%dma_start3A_688, %dma_start3A_689] : memref<1000000x64xf32, #tpu.memory_space<hbm>> -> memref<1000000x64xf32, #tpu.memory_space<hbm>>
      tpu.enqueue_indirect_dma source(%dma_start3A_690 : memref<1000000x64xf32, #tpu.memory_space<hbm>>) target(%arg8 : memref<100x64xf32, #tpu.memory_space<vmem>>) offsets(%dma_start3A_687 : memref<100xi32, #tpu.memory_space<vmem>>) semaphore(%arg16 : memref<!tpu.dma_semaphore, #tpu.memory_space<semaphore_mem>>)
      %add3A_691 = arith.constant 3 : i32
      %add3A_692 = arith.addi %mul3A_552, %add3A_691 : i32
      %mul3A_693 = arith.constant 2 : i32
      %mul3A_694 = arith.muli %mul3A_693, %add3A_692 : i32
      %add3A_695 = arith.addi %mul3A_2, %mul3A_694 : i32
      %dma_wait3A_696 = arith.constant 0 : i32
      %dma_wait3A_697 = arith.constant 0 : i32
      %dma_wait3A_698 = tpu.memref_slice %arg9[%dma_wait3A_696, %dma_wait3A_697] : memref<100x64xf32, #tpu.memory_space<vmem>> -> memref<50x64xf32, #tpu.memory_space<vmem>>
      %dma_wait3A_699 = arith.constant 0 : i32
      %dma_wait3A_700 = arith.constant 0 : i32
      %dma_wait3A_701 = tpu.memref_slice %arg4[%add3A_695, %dma_wait3A_699, %dma_wait3A_700] : memref<16384x50x64xf32, #tpu.memory_space<hbm>> -> memref<1x50x64xf32, #tpu.memory_space<hbm>>
      %dma_wait3A_702 = tpu.memref_squeeze %dma_wait3A_701 : memref<1x50x64xf32, #tpu.memory_space<hbm>> -> memref<50x64xf32, #tpu.memory_space<hbm>>
      %dma_wait3A_703 = arith.constant 0 : i32
      %dma_wait3A_704 = arith.constant 0 : i32
      %dma_wait3A_705 = tpu.memref_slice %arg4[%add3A_695, %dma_wait3A_703, %dma_wait3A_704] : memref<16384x50x64xf32, #tpu.memory_space<hbm>> -> memref<1x50x64xf32, #tpu.memory_space<hbm>>
      %dma_wait3A_706 = tpu.memref_squeeze %dma_wait3A_705 : memref<1x50x64xf32, #tpu.memory_space<hbm>> -> memref<50x64xf32, #tpu.memory_space<hbm>>
      %dma_wait3A_707 = arith.constant 0 : i32
      %dma_wait3A_708 = arith.constant 0 : i32
      %dma_wait3A_709 = tpu.memref_slice %arg9[%dma_wait3A_707, %dma_wait3A_708] : memref<100x64xf32, #tpu.memory_space<vmem>> -> memref<50x64xf32, #tpu.memory_space<vmem>>
      tpu.wait_dma2 semaphore(%arg25 : memref<!tpu.dma_semaphore, #tpu.memory_space<semaphore_mem>>) src(%dma_wait3A_709 : memref<50x64xf32, #tpu.memory_space<vmem>>) dst(%dma_wait3A_706 : memref<50x64xf32, #tpu.memory_space<hbm>>)
      %mul3A_710 = arith.constant 2 : i32
      %mul3A_711 = arith.muli %mul3A_710, %add3A_692 : i32
      %add3A_712 = arith.addi %mul3A_2, %mul3A_711 : i32
      %add3A_713 = arith.constant 1 : i32
      %add3A_714 = arith.addi %add3A_712, %add3A_713 : i32
      %dma_wait3A_715 = arith.constant 50 : i32
      %dma_wait3A_716 = arith.constant 0 : i32
      %dma_wait3A_717 = tpu.memref_slice %arg9[%dma_wait3A_715, %dma_wait3A_716] : memref<100x64xf32, #tpu.memory_space<vmem>> -> memref<50x64xf32, #tpu.memory_space<vmem>>
      %dma_wait3A_718 = arith.constant 0 : i32
      %dma_wait3A_719 = arith.constant 0 : i32
      %dma_wait3A_720 = tpu.memref_slice %arg4[%add3A_714, %dma_wait3A_718, %dma_wait3A_719] : memref<16384x50x64xf32, #tpu.memory_space<hbm>> -> memref<1x50x64xf32, #tpu.memory_space<hbm>>
      %dma_wait3A_721 = tpu.memref_squeeze %dma_wait3A_720 : memref<1x50x64xf32, #tpu.memory_space<hbm>> -> memref<50x64xf32, #tpu.memory_space<hbm>>
      %dma_wait3A_722 = arith.constant 0 : i32
      %dma_wait3A_723 = arith.constant 0 : i32
      %dma_wait3A_724 = tpu.memref_slice %arg4[%add3A_714, %dma_wait3A_722, %dma_wait3A_723] : memref<16384x50x64xf32, #tpu.memory_space<hbm>> -> memref<1x50x64xf32, #tpu.memory_space<hbm>>
      %dma_wait3A_725 = tpu.memref_squeeze %dma_wait3A_724 : memref<1x50x64xf32, #tpu.memory_space<hbm>> -> memref<50x64xf32, #tpu.memory_space<hbm>>
      %dma_wait3A_726 = arith.constant 50 : i32
      %dma_wait3A_727 = arith.constant 0 : i32
      %dma_wait3A_728 = tpu.memref_slice %arg9[%dma_wait3A_726, %dma_wait3A_727] : memref<100x64xf32, #tpu.memory_space<vmem>> -> memref<50x64xf32, #tpu.memory_space<vmem>>
      tpu.wait_dma2 semaphore(%arg25 : memref<!tpu.dma_semaphore, #tpu.memory_space<semaphore_mem>>) src(%dma_wait3A_728 : memref<50x64xf32, #tpu.memory_space<vmem>>) dst(%dma_wait3A_725 : memref<50x64xf32, #tpu.memory_space<hbm>>)
      %add3A_729 = arith.constant 3 : i32
      %add3A_730 = arith.addi %mul3A_552, %add3A_729 : i32
      %dma_start3A_731 = arith.constant 0 : i32
      %dma_start3A_732 = tpu.memref_slice %arg5[%add3A_730, %dma_start3A_731] : memref<256x100xi32, #tpu.memory_space<vmem>> -> memref<1x100xi32, #tpu.memory_space<vmem>>
      %dma_start3A_733 = tpu.memref_squeeze %dma_start3A_732 : memref<1x100xi32, #tpu.memory_space<vmem>> -> memref<100xi32, #tpu.memory_space<vmem>>
      %dma_start3A_734 = arith.constant 0 : i32
      %dma_start3A_735 = arith.constant 0 : i32
      %dma_start3A_736 = tpu.memref_slice %arg2[%dma_start3A_734, %dma_start3A_735] : memref<1000000x64xf32, #tpu.memory_space<hbm>> -> memref<1000000x64xf32, #tpu.memory_space<hbm>>
      tpu.enqueue_indirect_dma source(%dma_start3A_736 : memref<1000000x64xf32, #tpu.memory_space<hbm>>) target(%arg9 : memref<100x64xf32, #tpu.memory_space<vmem>>) offsets(%dma_start3A_733 : memref<100xi32, #tpu.memory_space<vmem>>) semaphore(%arg17 : memref<!tpu.dma_semaphore, #tpu.memory_space<semaphore_mem>>)
      %add3A_737 = arith.constant 4 : i32
      %add3A_738 = arith.addi %mul3A_552, %add3A_737 : i32
      %mul3A_739 = arith.constant 2 : i32
      %mul3A_740 = arith.muli %mul3A_739, %add3A_738 : i32
      %add3A_741 = arith.addi %mul3A_2, %mul3A_740 : i32
      %dma_wait3A_742 = arith.constant 0 : i32
      %dma_wait3A_743 = arith.constant 0 : i32
      %dma_wait3A_744 = tpu.memref_slice %arg10[%dma_wait3A_742, %dma_wait3A_743] : memref<100x64xf32, #tpu.memory_space<vmem>> -> memref<50x64xf32, #tpu.memory_space<vmem>>
      %dma_wait3A_745 = arith.constant 0 : i32
      %dma_wait3A_746 = arith.constant 0 : i32
      %dma_wait3A_747 = tpu.memref_slice %arg4[%add3A_741, %dma_wait3A_745, %dma_wait3A_746] : memref<16384x50x64xf32, #tpu.memory_space<hbm>> -> memref<1x50x64xf32, #tpu.memory_space<hbm>>
      %dma_wait3A_748 = tpu.memref_squeeze %dma_wait3A_747 : memref<1x50x64xf32, #tpu.memory_space<hbm>> -> memref<50x64xf32, #tpu.memory_space<hbm>>
      %dma_wait3A_749 = arith.constant 0 : i32
      %dma_wait3A_750 = arith.constant 0 : i32
      %dma_wait3A_751 = tpu.memref_slice %arg4[%add3A_741, %dma_wait3A_749, %dma_wait3A_750] : memref<16384x50x64xf32, #tpu.memory_space<hbm>> -> memref<1x50x64xf32, #tpu.memory_space<hbm>>
      %dma_wait3A_752 = tpu.memref_squeeze %dma_wait3A_751 : memref<1x50x64xf32, #tpu.memory_space<hbm>> -> memref<50x64xf32, #tpu.memory_space<hbm>>
      %dma_wait3A_753 = arith.constant 0 : i32
      %dma_wait3A_754 = arith.constant 0 : i32
      %dma_wait3A_755 = tpu.memref_slice %arg10[%dma_wait3A_753, %dma_wait3A_754] : memref<100x64xf32, #tpu.memory_space<vmem>> -> memref<50x64xf32, #tpu.memory_space<vmem>>
      tpu.wait_dma2 semaphore(%arg26 : memref<!tpu.dma_semaphore, #tpu.memory_space<semaphore_mem>>) src(%dma_wait3A_755 : memref<50x64xf32, #tpu.memory_space<vmem>>) dst(%dma_wait3A_752 : memref<50x64xf32, #tpu.memory_space<hbm>>)
      %mul3A_756 = arith.constant 2 : i32
      %mul3A_757 = arith.muli %mul3A_756, %add3A_738 : i32
      %add3A_758 = arith.addi %mul3A_2, %mul3A_757 : i32
      %add3A_759 = arith.constant 1 : i32
      %add3A_760 = arith.addi %add3A_758, %add3A_759 : i32
      %dma_wait3A_761 = arith.constant 50 : i32
      %dma_wait3A_762 = arith.constant 0 : i32
      %dma_wait3A_763 = tpu.memref_slice %arg10[%dma_wait3A_761, %dma_wait3A_762] : memref<100x64xf32, #tpu.memory_space<vmem>> -> memref<50x64xf32, #tpu.memory_space<vmem>>
      %dma_wait3A_764 = arith.constant 0 : i32
      %dma_wait3A_765 = arith.constant 0 : i32
      %dma_wait3A_766 = tpu.memref_slice %arg4[%add3A_760, %dma_wait3A_764, %dma_wait3A_765] : memref<16384x50x64xf32, #tpu.memory_space<hbm>> -> memref<1x50x64xf32, #tpu.memory_space<hbm>>
      %dma_wait3A_767 = tpu.memref_squeeze %dma_wait3A_766 : memref<1x50x64xf32, #tpu.memory_space<hbm>> -> memref<50x64xf32, #tpu.memory_space<hbm>>
      %dma_wait3A_768 = arith.constant 0 : i32
      %dma_wait3A_769 = arith.constant 0 : i32
      %dma_wait3A_770 = tpu.memref_slice %arg4[%add3A_760, %dma_wait3A_768, %dma_wait3A_769] : memref<16384x50x64xf32, #tpu.memory_space<hbm>> -> memref<1x50x64xf32, #tpu.memory_space<hbm>>
      %dma_wait3A_771 = tpu.memref_squeeze %dma_wait3A_770 : memref<1x50x64xf32, #tpu.memory_space<hbm>> -> memref<50x64xf32, #tpu.memory_space<hbm>>
      %dma_wait3A_772 = arith.constant 50 : i32
      %dma_wait3A_773 = arith.constant 0 : i32
      %dma_wait3A_774 = tpu.memref_slice %arg10[%dma_wait3A_772, %dma_wait3A_773] : memref<100x64xf32, #tpu.memory_space<vmem>> -> memref<50x64xf32, #tpu.memory_space<vmem>>
      tpu.wait_dma2 semaphore(%arg26 : memref<!tpu.dma_semaphore, #tpu.memory_space<semaphore_mem>>) src(%dma_wait3A_774 : memref<50x64xf32, #tpu.memory_space<vmem>>) dst(%dma_wait3A_771 : memref<50x64xf32, #tpu.memory_space<hbm>>)
      %add3A_775 = arith.constant 4 : i32
      %add3A_776 = arith.addi %mul3A_552, %add3A_775 : i32
      %dma_start3A_777 = arith.constant 0 : i32
      %dma_start3A_778 = tpu.memref_slice %arg5[%add3A_776, %dma_start3A_777] : memref<256x100xi32, #tpu.memory_space<vmem>> -> memref<1x100xi32, #tpu.memory_space<vmem>>
      %dma_start3A_779 = tpu.memref_squeeze %dma_start3A_778 : memref<1x100xi32, #tpu.memory_space<vmem>> -> memref<100xi32, #tpu.memory_space<vmem>>
      %dma_start3A_780 = arith.constant 0 : i32
      %dma_start3A_781 = arith.constant 0 : i32
      %dma_start3A_782 = tpu.memref_slice %arg2[%dma_start3A_780, %dma_start3A_781] : memref<1000000x64xf32, #tpu.memory_space<hbm>> -> memref<1000000x64xf32, #tpu.memory_space<hbm>>
      tpu.enqueue_indirect_dma source(%dma_start3A_782 : memref<1000000x64xf32, #tpu.memory_space<hbm>>) target(%arg10 : memref<100x64xf32, #tpu.memory_space<vmem>>) offsets(%dma_start3A_779 : memref<100xi32, #tpu.memory_space<vmem>>) semaphore(%arg18 : memref<!tpu.dma_semaphore, #tpu.memory_space<semaphore_mem>>)
      %add3A_783 = arith.constant 5 : i32
      %add3A_784 = arith.addi %mul3A_552, %add3A_783 : i32
      %mul3A_785 = arith.constant 2 : i32
      %mul3A_786 = arith.muli %mul3A_785, %add3A_784 : i32
      %add3A_787 = arith.addi %mul3A_2, %mul3A_786 : i32
      %dma_wait3A_788 = arith.constant 0 : i32
      %dma_wait3A_789 = arith.constant 0 : i32
      %dma_wait3A_790 = tpu.memref_slice %arg11[%dma_wait3A_788, %dma_wait3A_789] : memref<100x64xf32, #tpu.memory_space<vmem>> -> memref<50x64xf32, #tpu.memory_space<vmem>>
      %dma_wait3A_791 = arith.constant 0 : i32
      %dma_wait3A_792 = arith.constant 0 : i32
      %dma_wait3A_793 = tpu.memref_slice %arg4[%add3A_787, %dma_wait3A_791, %dma_wait3A_792] : memref<16384x50x64xf32, #tpu.memory_space<hbm>> -> memref<1x50x64xf32, #tpu.memory_space<hbm>>
      %dma_wait3A_794 = tpu.memref_squeeze %dma_wait3A_793 : memref<1x50x64xf32, #tpu.memory_space<hbm>> -> memref<50x64xf32, #tpu.memory_space<hbm>>
      %dma_wait3A_795 = arith.constant 0 : i32
      %dma_wait3A_796 = arith.constant 0 : i32
      %dma_wait3A_797 = tpu.memref_slice %arg4[%add3A_787, %dma_wait3A_795, %dma_wait3A_796] : memref<16384x50x64xf32, #tpu.memory_space<hbm>> -> memref<1x50x64xf32, #tpu.memory_space<hbm>>
      %dma_wait3A_798 = tpu.memref_squeeze %dma_wait3A_797 : memref<1x50x64xf32, #tpu.memory_space<hbm>> -> memref<50x64xf32, #tpu.memory_space<hbm>>
      %dma_wait3A_799 = arith.constant 0 : i32
      %dma_wait3A_800 = arith.constant 0 : i32
      %dma_wait3A_801 = tpu.memref_slice %arg11[%dma_wait3A_799, %dma_wait3A_800] : memref<100x64xf32, #tpu.memory_space<vmem>> -> memref<50x64xf32, #tpu.memory_space<vmem>>
      tpu.wait_dma2 semaphore(%arg27 : memref<!tpu.dma_semaphore, #tpu.memory_space<semaphore_mem>>) src(%dma_wait3A_801 : memref<50x64xf32, #tpu.memory_space<vmem>>) dst(%dma_wait3A_798 : memref<50x64xf32, #tpu.memory_space<hbm>>)
      %mul3A_802 = arith.constant 2 : i32
      %mul3A_803 = arith.muli %mul3A_802, %add3A_784 : i32
      %add3A_804 = arith.addi %mul3A_2, %mul3A_803 : i32
      %add3A_805 = arith.constant 1 : i32
      %add3A_806 = arith.addi %add3A_804, %add3A_805 : i32
      %dma_wait3A_807 = arith.constant 50 : i32
      %dma_wait3A_808 = arith.constant 0 : i32
      %dma_wait3A_809 = tpu.memref_slice %arg11[%dma_wait3A_807, %dma_wait3A_808] : memref<100x64xf32, #tpu.memory_space<vmem>> -> memref<50x64xf32, #tpu.memory_space<vmem>>
      %dma_wait3A_810 = arith.constant 0 : i32
      %dma_wait3A_811 = arith.constant 0 : i32
      %dma_wait3A_812 = tpu.memref_slice %arg4[%add3A_806, %dma_wait3A_810, %dma_wait3A_811] : memref<16384x50x64xf32, #tpu.memory_space<hbm>> -> memref<1x50x64xf32, #tpu.memory_space<hbm>>
      %dma_wait3A_813 = tpu.memref_squeeze %dma_wait3A_812 : memref<1x50x64xf32, #tpu.memory_space<hbm>> -> memref<50x64xf32, #tpu.memory_space<hbm>>
      %dma_wait3A_814 = arith.constant 0 : i32
      %dma_wait3A_815 = arith.constant 0 : i32
      %dma_wait3A_816 = tpu.memref_slice %arg4[%add3A_806, %dma_wait3A_814, %dma_wait3A_815] : memref<16384x50x64xf32, #tpu.memory_space<hbm>> -> memref<1x50x64xf32, #tpu.memory_space<hbm>>
      %dma_wait3A_817 = tpu.memref_squeeze %dma_wait3A_816 : memref<1x50x64xf32, #tpu.memory_space<hbm>> -> memref<50x64xf32, #tpu.memory_space<hbm>>
      %dma_wait3A_818 = arith.constant 50 : i32
      %dma_wait3A_819 = arith.constant 0 : i32
      %dma_wait3A_820 = tpu.memref_slice %arg11[%dma_wait3A_818, %dma_wait3A_819] : memref<100x64xf32, #tpu.memory_space<vmem>> -> memref<50x64xf32, #tpu.memory_space<vmem>>
      tpu.wait_dma2 semaphore(%arg27 : memref<!tpu.dma_semaphore, #tpu.memory_space<semaphore_mem>>) src(%dma_wait3A_820 : memref<50x64xf32, #tpu.memory_space<vmem>>) dst(%dma_wait3A_817 : memref<50x64xf32, #tpu.memory_space<hbm>>)
      %add3A_821 = arith.constant 5 : i32
      %add3A_822 = arith.addi %mul3A_552, %add3A_821 : i32
      %dma_start3A_823 = arith.constant 0 : i32
      %dma_start3A_824 = tpu.memref_slice %arg5[%add3A_822, %dma_start3A_823] : memref<256x100xi32, #tpu.memory_space<vmem>> -> memref<1x100xi32, #tpu.memory_space<vmem>>
      %dma_start3A_825 = tpu.memref_squeeze %dma_start3A_824 : memref<1x100xi32, #tpu.memory_space<vmem>> -> memref<100xi32, #tpu.memory_space<vmem>>
      %dma_start3A_826 = arith.constant 0 : i32
      %dma_start3A_827 = arith.constant 0 : i32
      %dma_start3A_828 = tpu.memref_slice %arg2[%dma_start3A_826, %dma_start3A_827] : memref<1000000x64xf32, #tpu.memory_space<hbm>> -> memref<1000000x64xf32, #tpu.memory_space<hbm>>
      tpu.enqueue_indirect_dma source(%dma_start3A_828 : memref<1000000x64xf32, #tpu.memory_space<hbm>>) target(%arg11 : memref<100x64xf32, #tpu.memory_space<vmem>>) offsets(%dma_start3A_825 : memref<100xi32, #tpu.memory_space<vmem>>) semaphore(%arg19 : memref<!tpu.dma_semaphore, #tpu.memory_space<semaphore_mem>>)
      %add3A_829 = arith.constant 6 : i32
      %add3A_830 = arith.addi %mul3A_552, %add3A_829 : i32
      %mul3A_831 = arith.constant 2 : i32
      %mul3A_832 = arith.muli %mul3A_831, %add3A_830 : i32
      %add3A_833 = arith.addi %mul3A_2, %mul3A_832 : i32
      %dma_wait3A_834 = arith.constant 0 : i32
      %dma_wait3A_835 = arith.constant 0 : i32
      %dma_wait3A_836 = tpu.memref_slice %arg12[%dma_wait3A_834, %dma_wait3A_835] : memref<100x64xf32, #tpu.memory_space<vmem>> -> memref<50x64xf32, #tpu.memory_space<vmem>>
      %dma_wait3A_837 = arith.constant 0 : i32
      %dma_wait3A_838 = arith.constant 0 : i32
      %dma_wait3A_839 = tpu.memref_slice %arg4[%add3A_833, %dma_wait3A_837, %dma_wait3A_838] : memref<16384x50x64xf32, #tpu.memory_space<hbm>> -> memref<1x50x64xf32, #tpu.memory_space<hbm>>
      %dma_wait3A_840 = tpu.memref_squeeze %dma_wait3A_839 : memref<1x50x64xf32, #tpu.memory_space<hbm>> -> memref<50x64xf32, #tpu.memory_space<hbm>>
      %dma_wait3A_841 = arith.constant 0 : i32
      %dma_wait3A_842 = arith.constant 0 : i32
      %dma_wait3A_843 = tpu.memref_slice %arg4[%add3A_833, %dma_wait3A_841, %dma_wait3A_842] : memref<16384x50x64xf32, #tpu.memory_space<hbm>> -> memref<1x50x64xf32, #tpu.memory_space<hbm>>
      %dma_wait3A_844 = tpu.memref_squeeze %dma_wait3A_843 : memref<1x50x64xf32, #tpu.memory_space<hbm>> -> memref<50x64xf32, #tpu.memory_space<hbm>>
      %dma_wait3A_845 = arith.constant 0 : i32
      %dma_wait3A_846 = arith.constant 0 : i32
      %dma_wait3A_847 = tpu.memref_slice %arg12[%dma_wait3A_845, %dma_wait3A_846] : memref<100x64xf32, #tpu.memory_space<vmem>> -> memref<50x64xf32, #tpu.memory_space<vmem>>
      tpu.wait_dma2 semaphore(%arg28 : memref<!tpu.dma_semaphore, #tpu.memory_space<semaphore_mem>>) src(%dma_wait3A_847 : memref<50x64xf32, #tpu.memory_space<vmem>>) dst(%dma_wait3A_844 : memref<50x64xf32, #tpu.memory_space<hbm>>)
      %mul3A_848 = arith.constant 2 : i32
      %mul3A_849 = arith.muli %mul3A_848, %add3A_830 : i32
      %add3A_850 = arith.addi %mul3A_2, %mul3A_849 : i32
      %add3A_851 = arith.constant 1 : i32
      %add3A_852 = arith.addi %add3A_850, %add3A_851 : i32
      %dma_wait3A_853 = arith.constant 50 : i32
      %dma_wait3A_854 = arith.constant 0 : i32
      %dma_wait3A_855 = tpu.memref_slice %arg12[%dma_wait3A_853, %dma_wait3A_854] : memref<100x64xf32, #tpu.memory_space<vmem>> -> memref<50x64xf32, #tpu.memory_space<vmem>>
      %dma_wait3A_856 = arith.constant 0 : i32
      %dma_wait3A_857 = arith.constant 0 : i32
      %dma_wait3A_858 = tpu.memref_slice %arg4[%add3A_852, %dma_wait3A_856, %dma_wait3A_857] : memref<16384x50x64xf32, #tpu.memory_space<hbm>> -> memref<1x50x64xf32, #tpu.memory_space<hbm>>
      %dma_wait3A_859 = tpu.memref_squeeze %dma_wait3A_858 : memref<1x50x64xf32, #tpu.memory_space<hbm>> -> memref<50x64xf32, #tpu.memory_space<hbm>>
      %dma_wait3A_860 = arith.constant 0 : i32
      %dma_wait3A_861 = arith.constant 0 : i32
      %dma_wait3A_862 = tpu.memref_slice %arg4[%add3A_852, %dma_wait3A_860, %dma_wait3A_861] : memref<16384x50x64xf32, #tpu.memory_space<hbm>> -> memref<1x50x64xf32, #tpu.memory_space<hbm>>
      %dma_wait3A_863 = tpu.memref_squeeze %dma_wait3A_862 : memref<1x50x64xf32, #tpu.memory_space<hbm>> -> memref<50x64xf32, #tpu.memory_space<hbm>>
      %dma_wait3A_864 = arith.constant 50 : i32
      %dma_wait3A_865 = arith.constant 0 : i32
      %dma_wait3A_866 = tpu.memref_slice %arg12[%dma_wait3A_864, %dma_wait3A_865] : memref<100x64xf32, #tpu.memory_space<vmem>> -> memref<50x64xf32, #tpu.memory_space<vmem>>
      tpu.wait_dma2 semaphore(%arg28 : memref<!tpu.dma_semaphore, #tpu.memory_space<semaphore_mem>>) src(%dma_wait3A_866 : memref<50x64xf32, #tpu.memory_space<vmem>>) dst(%dma_wait3A_863 : memref<50x64xf32, #tpu.memory_space<hbm>>)
      %add3A_867 = arith.constant 6 : i32
      %add3A_868 = arith.addi %mul3A_552, %add3A_867 : i32
      %dma_start3A_869 = arith.constant 0 : i32
      %dma_start3A_870 = tpu.memref_slice %arg5[%add3A_868, %dma_start3A_869] : memref<256x100xi32, #tpu.memory_space<vmem>> -> memref<1x100xi32, #tpu.memory_space<vmem>>
      %dma_start3A_871 = tpu.memref_squeeze %dma_start3A_870 : memref<1x100xi32, #tpu.memory_space<vmem>> -> memref<100xi32, #tpu.memory_space<vmem>>
      %dma_start3A_872 = arith.constant 0 : i32
      %dma_start3A_873 = arith.constant 0 : i32
      %dma_start3A_874 = tpu.memref_slice %arg2[%dma_start3A_872, %dma_start3A_873] : memref<1000000x64xf32, #tpu.memory_space<hbm>> -> memref<1000000x64xf32, #tpu.memory_space<hbm>>
      tpu.enqueue_indirect_dma source(%dma_start3A_874 : memref<1000000x64xf32, #tpu.memory_space<hbm>>) target(%arg12 : memref<100x64xf32, #tpu.memory_space<vmem>>) offsets(%dma_start3A_871 : memref<100xi32, #tpu.memory_space<vmem>>) semaphore(%arg20 : memref<!tpu.dma_semaphore, #tpu.memory_space<semaphore_mem>>)
      %add3A_875 = arith.constant 7 : i32
      %add3A_876 = arith.addi %mul3A_552, %add3A_875 : i32
      %mul3A_877 = arith.constant 2 : i32
      %mul3A_878 = arith.muli %mul3A_877, %add3A_876 : i32
      %add3A_879 = arith.addi %mul3A_2, %mul3A_878 : i32
      %dma_wait3A_880 = arith.constant 0 : i32
      %dma_wait3A_881 = arith.constant 0 : i32
      %dma_wait3A_882 = tpu.memref_slice %arg13[%dma_wait3A_880, %dma_wait3A_881] : memref<100x64xf32, #tpu.memory_space<vmem>> -> memref<50x64xf32, #tpu.memory_space<vmem>>
      %dma_wait3A_883 = arith.constant 0 : i32
      %dma_wait3A_884 = arith.constant 0 : i32
      %dma_wait3A_885 = tpu.memref_slice %arg4[%add3A_879, %dma_wait3A_883, %dma_wait3A_884] : memref<16384x50x64xf32, #tpu.memory_space<hbm>> -> memref<1x50x64xf32, #tpu.memory_space<hbm>>
      %dma_wait3A_886 = tpu.memref_squeeze %dma_wait3A_885 : memref<1x50x64xf32, #tpu.memory_space<hbm>> -> memref<50x64xf32, #tpu.memory_space<hbm>>
      %dma_wait3A_887 = arith.constant 0 : i32
      %dma_wait3A_888 = arith.constant 0 : i32
      %dma_wait3A_889 = tpu.memref_slice %arg4[%add3A_879, %dma_wait3A_887, %dma_wait3A_888] : memref<16384x50x64xf32, #tpu.memory_space<hbm>> -> memref<1x50x64xf32, #tpu.memory_space<hbm>>
      %dma_wait3A_890 = tpu.memref_squeeze %dma_wait3A_889 : memref<1x50x64xf32, #tpu.memory_space<hbm>> -> memref<50x64xf32, #tpu.memory_space<hbm>>
      %dma_wait3A_891 = arith.constant 0 : i32
      %dma_wait3A_892 = arith.constant 0 : i32
      %dma_wait3A_893 = tpu.memref_slice %arg13[%dma_wait3A_891, %dma_wait3A_892] : memref<100x64xf32, #tpu.memory_space<vmem>> -> memref<50x64xf32, #tpu.memory_space<vmem>>
      tpu.wait_dma2 semaphore(%arg29 : memref<!tpu.dma_semaphore, #tpu.memory_space<semaphore_mem>>) src(%dma_wait3A_893 : memref<50x64xf32, #tpu.memory_space<vmem>>) dst(%dma_wait3A_890 : memref<50x64xf32, #tpu.memory_space<hbm>>)
      %mul3A_894 = arith.constant 2 : i32
      %mul3A_895 = arith.muli %mul3A_894, %add3A_876 : i32
      %add3A_896 = arith.addi %mul3A_2, %mul3A_895 : i32
      %add3A_897 = arith.constant 1 : i32
      %add3A_898 = arith.addi %add3A_896, %add3A_897 : i32
      %dma_wait3A_899 = arith.constant 50 : i32
      %dma_wait3A_900 = arith.constant 0 : i32
      %dma_wait3A_901 = tpu.memref_slice %arg13[%dma_wait3A_899, %dma_wait3A_900] : memref<100x64xf32, #tpu.memory_space<vmem>> -> memref<50x64xf32, #tpu.memory_space<vmem>>
      %dma_wait3A_902 = arith.constant 0 : i32
      %dma_wait3A_903 = arith.constant 0 : i32
      %dma_wait3A_904 = tpu.memref_slice %arg4[%add3A_898, %dma_wait3A_902, %dma_wait3A_903] : memref<16384x50x64xf32, #tpu.memory_space<hbm>> -> memref<1x50x64xf32, #tpu.memory_space<hbm>>
      %dma_wait3A_905 = tpu.memref_squeeze %dma_wait3A_904 : memref<1x50x64xf32, #tpu.memory_space<hbm>> -> memref<50x64xf32, #tpu.memory_space<hbm>>
      %dma_wait3A_906 = arith.constant 0 : i32
      %dma_wait3A_907 = arith.constant 0 : i32
      %dma_wait3A_908 = tpu.memref_slice %arg4[%add3A_898, %dma_wait3A_906, %dma_wait3A_907] : memref<16384x50x64xf32, #tpu.memory_space<hbm>> -> memref<1x50x64xf32, #tpu.memory_space<hbm>>
      %dma_wait3A_909 = tpu.memref_squeeze %dma_wait3A_908 : memref<1x50x64xf32, #tpu.memory_space<hbm>> -> memref<50x64xf32, #tpu.memory_space<hbm>>
      %dma_wait3A_910 = arith.constant 50 : i32
      %dma_wait3A_911 = arith.constant 0 : i32
      %dma_wait3A_912 = tpu.memref_slice %arg13[%dma_wait3A_910, %dma_wait3A_911] : memref<100x64xf32, #tpu.memory_space<vmem>> -> memref<50x64xf32, #tpu.memory_space<vmem>>
      tpu.wait_dma2 semaphore(%arg29 : memref<!tpu.dma_semaphore, #tpu.memory_space<semaphore_mem>>) src(%dma_wait3A_912 : memref<50x64xf32, #tpu.memory_space<vmem>>) dst(%dma_wait3A_909 : memref<50x64xf32, #tpu.memory_space<hbm>>)
      %add3A_913 = arith.constant 7 : i32
      %add3A_914 = arith.addi %mul3A_552, %add3A_913 : i32
      %dma_start3A_915 = arith.constant 0 : i32
      %dma_start3A_916 = tpu.memref_slice %arg5[%add3A_914, %dma_start3A_915] : memref<256x100xi32, #tpu.memory_space<vmem>> -> memref<1x100xi32, #tpu.memory_space<vmem>>
      %dma_start3A_917 = tpu.memref_squeeze %dma_start3A_916 : memref<1x100xi32, #tpu.memory_space<vmem>> -> memref<100xi32, #tpu.memory_space<vmem>>
      %dma_start3A_918 = arith.constant 0 : i32
      %dma_start3A_919 = arith.constant 0 : i32
      %dma_start3A_920 = tpu.memref_slice %arg2[%dma_start3A_918, %dma_start3A_919] : memref<1000000x64xf32, #tpu.memory_space<hbm>> -> memref<1000000x64xf32, #tpu.memory_space<hbm>>
      tpu.enqueue_indirect_dma source(%dma_start3A_920 : memref<1000000x64xf32, #tpu.memory_space<hbm>>) target(%arg13 : memref<100x64xf32, #tpu.memory_space<vmem>>) offsets(%dma_start3A_917 : memref<100xi32, #tpu.memory_space<vmem>>) semaphore(%arg21 : memref<!tpu.dma_semaphore, #tpu.memory_space<semaphore_mem>>)
      %add3A_921 = arith.constant 0 : i32
      %add3A_922 = arith.addi %mul3A_552, %add3A_921 : i32
      %dma_wait3A_923 = arith.constant 0 : i32
      %dma_wait3A_924 = tpu.memref_slice %arg5[%add3A_922, %dma_wait3A_923] : memref<256x100xi32, #tpu.memory_space<vmem>> -> memref<1x100xi32, #tpu.memory_space<vmem>>
      %dma_wait3A_925 = tpu.memref_squeeze %dma_wait3A_924 : memref<1x100xi32, #tpu.memory_space<vmem>> -> memref<100xi32, #tpu.memory_space<vmem>>
      %dma_wait3A_926 = arith.constant 0 : i32
      %dma_wait3A_927 = arith.constant 0 : i32
      %dma_wait3A_928 = tpu.memref_slice %arg2[%dma_wait3A_926, %dma_wait3A_927] : memref<1000000x64xf32, #tpu.memory_space<hbm>> -> memref<1000000x64xf32, #tpu.memory_space<hbm>>
      tpu.wait_indirect_dma semaphore(%arg14 : memref<!tpu.dma_semaphore, #tpu.memory_space<semaphore_mem>>) src(%dma_wait3A_928 : memref<1000000x64xf32, #tpu.memory_space<hbm>>) dst(%arg6 : memref<100x64xf32, #tpu.memory_space<vmem>>)
      %add3A_929 = arith.constant 0 : i32
      %add3A_930 = arith.addi %mul3A_552, %add3A_929 : i32
      %mul3A_931 = arith.constant 2 : i32
      %mul3A_932 = arith.muli %mul3A_931, %add3A_930 : i32
      %add3A_933 = arith.addi %mul3A_2, %mul3A_932 : i32
      %dma_start3A_934 = arith.constant 0 : i32
      %dma_start3A_935 = arith.constant 0 : i32
      %dma_start3A_936 = tpu.memref_slice %arg6[%dma_start3A_934, %dma_start3A_935] : memref<100x64xf32, #tpu.memory_space<vmem>> -> memref<50x64xf32, #tpu.memory_space<vmem>>
      %dma_start3A_937 = arith.constant 0 : i32
      %dma_start3A_938 = arith.constant 0 : i32
      %dma_start3A_939 = tpu.memref_slice %arg4[%add3A_933, %dma_start3A_937, %dma_start3A_938] : memref<16384x50x64xf32, #tpu.memory_space<hbm>> -> memref<1x50x64xf32, #tpu.memory_space<hbm>>
      %dma_start3A_940 = tpu.memref_squeeze %dma_start3A_939 : memref<1x50x64xf32, #tpu.memory_space<hbm>> -> memref<50x64xf32, #tpu.memory_space<hbm>>
      %dma_start3A_941 = arith.constant 0 : i32
      %dma_start3A_942 = arith.constant 0 : i32
      %dma_start3A_943 = tpu.memref_slice %arg4[%add3A_933, %dma_start3A_941, %dma_start3A_942] : memref<16384x50x64xf32, #tpu.memory_space<hbm>> -> memref<1x50x64xf32, #tpu.memory_space<hbm>>
      %dma_start3A_944 = tpu.memref_squeeze %dma_start3A_943 : memref<1x50x64xf32, #tpu.memory_space<hbm>> -> memref<50x64xf32, #tpu.memory_space<hbm>>
      %dma_start3A_945 = arith.constant 0 : i32
      %dma_start3A_946 = arith.constant 0 : i32
      %dma_start3A_947 = tpu.memref_slice %arg6[%dma_start3A_945, %dma_start3A_946] : memref<100x64xf32, #tpu.memory_space<vmem>> -> memref<50x64xf32, #tpu.memory_space<vmem>>
      tpu.enqueue_dma source(%dma_start3A_947 : memref<50x64xf32, #tpu.memory_space<vmem>>) target(%dma_start3A_944 : memref<50x64xf32, #tpu.memory_space<hbm>>) target_semaphore(%arg22 : memref<!tpu.dma_semaphore, #tpu.memory_space<semaphore_mem>>)
      %mul3A_948 = arith.constant 2 : i32
      %mul3A_949 = arith.muli %mul3A_948, %add3A_930 : i32
      %add3A_950 = arith.addi %mul3A_2, %mul3A_949 : i32
      %add3A_951 = arith.constant 1 : i32
      %add3A_952 = arith.addi %add3A_950, %add3A_951 : i32
      %dma_start3A_953 = arith.constant 50 : i32
      %dma_start3A_954 = arith.constant 0 : i32
      %dma_start3A_955 = tpu.memref_slice %arg6[%dma_start3A_953, %dma_start3A_954] : memref<100x64xf32, #tpu.memory_space<vmem>> -> memref<50x64xf32, #tpu.memory_space<vmem>>
      %dma_start3A_956 = arith.constant 0 : i32
      %dma_start3A_957 = arith.constant 0 : i32
      %dma_start3A_958 = tpu.memref_slice %arg4[%add3A_952, %dma_start3A_956, %dma_start3A_957] : memref<16384x50x64xf32, #tpu.memory_space<hbm>> -> memref<1x50x64xf32, #tpu.memory_space<hbm>>
      %dma_start3A_959 = tpu.memref_squeeze %dma_start3A_958 : memref<1x50x64xf32, #tpu.memory_space<hbm>> -> memref<50x64xf32, #tpu.memory_space<hbm>>
      %dma_start3A_960 = arith.constant 0 : i32
      %dma_start3A_961 = arith.constant 0 : i32
      %dma_start3A_962 = tpu.memref_slice %arg4[%add3A_952, %dma_start3A_960, %dma_start3A_961] : memref<16384x50x64xf32, #tpu.memory_space<hbm>> -> memref<1x50x64xf32, #tpu.memory_space<hbm>>
      %dma_start3A_963 = tpu.memref_squeeze %dma_start3A_962 : memref<1x50x64xf32, #tpu.memory_space<hbm>> -> memref<50x64xf32, #tpu.memory_space<hbm>>
      %dma_start3A_964 = arith.constant 50 : i32
      %dma_start3A_965 = arith.constant 0 : i32
      %dma_start3A_966 = tpu.memref_slice %arg6[%dma_start3A_964, %dma_start3A_965] : memref<100x64xf32, #tpu.memory_space<vmem>> -> memref<50x64xf32, #tpu.memory_space<vmem>>
      tpu.enqueue_dma source(%dma_start3A_966 : memref<50x64xf32, #tpu.memory_space<vmem>>) target(%dma_start3A_963 : memref<50x64xf32, #tpu.memory_space<hbm>>) target_semaphore(%arg22 : memref<!tpu.dma_semaphore, #tpu.memory_space<semaphore_mem>>)
      %add3A_967 = arith.constant 1 : i32
      %add3A_968 = arith.addi %mul3A_552, %add3A_967 : i32
      %dma_wait3A_969 = arith.constant 0 : i32
      %dma_wait3A_970 = tpu.memref_slice %arg5[%add3A_968, %dma_wait3A_969] : memref<256x100xi32, #tpu.memory_space<vmem>> -> memref<1x100xi32, #tpu.memory_space<vmem>>
      %dma_wait3A_971 = tpu.memref_squeeze %dma_wait3A_970 : memref<1x100xi32, #tpu.memory_space<vmem>> -> memref<100xi32, #tpu.memory_space<vmem>>
      %dma_wait3A_972 = arith.constant 0 : i32
      %dma_wait3A_973 = arith.constant 0 : i32
      %dma_wait3A_974 = tpu.memref_slice %arg2[%dma_wait3A_972, %dma_wait3A_973] : memref<1000000x64xf32, #tpu.memory_space<hbm>> -> memref<1000000x64xf32, #tpu.memory_space<hbm>>
      tpu.wait_indirect_dma semaphore(%arg15 : memref<!tpu.dma_semaphore, #tpu.memory_space<semaphore_mem>>) src(%dma_wait3A_974 : memref<1000000x64xf32, #tpu.memory_space<hbm>>) dst(%arg7 : memref<100x64xf32, #tpu.memory_space<vmem>>)
      %add3A_975 = arith.constant 1 : i32
      %add3A_976 = arith.addi %mul3A_552, %add3A_975 : i32
      %mul3A_977 = arith.constant 2 : i32
      %mul3A_978 = arith.muli %mul3A_977, %add3A_976 : i32
      %add3A_979 = arith.addi %mul3A_2, %mul3A_978 : i32
      %dma_start3A_980 = arith.constant 0 : i32
      %dma_start3A_981 = arith.constant 0 : i32
      %dma_start3A_982 = tpu.memref_slice %arg7[%dma_start3A_980, %dma_start3A_981] : memref<100x64xf32, #tpu.memory_space<vmem>> -> memref<50x64xf32, #tpu.memory_space<vmem>>
      %dma_start3A_983 = arith.constant 0 : i32
      %dma_start3A_984 = arith.constant 0 : i32
      %dma_start3A_985 = tpu.memref_slice %arg4[%add3A_979, %dma_start3A_983, %dma_start3A_984] : memref<16384x50x64xf32, #tpu.memory_space<hbm>> -> memref<1x50x64xf32, #tpu.memory_space<hbm>>
      %dma_start3A_986 = tpu.memref_squeeze %dma_start3A_985 : memref<1x50x64xf32, #tpu.memory_space<hbm>> -> memref<50x64xf32, #tpu.memory_space<hbm>>
      %dma_start3A_987 = arith.constant 0 : i32
      %dma_start3A_988 = arith.constant 0 : i32
      %dma_start3A_989 = tpu.memref_slice %arg4[%add3A_979, %dma_start3A_987, %dma_start3A_988] : memref<16384x50x64xf32, #tpu.memory_space<hbm>> -> memref<1x50x64xf32, #tpu.memory_space<hbm>>
      %dma_start3A_990 = tpu.memref_squeeze %dma_start3A_989 : memref<1x50x64xf32, #tpu.memory_space<hbm>> -> memref<50x64xf32, #tpu.memory_space<hbm>>
      %dma_start3A_991 = arith.constant 0 : i32
      %dma_start3A_992 = arith.constant 0 : i32
      %dma_start3A_993 = tpu.memref_slice %arg7[%dma_start3A_991, %dma_start3A_992] : memref<100x64xf32, #tpu.memory_space<vmem>> -> memref<50x64xf32, #tpu.memory_space<vmem>>
      tpu.enqueue_dma source(%dma_start3A_993 : memref<50x64xf32, #tpu.memory_space<vmem>>) target(%dma_start3A_990 : memref<50x64xf32, #tpu.memory_space<hbm>>) target_semaphore(%arg23 : memref<!tpu.dma_semaphore, #tpu.memory_space<semaphore_mem>>)
      %mul3A_994 = arith.constant 2 : i32
      %mul3A_995 = arith.muli %mul3A_994, %add3A_976 : i32
      %add3A_996 = arith.addi %mul3A_2, %mul3A_995 : i32
      %add3A_997 = arith.constant 1 : i32
      %add3A_998 = arith.addi %add3A_996, %add3A_997 : i32
      %dma_start3A_999 = arith.constant 50 : i32
      %dma_start3A_1000 = arith.constant 0 : i32
      %dma_start3A_1001 = tpu.memref_slice %arg7[%dma_start3A_999, %dma_start3A_1000] : memref<100x64xf32, #tpu.memory_space<vmem>> -> memref<50x64xf32, #tpu.memory_space<vmem>>
      %dma_start3A_1002 = arith.constant 0 : i32
      %dma_start3A_1003 = arith.constant 0 : i32
      %dma_start3A_1004 = tpu.memref_slice %arg4[%add3A_998, %dma_start3A_1002, %dma_start3A_1003] : memref<16384x50x64xf32, #tpu.memory_space<hbm>> -> memref<1x50x64xf32, #tpu.memory_space<hbm>>
      %dma_start3A_1005 = tpu.memref_squeeze %dma_start3A_1004 : memref<1x50x64xf32, #tpu.memory_space<hbm>> -> memref<50x64xf32, #tpu.memory_space<hbm>>
      %dma_start3A_1006 = arith.constant 0 : i32
      %dma_start3A_1007 = arith.constant 0 : i32
      %dma_start3A_1008 = tpu.memref_slice %arg4[%add3A_998, %dma_start3A_1006, %dma_start3A_1007] : memref<16384x50x64xf32, #tpu.memory_space<hbm>> -> memref<1x50x64xf32, #tpu.memory_space<hbm>>
      %dma_start3A_1009 = tpu.memref_squeeze %dma_start3A_1008 : memref<1x50x64xf32, #tpu.memory_space<hbm>> -> memref<50x64xf32, #tpu.memory_space<hbm>>
      %dma_start3A_1010 = arith.constant 50 : i32
      %dma_start3A_1011 = arith.constant 0 : i32
      %dma_start3A_1012 = tpu.memref_slice %arg7[%dma_start3A_1010, %dma_start3A_1011] : memref<100x64xf32, #tpu.memory_space<vmem>> -> memref<50x64xf32, #tpu.memory_space<vmem>>
      tpu.enqueue_dma source(%dma_start3A_1012 : memref<50x64xf32, #tpu.memory_space<vmem>>) target(%dma_start3A_1009 : memref<50x64xf32, #tpu.memory_space<hbm>>) target_semaphore(%arg23 : memref<!tpu.dma_semaphore, #tpu.memory_space<semaphore_mem>>)
      %add3A_1013 = arith.constant 2 : i32
      %add3A_1014 = arith.addi %mul3A_552, %add3A_1013 : i32
      %dma_wait3A_1015 = arith.constant 0 : i32
      %dma_wait3A_1016 = tpu.memref_slice %arg5[%add3A_1014, %dma_wait3A_1015] : memref<256x100xi32, #tpu.memory_space<vmem>> -> memref<1x100xi32, #tpu.memory_space<vmem>>
      %dma_wait3A_1017 = tpu.memref_squeeze %dma_wait3A_1016 : memref<1x100xi32, #tpu.memory_space<vmem>> -> memref<100xi32, #tpu.memory_space<vmem>>
      %dma_wait3A_1018 = arith.constant 0 : i32
      %dma_wait3A_1019 = arith.constant 0 : i32
      %dma_wait3A_1020 = tpu.memref_slice %arg2[%dma_wait3A_1018, %dma_wait3A_1019] : memref<1000000x64xf32, #tpu.memory_space<hbm>> -> memref<1000000x64xf32, #tpu.memory_space<hbm>>
      tpu.wait_indirect_dma semaphore(%arg16 : memref<!tpu.dma_semaphore, #tpu.memory_space<semaphore_mem>>) src(%dma_wait3A_1020 : memref<1000000x64xf32, #tpu.memory_space<hbm>>) dst(%arg8 : memref<100x64xf32, #tpu.memory_space<vmem>>)
      %add3A_1021 = arith.constant 2 : i32
      %add3A_1022 = arith.addi %mul3A_552, %add3A_1021 : i32
      %mul3A_1023 = arith.constant 2 : i32
      %mul3A_1024 = arith.muli %mul3A_1023, %add3A_1022 : i32
      %add3A_1025 = arith.addi %mul3A_2, %mul3A_1024 : i32
      %dma_start3A_1026 = arith.constant 0 : i32
      %dma_start3A_1027 = arith.constant 0 : i32
      %dma_start3A_1028 = tpu.memref_slice %arg8[%dma_start3A_1026, %dma_start3A_1027] : memref<100x64xf32, #tpu.memory_space<vmem>> -> memref<50x64xf32, #tpu.memory_space<vmem>>
      %dma_start3A_1029 = arith.constant 0 : i32
      %dma_start3A_1030 = arith.constant 0 : i32
      %dma_start3A_1031 = tpu.memref_slice %arg4[%add3A_1025, %dma_start3A_1029, %dma_start3A_1030] : memref<16384x50x64xf32, #tpu.memory_space<hbm>> -> memref<1x50x64xf32, #tpu.memory_space<hbm>>
      %dma_start3A_1032 = tpu.memref_squeeze %dma_start3A_1031 : memref<1x50x64xf32, #tpu.memory_space<hbm>> -> memref<50x64xf32, #tpu.memory_space<hbm>>
      %dma_start3A_1033 = arith.constant 0 : i32
      %dma_start3A_1034 = arith.constant 0 : i32
      %dma_start3A_1035 = tpu.memref_slice %arg4[%add3A_1025, %dma_start3A_1033, %dma_start3A_1034] : memref<16384x50x64xf32, #tpu.memory_space<hbm>> -> memref<1x50x64xf32, #tpu.memory_space<hbm>>
      %dma_start3A_1036 = tpu.memref_squeeze %dma_start3A_1035 : memref<1x50x64xf32, #tpu.memory_space<hbm>> -> memref<50x64xf32, #tpu.memory_space<hbm>>
      %dma_start3A_1037 = arith.constant 0 : i32
      %dma_start3A_1038 = arith.constant 0 : i32
      %dma_start3A_1039 = tpu.memref_slice %arg8[%dma_start3A_1037, %dma_start3A_1038] : memref<100x64xf32, #tpu.memory_space<vmem>> -> memref<50x64xf32, #tpu.memory_space<vmem>>
      tpu.enqueue_dma source(%dma_start3A_1039 : memref<50x64xf32, #tpu.memory_space<vmem>>) target(%dma_start3A_1036 : memref<50x64xf32, #tpu.memory_space<hbm>>) target_semaphore(%arg24 : memref<!tpu.dma_semaphore, #tpu.memory_space<semaphore_mem>>)
      %mul3A_1040 = arith.constant 2 : i32
      %mul3A_1041 = arith.muli %mul3A_1040, %add3A_1022 : i32
      %add3A_1042 = arith.addi %mul3A_2, %mul3A_1041 : i32
      %add3A_1043 = arith.constant 1 : i32
      %add3A_1044 = arith.addi %add3A_1042, %add3A_1043 : i32
      %dma_start3A_1045 = arith.constant 50 : i32
      %dma_start3A_1046 = arith.constant 0 : i32
      %dma_start3A_1047 = tpu.memref_slice %arg8[%dma_start3A_1045, %dma_start3A_1046] : memref<100x64xf32, #tpu.memory_space<vmem>> -> memref<50x64xf32, #tpu.memory_space<vmem>>
      %dma_start3A_1048 = arith.constant 0 : i32
      %dma_start3A_1049 = arith.constant 0 : i32
      %dma_start3A_1050 = tpu.memref_slice %arg4[%add3A_1044, %dma_start3A_1048, %dma_start3A_1049] : memref<16384x50x64xf32, #tpu.memory_space<hbm>> -> memref<1x50x64xf32, #tpu.memory_space<hbm>>
      %dma_start3A_1051 = tpu.memref_squeeze %dma_start3A_1050 : memref<1x50x64xf32, #tpu.memory_space<hbm>> -> memref<50x64xf32, #tpu.memory_space<hbm>>
      %dma_start3A_1052 = arith.constant 0 : i32
      %dma_start3A_1053 = arith.constant 0 : i32
      %dma_start3A_1054 = tpu.memref_slice %arg4[%add3A_1044, %dma_start3A_1052, %dma_start3A_1053] : memref<16384x50x64xf32, #tpu.memory_space<hbm>> -> memref<1x50x64xf32, #tpu.memory_space<hbm>>
      %dma_start3A_1055 = tpu.memref_squeeze %dma_start3A_1054 : memref<1x50x64xf32, #tpu.memory_space<hbm>> -> memref<50x64xf32, #tpu.memory_space<hbm>>
      %dma_start3A_1056 = arith.constant 50 : i32
      %dma_start3A_1057 = arith.constant 0 : i32
      %dma_start3A_1058 = tpu.memref_slice %arg8[%dma_start3A_1056, %dma_start3A_1057] : memref<100x64xf32, #tpu.memory_space<vmem>> -> memref<50x64xf32, #tpu.memory_space<vmem>>
      tpu.enqueue_dma source(%dma_start3A_1058 : memref<50x64xf32, #tpu.memory_space<vmem>>) target(%dma_start3A_1055 : memref<50x64xf32, #tpu.memory_space<hbm>>) target_semaphore(%arg24 : memref<!tpu.dma_semaphore, #tpu.memory_space<semaphore_mem>>)
      %add3A_1059 = arith.constant 3 : i32
      %add3A_1060 = arith.addi %mul3A_552, %add3A_1059 : i32
      %dma_wait3A_1061 = arith.constant 0 : i32
      %dma_wait3A_1062 = tpu.memref_slice %arg5[%add3A_1060, %dma_wait3A_1061] : memref<256x100xi32, #tpu.memory_space<vmem>> -> memref<1x100xi32, #tpu.memory_space<vmem>>
      %dma_wait3A_1063 = tpu.memref_squeeze %dma_wait3A_1062 : memref<1x100xi32, #tpu.memory_space<vmem>> -> memref<100xi32, #tpu.memory_space<vmem>>
      %dma_wait3A_1064 = arith.constant 0 : i32
      %dma_wait3A_1065 = arith.constant 0 : i32
      %dma_wait3A_1066 = tpu.memref_slice %arg2[%dma_wait3A_1064, %dma_wait3A_1065] : memref<1000000x64xf32, #tpu.memory_space<hbm>> -> memref<1000000x64xf32, #tpu.memory_space<hbm>>
      tpu.wait_indirect_dma semaphore(%arg17 : memref<!tpu.dma_semaphore, #tpu.memory_space<semaphore_mem>>) src(%dma_wait3A_1066 : memref<1000000x64xf32, #tpu.memory_space<hbm>>) dst(%arg9 : memref<100x64xf32, #tpu.memory_space<vmem>>)
      %add3A_1067 = arith.constant 3 : i32
      %add3A_1068 = arith.addi %mul3A_552, %add3A_1067 : i32
      %mul3A_1069 = arith.constant 2 : i32
      %mul3A_1070 = arith.muli %mul3A_1069, %add3A_1068 : i32
      %add3A_1071 = arith.addi %mul3A_2, %mul3A_1070 : i32
      %dma_start3A_1072 = arith.constant 0 : i32
      %dma_start3A_1073 = arith.constant 0 : i32
      %dma_start3A_1074 = tpu.memref_slice %arg9[%dma_start3A_1072, %dma_start3A_1073] : memref<100x64xf32, #tpu.memory_space<vmem>> -> memref<50x64xf32, #tpu.memory_space<vmem>>
      %dma_start3A_1075 = arith.constant 0 : i32
      %dma_start3A_1076 = arith.constant 0 : i32
      %dma_start3A_1077 = tpu.memref_slice %arg4[%add3A_1071, %dma_start3A_1075, %dma_start3A_1076] : memref<16384x50x64xf32, #tpu.memory_space<hbm>> -> memref<1x50x64xf32, #tpu.memory_space<hbm>>
      %dma_start3A_1078 = tpu.memref_squeeze %dma_start3A_1077 : memref<1x50x64xf32, #tpu.memory_space<hbm>> -> memref<50x64xf32, #tpu.memory_space<hbm>>
      %dma_start3A_1079 = arith.constant 0 : i32
      %dma_start3A_1080 = arith.constant 0 : i32
      %dma_start3A_1081 = tpu.memref_slice %arg4[%add3A_1071, %dma_start3A_1079, %dma_start3A_1080] : memref<16384x50x64xf32, #tpu.memory_space<hbm>> -> memref<1x50x64xf32, #tpu.memory_space<hbm>>
      %dma_start3A_1082 = tpu.memref_squeeze %dma_start3A_1081 : memref<1x50x64xf32, #tpu.memory_space<hbm>> -> memref<50x64xf32, #tpu.memory_space<hbm>>
      %dma_start3A_1083 = arith.constant 0 : i32
      %dma_start3A_1084 = arith.constant 0 : i32
      %dma_start3A_1085 = tpu.memref_slice %arg9[%dma_start3A_1083, %dma_start3A_1084] : memref<100x64xf32, #tpu.memory_space<vmem>> -> memref<50x64xf32, #tpu.memory_space<vmem>>
      tpu.enqueue_dma source(%dma_start3A_1085 : memref<50x64xf32, #tpu.memory_space<vmem>>) target(%dma_start3A_1082 : memref<50x64xf32, #tpu.memory_space<hbm>>) target_semaphore(%arg25 : memref<!tpu.dma_semaphore, #tpu.memory_space<semaphore_mem>>)
      %mul3A_1086 = arith.constant 2 : i32
      %mul3A_1087 = arith.muli %mul3A_1086, %add3A_1068 : i32
      %add3A_1088 = arith.addi %mul3A_2, %mul3A_1087 : i32
      %add3A_1089 = arith.constant 1 : i32
      %add3A_1090 = arith.addi %add3A_1088, %add3A_1089 : i32
      %dma_start3A_1091 = arith.constant 50 : i32
      %dma_start3A_1092 = arith.constant 0 : i32
      %dma_start3A_1093 = tpu.memref_slice %arg9[%dma_start3A_1091, %dma_start3A_1092] : memref<100x64xf32, #tpu.memory_space<vmem>> -> memref<50x64xf32, #tpu.memory_space<vmem>>
      %dma_start3A_1094 = arith.constant 0 : i32
      %dma_start3A_1095 = arith.constant 0 : i32
      %dma_start3A_1096 = tpu.memref_slice %arg4[%add3A_1090, %dma_start3A_1094, %dma_start3A_1095] : memref<16384x50x64xf32, #tpu.memory_space<hbm>> -> memref<1x50x64xf32, #tpu.memory_space<hbm>>
      %dma_start3A_1097 = tpu.memref_squeeze %dma_start3A_1096 : memref<1x50x64xf32, #tpu.memory_space<hbm>> -> memref<50x64xf32, #tpu.memory_space<hbm>>
      %dma_start3A_1098 = arith.constant 0 : i32
      %dma_start3A_1099 = arith.constant 0 : i32
      %dma_start3A_1100 = tpu.memref_slice %arg4[%add3A_1090, %dma_start3A_1098, %dma_start3A_1099] : memref<16384x50x64xf32, #tpu.memory_space<hbm>> -> memref<1x50x64xf32, #tpu.memory_space<hbm>>
      %dma_start3A_1101 = tpu.memref_squeeze %dma_start3A_1100 : memref<1x50x64xf32, #tpu.memory_space<hbm>> -> memref<50x64xf32, #tpu.memory_space<hbm>>
      %dma_start3A_1102 = arith.constant 50 : i32
      %dma_start3A_1103 = arith.constant 0 : i32
      %dma_start3A_1104 = tpu.memref_slice %arg9[%dma_start3A_1102, %dma_start3A_1103] : memref<100x64xf32, #tpu.memory_space<vmem>> -> memref<50x64xf32, #tpu.memory_space<vmem>>
      tpu.enqueue_dma source(%dma_start3A_1104 : memref<50x64xf32, #tpu.memory_space<vmem>>) target(%dma_start3A_1101 : memref<50x64xf32, #tpu.memory_space<hbm>>) target_semaphore(%arg25 : memref<!tpu.dma_semaphore, #tpu.memory_space<semaphore_mem>>)
      %add3A_1105 = arith.constant 4 : i32
      %add3A_1106 = arith.addi %mul3A_552, %add3A_1105 : i32
      %dma_wait3A_1107 = arith.constant 0 : i32
      %dma_wait3A_1108 = tpu.memref_slice %arg5[%add3A_1106, %dma_wait3A_1107] : memref<256x100xi32, #tpu.memory_space<vmem>> -> memref<1x100xi32, #tpu.memory_space<vmem>>
      %dma_wait3A_1109 = tpu.memref_squeeze %dma_wait3A_1108 : memref<1x100xi32, #tpu.memory_space<vmem>> -> memref<100xi32, #tpu.memory_space<vmem>>
      %dma_wait3A_1110 = arith.constant 0 : i32
      %dma_wait3A_1111 = arith.constant 0 : i32
      %dma_wait3A_1112 = tpu.memref_slice %arg2[%dma_wait3A_1110, %dma_wait3A_1111] : memref<1000000x64xf32, #tpu.memory_space<hbm>> -> memref<1000000x64xf32, #tpu.memory_space<hbm>>
      tpu.wait_indirect_dma semaphore(%arg18 : memref<!tpu.dma_semaphore, #tpu.memory_space<semaphore_mem>>) src(%dma_wait3A_1112 : memref<1000000x64xf32, #tpu.memory_space<hbm>>) dst(%arg10 : memref<100x64xf32, #tpu.memory_space<vmem>>)
      %add3A_1113 = arith.constant 4 : i32
      %add3A_1114 = arith.addi %mul3A_552, %add3A_1113 : i32
      %mul3A_1115 = arith.constant 2 : i32
      %mul3A_1116 = arith.muli %mul3A_1115, %add3A_1114 : i32
      %add3A_1117 = arith.addi %mul3A_2, %mul3A_1116 : i32
      %dma_start3A_1118 = arith.constant 0 : i32
      %dma_start3A_1119 = arith.constant 0 : i32
      %dma_start3A_1120 = tpu.memref_slice %arg10[%dma_start3A_1118, %dma_start3A_1119] : memref<100x64xf32, #tpu.memory_space<vmem>> -> memref<50x64xf32, #tpu.memory_space<vmem>>
      %dma_start3A_1121 = arith.constant 0 : i32
      %dma_start3A_1122 = arith.constant 0 : i32
      %dma_start3A_1123 = tpu.memref_slice %arg4[%add3A_1117, %dma_start3A_1121, %dma_start3A_1122] : memref<16384x50x64xf32, #tpu.memory_space<hbm>> -> memref<1x50x64xf32, #tpu.memory_space<hbm>>
      %dma_start3A_1124 = tpu.memref_squeeze %dma_start3A_1123 : memref<1x50x64xf32, #tpu.memory_space<hbm>> -> memref<50x64xf32, #tpu.memory_space<hbm>>
      %dma_start3A_1125 = arith.constant 0 : i32
      %dma_start3A_1126 = arith.constant 0 : i32
      %dma_start3A_1127 = tpu.memref_slice %arg4[%add3A_1117, %dma_start3A_1125, %dma_start3A_1126] : memref<16384x50x64xf32, #tpu.memory_space<hbm>> -> memref<1x50x64xf32, #tpu.memory_space<hbm>>
      %dma_start3A_1128 = tpu.memref_squeeze %dma_start3A_1127 : memref<1x50x64xf32, #tpu.memory_space<hbm>> -> memref<50x64xf32, #tpu.memory_space<hbm>>
      %dma_start3A_1129 = arith.constant 0 : i32
      %dma_start3A_1130 = arith.constant 0 : i32
      %dma_start3A_1131 = tpu.memref_slice %arg10[%dma_start3A_1129, %dma_start3A_1130] : memref<100x64xf32, #tpu.memory_space<vmem>> -> memref<50x64xf32, #tpu.memory_space<vmem>>
      tpu.enqueue_dma source(%dma_start3A_1131 : memref<50x64xf32, #tpu.memory_space<vmem>>) target(%dma_start3A_1128 : memref<50x64xf32, #tpu.memory_space<hbm>>) target_semaphore(%arg26 : memref<!tpu.dma_semaphore, #tpu.memory_space<semaphore_mem>>)
      %mul3A_1132 = arith.constant 2 : i32
      %mul3A_1133 = arith.muli %mul3A_1132, %add3A_1114 : i32
      %add3A_1134 = arith.addi %mul3A_2, %mul3A_1133 : i32
      %add3A_1135 = arith.constant 1 : i32
      %add3A_1136 = arith.addi %add3A_1134, %add3A_1135 : i32
      %dma_start3A_1137 = arith.constant 50 : i32
      %dma_start3A_1138 = arith.constant 0 : i32
      %dma_start3A_1139 = tpu.memref_slice %arg10[%dma_start3A_1137, %dma_start3A_1138] : memref<100x64xf32, #tpu.memory_space<vmem>> -> memref<50x64xf32, #tpu.memory_space<vmem>>
      %dma_start3A_1140 = arith.constant 0 : i32
      %dma_start3A_1141 = arith.constant 0 : i32
      %dma_start3A_1142 = tpu.memref_slice %arg4[%add3A_1136, %dma_start3A_1140, %dma_start3A_1141] : memref<16384x50x64xf32, #tpu.memory_space<hbm>> -> memref<1x50x64xf32, #tpu.memory_space<hbm>>
      %dma_start3A_1143 = tpu.memref_squeeze %dma_start3A_1142 : memref<1x50x64xf32, #tpu.memory_space<hbm>> -> memref<50x64xf32, #tpu.memory_space<hbm>>
      %dma_start3A_1144 = arith.constant 0 : i32
      %dma_start3A_1145 = arith.constant 0 : i32
      %dma_start3A_1146 = tpu.memref_slice %arg4[%add3A_1136, %dma_start3A_1144, %dma_start3A_1145] : memref<16384x50x64xf32, #tpu.memory_space<hbm>> -> memref<1x50x64xf32, #tpu.memory_space<hbm>>
      %dma_start3A_1147 = tpu.memref_squeeze %dma_start3A_1146 : memref<1x50x64xf32, #tpu.memory_space<hbm>> -> memref<50x64xf32, #tpu.memory_space<hbm>>
      %dma_start3A_1148 = arith.constant 50 : i32
      %dma_start3A_1149 = arith.constant 0 : i32
      %dma_start3A_1150 = tpu.memref_slice %arg10[%dma_start3A_1148, %dma_start3A_1149] : memref<100x64xf32, #tpu.memory_space<vmem>> -> memref<50x64xf32, #tpu.memory_space<vmem>>
      tpu.enqueue_dma source(%dma_start3A_1150 : memref<50x64xf32, #tpu.memory_space<vmem>>) target(%dma_start3A_1147 : memref<50x64xf32, #tpu.memory_space<hbm>>) target_semaphore(%arg26 : memref<!tpu.dma_semaphore, #tpu.memory_space<semaphore_mem>>)
      %add3A_1151 = arith.constant 5 : i32
      %add3A_1152 = arith.addi %mul3A_552, %add3A_1151 : i32
      %dma_wait3A_1153 = arith.constant 0 : i32
      %dma_wait3A_1154 = tpu.memref_slice %arg5[%add3A_1152, %dma_wait3A_1153] : memref<256x100xi32, #tpu.memory_space<vmem>> -> memref<1x100xi32, #tpu.memory_space<vmem>>
      %dma_wait3A_1155 = tpu.memref_squeeze %dma_wait3A_1154 : memref<1x100xi32, #tpu.memory_space<vmem>> -> memref<100xi32, #tpu.memory_space<vmem>>
      %dma_wait3A_1156 = arith.constant 0 : i32
      %dma_wait3A_1157 = arith.constant 0 : i32
      %dma_wait3A_1158 = tpu.memref_slice %arg2[%dma_wait3A_1156, %dma_wait3A_1157] : memref<1000000x64xf32, #tpu.memory_space<hbm>> -> memref<1000000x64xf32, #tpu.memory_space<hbm>>
      tpu.wait_indirect_dma semaphore(%arg19 : memref<!tpu.dma_semaphore, #tpu.memory_space<semaphore_mem>>) src(%dma_wait3A_1158 : memref<1000000x64xf32, #tpu.memory_space<hbm>>) dst(%arg11 : memref<100x64xf32, #tpu.memory_space<vmem>>)
      %add3A_1159 = arith.constant 5 : i32
      %add3A_1160 = arith.addi %mul3A_552, %add3A_1159 : i32
      %mul3A_1161 = arith.constant 2 : i32
      %mul3A_1162 = arith.muli %mul3A_1161, %add3A_1160 : i32
      %add3A_1163 = arith.addi %mul3A_2, %mul3A_1162 : i32
      %dma_start3A_1164 = arith.constant 0 : i32
      %dma_start3A_1165 = arith.constant 0 : i32
      %dma_start3A_1166 = tpu.memref_slice %arg11[%dma_start3A_1164, %dma_start3A_1165] : memref<100x64xf32, #tpu.memory_space<vmem>> -> memref<50x64xf32, #tpu.memory_space<vmem>>
      %dma_start3A_1167 = arith.constant 0 : i32
      %dma_start3A_1168 = arith.constant 0 : i32
      %dma_start3A_1169 = tpu.memref_slice %arg4[%add3A_1163, %dma_start3A_1167, %dma_start3A_1168] : memref<16384x50x64xf32, #tpu.memory_space<hbm>> -> memref<1x50x64xf32, #tpu.memory_space<hbm>>
      %dma_start3A_1170 = tpu.memref_squeeze %dma_start3A_1169 : memref<1x50x64xf32, #tpu.memory_space<hbm>> -> memref<50x64xf32, #tpu.memory_space<hbm>>
      %dma_start3A_1171 = arith.constant 0 : i32
      %dma_start3A_1172 = arith.constant 0 : i32
      %dma_start3A_1173 = tpu.memref_slice %arg4[%add3A_1163, %dma_start3A_1171, %dma_start3A_1172] : memref<16384x50x64xf32, #tpu.memory_space<hbm>> -> memref<1x50x64xf32, #tpu.memory_space<hbm>>
      %dma_start3A_1174 = tpu.memref_squeeze %dma_start3A_1173 : memref<1x50x64xf32, #tpu.memory_space<hbm>> -> memref<50x64xf32, #tpu.memory_space<hbm>>
      %dma_start3A_1175 = arith.constant 0 : i32
      %dma_start3A_1176 = arith.constant 0 : i32
      %dma_start3A_1177 = tpu.memref_slice %arg11[%dma_start3A_1175, %dma_start3A_1176] : memref<100x64xf32, #tpu.memory_space<vmem>> -> memref<50x64xf32, #tpu.memory_space<vmem>>
      tpu.enqueue_dma source(%dma_start3A_1177 : memref<50x64xf32, #tpu.memory_space<vmem>>) target(%dma_start3A_1174 : memref<50x64xf32, #tpu.memory_space<hbm>>) target_semaphore(%arg27 : memref<!tpu.dma_semaphore, #tpu.memory_space<semaphore_mem>>)
      %mul3A_1178 = arith.constant 2 : i32
      %mul3A_1179 = arith.muli %mul3A_1178, %add3A_1160 : i32
      %add3A_1180 = arith.addi %mul3A_2, %mul3A_1179 : i32
      %add3A_1181 = arith.constant 1 : i32
      %add3A_1182 = arith.addi %add3A_1180, %add3A_1181 : i32
      %dma_start3A_1183 = arith.constant 50 : i32
      %dma_start3A_1184 = arith.constant 0 : i32
      %dma_start3A_1185 = tpu.memref_slice %arg11[%dma_start3A_1183, %dma_start3A_1184] : memref<100x64xf32, #tpu.memory_space<vmem>> -> memref<50x64xf32, #tpu.memory_space<vmem>>
      %dma_start3A_1186 = arith.constant 0 : i32
      %dma_start3A_1187 = arith.constant 0 : i32
      %dma_start3A_1188 = tpu.memref_slice %arg4[%add3A_1182, %dma_start3A_1186, %dma_start3A_1187] : memref<16384x50x64xf32, #tpu.memory_space<hbm>> -> memref<1x50x64xf32, #tpu.memory_space<hbm>>
      %dma_start3A_1189 = tpu.memref_squeeze %dma_start3A_1188 : memref<1x50x64xf32, #tpu.memory_space<hbm>> -> memref<50x64xf32, #tpu.memory_space<hbm>>
      %dma_start3A_1190 = arith.constant 0 : i32
      %dma_start3A_1191 = arith.constant 0 : i32
      %dma_start3A_1192 = tpu.memref_slice %arg4[%add3A_1182, %dma_start3A_1190, %dma_start3A_1191] : memref<16384x50x64xf32, #tpu.memory_space<hbm>> -> memref<1x50x64xf32, #tpu.memory_space<hbm>>
      %dma_start3A_1193 = tpu.memref_squeeze %dma_start3A_1192 : memref<1x50x64xf32, #tpu.memory_space<hbm>> -> memref<50x64xf32, #tpu.memory_space<hbm>>
      %dma_start3A_1194 = arith.constant 50 : i32
      %dma_start3A_1195 = arith.constant 0 : i32
      %dma_start3A_1196 = tpu.memref_slice %arg11[%dma_start3A_1194, %dma_start3A_1195] : memref<100x64xf32, #tpu.memory_space<vmem>> -> memref<50x64xf32, #tpu.memory_space<vmem>>
      tpu.enqueue_dma source(%dma_start3A_1196 : memref<50x64xf32, #tpu.memory_space<vmem>>) target(%dma_start3A_1193 : memref<50x64xf32, #tpu.memory_space<hbm>>) target_semaphore(%arg27 : memref<!tpu.dma_semaphore, #tpu.memory_space<semaphore_mem>>)
      %add3A_1197 = arith.constant 6 : i32
      %add3A_1198 = arith.addi %mul3A_552, %add3A_1197 : i32
      %dma_wait3A_1199 = arith.constant 0 : i32
      %dma_wait3A_1200 = tpu.memref_slice %arg5[%add3A_1198, %dma_wait3A_1199] : memref<256x100xi32, #tpu.memory_space<vmem>> -> memref<1x100xi32, #tpu.memory_space<vmem>>
      %dma_wait3A_1201 = tpu.memref_squeeze %dma_wait3A_1200 : memref<1x100xi32, #tpu.memory_space<vmem>> -> memref<100xi32, #tpu.memory_space<vmem>>
      %dma_wait3A_1202 = arith.constant 0 : i32
      %dma_wait3A_1203 = arith.constant 0 : i32
      %dma_wait3A_1204 = tpu.memref_slice %arg2[%dma_wait3A_1202, %dma_wait3A_1203] : memref<1000000x64xf32, #tpu.memory_space<hbm>> -> memref<1000000x64xf32, #tpu.memory_space<hbm>>
      tpu.wait_indirect_dma semaphore(%arg20 : memref<!tpu.dma_semaphore, #tpu.memory_space<semaphore_mem>>) src(%dma_wait3A_1204 : memref<1000000x64xf32, #tpu.memory_space<hbm>>) dst(%arg12 : memref<100x64xf32, #tpu.memory_space<vmem>>)
      %add3A_1205 = arith.constant 6 : i32
      %add3A_1206 = arith.addi %mul3A_552, %add3A_1205 : i32
      %mul3A_1207 = arith.constant 2 : i32
      %mul3A_1208 = arith.muli %mul3A_1207, %add3A_1206 : i32
      %add3A_1209 = arith.addi %mul3A_2, %mul3A_1208 : i32
      %dma_start3A_1210 = arith.constant 0 : i32
      %dma_start3A_1211 = arith.constant 0 : i32
      %dma_start3A_1212 = tpu.memref_slice %arg12[%dma_start3A_1210, %dma_start3A_1211] : memref<100x64xf32, #tpu.memory_space<vmem>> -> memref<50x64xf32, #tpu.memory_space<vmem>>
      %dma_start3A_1213 = arith.constant 0 : i32
      %dma_start3A_1214 = arith.constant 0 : i32
      %dma_start3A_1215 = tpu.memref_slice %arg4[%add3A_1209, %dma_start3A_1213, %dma_start3A_1214] : memref<16384x50x64xf32, #tpu.memory_space<hbm>> -> memref<1x50x64xf32, #tpu.memory_space<hbm>>
      %dma_start3A_1216 = tpu.memref_squeeze %dma_start3A_1215 : memref<1x50x64xf32, #tpu.memory_space<hbm>> -> memref<50x64xf32, #tpu.memory_space<hbm>>
      %dma_start3A_1217 = arith.constant 0 : i32
      %dma_start3A_1218 = arith.constant 0 : i32
      %dma_start3A_1219 = tpu.memref_slice %arg4[%add3A_1209, %dma_start3A_1217, %dma_start3A_1218] : memref<16384x50x64xf32, #tpu.memory_space<hbm>> -> memref<1x50x64xf32, #tpu.memory_space<hbm>>
      %dma_start3A_1220 = tpu.memref_squeeze %dma_start3A_1219 : memref<1x50x64xf32, #tpu.memory_space<hbm>> -> memref<50x64xf32, #tpu.memory_space<hbm>>
      %dma_start3A_1221 = arith.constant 0 : i32
      %dma_start3A_1222 = arith.constant 0 : i32
      %dma_start3A_1223 = tpu.memref_slice %arg12[%dma_start3A_1221, %dma_start3A_1222] : memref<100x64xf32, #tpu.memory_space<vmem>> -> memref<50x64xf32, #tpu.memory_space<vmem>>
      tpu.enqueue_dma source(%dma_start3A_1223 : memref<50x64xf32, #tpu.memory_space<vmem>>) target(%dma_start3A_1220 : memref<50x64xf32, #tpu.memory_space<hbm>>) target_semaphore(%arg28 : memref<!tpu.dma_semaphore, #tpu.memory_space<semaphore_mem>>)
      %mul3A_1224 = arith.constant 2 : i32
      %mul3A_1225 = arith.muli %mul3A_1224, %add3A_1206 : i32
      %add3A_1226 = arith.addi %mul3A_2, %mul3A_1225 : i32
      %add3A_1227 = arith.constant 1 : i32
      %add3A_1228 = arith.addi %add3A_1226, %add3A_1227 : i32
      %dma_start3A_1229 = arith.constant 50 : i32
      %dma_start3A_1230 = arith.constant 0 : i32
      %dma_start3A_1231 = tpu.memref_slice %arg12[%dma_start3A_1229, %dma_start3A_1230] : memref<100x64xf32, #tpu.memory_space<vmem>> -> memref<50x64xf32, #tpu.memory_space<vmem>>
      %dma_start3A_1232 = arith.constant 0 : i32
      %dma_start3A_1233 = arith.constant 0 : i32
      %dma_start3A_1234 = tpu.memref_slice %arg4[%add3A_1228, %dma_start3A_1232, %dma_start3A_1233] : memref<16384x50x64xf32, #tpu.memory_space<hbm>> -> memref<1x50x64xf32, #tpu.memory_space<hbm>>
      %dma_start3A_1235 = tpu.memref_squeeze %dma_start3A_1234 : memref<1x50x64xf32, #tpu.memory_space<hbm>> -> memref<50x64xf32, #tpu.memory_space<hbm>>
      %dma_start3A_1236 = arith.constant 0 : i32
      %dma_start3A_1237 = arith.constant 0 : i32
      %dma_start3A_1238 = tpu.memref_slice %arg4[%add3A_1228, %dma_start3A_1236, %dma_start3A_1237] : memref<16384x50x64xf32, #tpu.memory_space<hbm>> -> memref<1x50x64xf32, #tpu.memory_space<hbm>>
      %dma_start3A_1239 = tpu.memref_squeeze %dma_start3A_1238 : memref<1x50x64xf32, #tpu.memory_space<hbm>> -> memref<50x64xf32, #tpu.memory_space<hbm>>
      %dma_start3A_1240 = arith.constant 50 : i32
      %dma_start3A_1241 = arith.constant 0 : i32
      %dma_start3A_1242 = tpu.memref_slice %arg12[%dma_start3A_1240, %dma_start3A_1241] : memref<100x64xf32, #tpu.memory_space<vmem>> -> memref<50x64xf32, #tpu.memory_space<vmem>>
      tpu.enqueue_dma source(%dma_start3A_1242 : memref<50x64xf32, #tpu.memory_space<vmem>>) target(%dma_start3A_1239 : memref<50x64xf32, #tpu.memory_space<hbm>>) target_semaphore(%arg28 : memref<!tpu.dma_semaphore, #tpu.memory_space<semaphore_mem>>)
      %add3A_1243 = arith.constant 7 : i32
      %add3A_1244 = arith.addi %mul3A_552, %add3A_1243 : i32
      %dma_wait3A_1245 = arith.constant 0 : i32
      %dma_wait3A_1246 = tpu.memref_slice %arg5[%add3A_1244, %dma_wait3A_1245] : memref<256x100xi32, #tpu.memory_space<vmem>> -> memref<1x100xi32, #tpu.memory_space<vmem>>
      %dma_wait3A_1247 = tpu.memref_squeeze %dma_wait3A_1246 : memref<1x100xi32, #tpu.memory_space<vmem>> -> memref<100xi32, #tpu.memory_space<vmem>>
      %dma_wait3A_1248 = arith.constant 0 : i32
      %dma_wait3A_1249 = arith.constant 0 : i32
      %dma_wait3A_1250 = tpu.memref_slice %arg2[%dma_wait3A_1248, %dma_wait3A_1249] : memref<1000000x64xf32, #tpu.memory_space<hbm>> -> memref<1000000x64xf32, #tpu.memory_space<hbm>>
      tpu.wait_indirect_dma semaphore(%arg21 : memref<!tpu.dma_semaphore, #tpu.memory_space<semaphore_mem>>) src(%dma_wait3A_1250 : memref<1000000x64xf32, #tpu.memory_space<hbm>>) dst(%arg13 : memref<100x64xf32, #tpu.memory_space<vmem>>)
      %add3A_1251 = arith.constant 7 : i32
      %add3A_1252 = arith.addi %mul3A_552, %add3A_1251 : i32
      %mul3A_1253 = arith.constant 2 : i32
      %mul3A_1254 = arith.muli %mul3A_1253, %add3A_1252 : i32
      %add3A_1255 = arith.addi %mul3A_2, %mul3A_1254 : i32
      %dma_start3A_1256 = arith.constant 0 : i32
      %dma_start3A_1257 = arith.constant 0 : i32
      %dma_start3A_1258 = tpu.memref_slice %arg13[%dma_start3A_1256, %dma_start3A_1257] : memref<100x64xf32, #tpu.memory_space<vmem>> -> memref<50x64xf32, #tpu.memory_space<vmem>>
      %dma_start3A_1259 = arith.constant 0 : i32
      %dma_start3A_1260 = arith.constant 0 : i32
      %dma_start3A_1261 = tpu.memref_slice %arg4[%add3A_1255, %dma_start3A_1259, %dma_start3A_1260] : memref<16384x50x64xf32, #tpu.memory_space<hbm>> -> memref<1x50x64xf32, #tpu.memory_space<hbm>>
      %dma_start3A_1262 = tpu.memref_squeeze %dma_start3A_1261 : memref<1x50x64xf32, #tpu.memory_space<hbm>> -> memref<50x64xf32, #tpu.memory_space<hbm>>
      %dma_start3A_1263 = arith.constant 0 : i32
      %dma_start3A_1264 = arith.constant 0 : i32
      %dma_start3A_1265 = tpu.memref_slice %arg4[%add3A_1255, %dma_start3A_1263, %dma_start3A_1264] : memref<16384x50x64xf32, #tpu.memory_space<hbm>> -> memref<1x50x64xf32, #tpu.memory_space<hbm>>
      %dma_start3A_1266 = tpu.memref_squeeze %dma_start3A_1265 : memref<1x50x64xf32, #tpu.memory_space<hbm>> -> memref<50x64xf32, #tpu.memory_space<hbm>>
      %dma_start3A_1267 = arith.constant 0 : i32
      %dma_start3A_1268 = arith.constant 0 : i32
      %dma_start3A_1269 = tpu.memref_slice %arg13[%dma_start3A_1267, %dma_start3A_1268] : memref<100x64xf32, #tpu.memory_space<vmem>> -> memref<50x64xf32, #tpu.memory_space<vmem>>
      tpu.enqueue_dma source(%dma_start3A_1269 : memref<50x64xf32, #tpu.memory_space<vmem>>) target(%dma_start3A_1266 : memref<50x64xf32, #tpu.memory_space<hbm>>) target_semaphore(%arg29 : memref<!tpu.dma_semaphore, #tpu.memory_space<semaphore_mem>>)
      %mul3A_1270 = arith.constant 2 : i32
      %mul3A_1271 = arith.muli %mul3A_1270, %add3A_1252 : i32
      %add3A_1272 = arith.addi %mul3A_2, %mul3A_1271 : i32
      %add3A_1273 = arith.constant 1 : i32
      %add3A_1274 = arith.addi %add3A_1272, %add3A_1273 : i32
      %dma_start3A_1275 = arith.constant 50 : i32
      %dma_start3A_1276 = arith.constant 0 : i32
      %dma_start3A_1277 = tpu.memref_slice %arg13[%dma_start3A_1275, %dma_start3A_1276] : memref<100x64xf32, #tpu.memory_space<vmem>> -> memref<50x64xf32, #tpu.memory_space<vmem>>
      %dma_start3A_1278 = arith.constant 0 : i32
      %dma_start3A_1279 = arith.constant 0 : i32
      %dma_start3A_1280 = tpu.memref_slice %arg4[%add3A_1274, %dma_start3A_1278, %dma_start3A_1279] : memref<16384x50x64xf32, #tpu.memory_space<hbm>> -> memref<1x50x64xf32, #tpu.memory_space<hbm>>
      %dma_start3A_1281 = tpu.memref_squeeze %dma_start3A_1280 : memref<1x50x64xf32, #tpu.memory_space<hbm>> -> memref<50x64xf32, #tpu.memory_space<hbm>>
      %dma_start3A_1282 = arith.constant 0 : i32
      %dma_start3A_1283 = arith.constant 0 : i32
      %dma_start3A_1284 = tpu.memref_slice %arg4[%add3A_1274, %dma_start3A_1282, %dma_start3A_1283] : memref<16384x50x64xf32, #tpu.memory_space<hbm>> -> memref<1x50x64xf32, #tpu.memory_space<hbm>>
      %dma_start3A_1285 = tpu.memref_squeeze %dma_start3A_1284 : memref<1x50x64xf32, #tpu.memory_space<hbm>> -> memref<50x64xf32, #tpu.memory_space<hbm>>
      %dma_start3A_1286 = arith.constant 50 : i32
      %dma_start3A_1287 = arith.constant 0 : i32
      %dma_start3A_1288 = tpu.memref_slice %arg13[%dma_start3A_1286, %dma_start3A_1287] : memref<100x64xf32, #tpu.memory_space<vmem>> -> memref<50x64xf32, #tpu.memory_space<vmem>>
      tpu.enqueue_dma source(%dma_start3A_1288 : memref<50x64xf32, #tpu.memory_space<vmem>>) target(%dma_start3A_1285 : memref<50x64xf32, #tpu.memory_space<hbm>>) target_semaphore(%arg29 : memref<!tpu.dma_semaphore, #tpu.memory_space<semaphore_mem>>)
    }
    %scan3A_278 = arith.constant 32 : i32
    %add3A_279 = arith.constant 0 : i32
    %add3A_280 = arith.addi %mul3A_2, %add3A_279 : i32
    %dma_wait3A = arith.constant 0 : i32
    %dma_wait3A_281 = arith.constant 0 : i32
    %dma_wait3A_282 = tpu.memref_slice %arg6[%dma_wait3A, %dma_wait3A_281] : memref<100x64xf32, #tpu.memory_space<vmem>> -> memref<50x64xf32, #tpu.memory_space<vmem>>
    %dma_wait3A_283 = arith.constant 0 : i32
    %dma_wait3A_284 = arith.constant 0 : i32
    %dma_wait3A_285 = tpu.memref_slice %arg4[%add3A_280, %dma_wait3A_283, %dma_wait3A_284] : memref<16384x50x64xf32, #tpu.memory_space<hbm>> -> memref<1x50x64xf32, #tpu.memory_space<hbm>>
    %dma_wait3A_286 = tpu.memref_squeeze %dma_wait3A_285 : memref<1x50x64xf32, #tpu.memory_space<hbm>> -> memref<50x64xf32, #tpu.memory_space<hbm>>
    %dma_wait3A_287 = arith.constant 0 : i32
    %dma_wait3A_288 = arith.constant 0 : i32
    %dma_wait3A_289 = tpu.memref_slice %arg4[%add3A_280, %dma_wait3A_287, %dma_wait3A_288] : memref<16384x50x64xf32, #tpu.memory_space<hbm>> -> memref<1x50x64xf32, #tpu.memory_space<hbm>>
    %dma_wait3A_290 = tpu.memref_squeeze %dma_wait3A_289 : memref<1x50x64xf32, #tpu.memory_space<hbm>> -> memref<50x64xf32, #tpu.memory_space<hbm>>
    %dma_wait3A_291 = arith.constant 0 : i32
    %dma_wait3A_292 = arith.constant 0 : i32
    %dma_wait3A_293 = tpu.memref_slice %arg6[%dma_wait3A_291, %dma_wait3A_292] : memref<100x64xf32, #tpu.memory_space<vmem>> -> memref<50x64xf32, #tpu.memory_space<vmem>>
    tpu.wait_dma2 semaphore(%arg22 : memref<!tpu.dma_semaphore, #tpu.memory_space<semaphore_mem>>) src(%dma_wait3A_293 : memref<50x64xf32, #tpu.memory_space<vmem>>) dst(%dma_wait3A_290 : memref<50x64xf32, #tpu.memory_space<hbm>>)
    %add3A_294 = arith.constant 0 : i32
    %add3A_295 = arith.addi %mul3A_2, %add3A_294 : i32
    %add3A_296 = arith.constant 1 : i32
    %add3A_297 = arith.addi %add3A_295, %add3A_296 : i32
    %dma_wait3A_298 = arith.constant 50 : i32
    %dma_wait3A_299 = arith.constant 0 : i32
    %dma_wait3A_300 = tpu.memref_slice %arg6[%dma_wait3A_298, %dma_wait3A_299] : memref<100x64xf32, #tpu.memory_space<vmem>> -> memref<50x64xf32, #tpu.memory_space<vmem>>
    %dma_wait3A_301 = arith.constant 0 : i32
    %dma_wait3A_302 = arith.constant 0 : i32
    %dma_wait3A_303 = tpu.memref_slice %arg4[%add3A_297, %dma_wait3A_301, %dma_wait3A_302] : memref<16384x50x64xf32, #tpu.memory_space<hbm>> -> memref<1x50x64xf32, #tpu.memory_space<hbm>>
    %dma_wait3A_304 = tpu.memref_squeeze %dma_wait3A_303 : memref<1x50x64xf32, #tpu.memory_space<hbm>> -> memref<50x64xf32, #tpu.memory_space<hbm>>
    %dma_wait3A_305 = arith.constant 0 : i32
    %dma_wait3A_306 = arith.constant 0 : i32
    %dma_wait3A_307 = tpu.memref_slice %arg4[%add3A_297, %dma_wait3A_305, %dma_wait3A_306] : memref<16384x50x64xf32, #tpu.memory_space<hbm>> -> memref<1x50x64xf32, #tpu.memory_space<hbm>>
    %dma_wait3A_308 = tpu.memref_squeeze %dma_wait3A_307 : memref<1x50x64xf32, #tpu.memory_space<hbm>> -> memref<50x64xf32, #tpu.memory_space<hbm>>
    %dma_wait3A_309 = arith.constant 50 : i32
    %dma_wait3A_310 = arith.constant 0 : i32
    %dma_wait3A_311 = tpu.memref_slice %arg6[%dma_wait3A_309, %dma_wait3A_310] : memref<100x64xf32, #tpu.memory_space<vmem>> -> memref<50x64xf32, #tpu.memory_space<vmem>>
    tpu.wait_dma2 semaphore(%arg22 : memref<!tpu.dma_semaphore, #tpu.memory_space<semaphore_mem>>) src(%dma_wait3A_311 : memref<50x64xf32, #tpu.memory_space<vmem>>) dst(%dma_wait3A_308 : memref<50x64xf32, #tpu.memory_space<hbm>>)
    %add3A_312 = arith.constant 2 : i32
    %add3A_313 = arith.addi %mul3A_2, %add3A_312 : i32
    %dma_wait3A_314 = arith.constant 0 : i32
    %dma_wait3A_315 = arith.constant 0 : i32
    %dma_wait3A_316 = tpu.memref_slice %arg7[%dma_wait3A_314, %dma_wait3A_315] : memref<100x64xf32, #tpu.memory_space<vmem>> -> memref<50x64xf32, #tpu.memory_space<vmem>>
    %dma_wait3A_317 = arith.constant 0 : i32
    %dma_wait3A_318 = arith.constant 0 : i32
    %dma_wait3A_319 = tpu.memref_slice %arg4[%add3A_313, %dma_wait3A_317, %dma_wait3A_318] : memref<16384x50x64xf32, #tpu.memory_space<hbm>> -> memref<1x50x64xf32, #tpu.memory_space<hbm>>
    %dma_wait3A_320 = tpu.memref_squeeze %dma_wait3A_319 : memref<1x50x64xf32, #tpu.memory_space<hbm>> -> memref<50x64xf32, #tpu.memory_space<hbm>>
    %dma_wait3A_321 = arith.constant 0 : i32
    %dma_wait3A_322 = arith.constant 0 : i32
    %dma_wait3A_323 = tpu.memref_slice %arg4[%add3A_313, %dma_wait3A_321, %dma_wait3A_322] : memref<16384x50x64xf32, #tpu.memory_space<hbm>> -> memref<1x50x64xf32, #tpu.memory_space<hbm>>
    %dma_wait3A_324 = tpu.memref_squeeze %dma_wait3A_323 : memref<1x50x64xf32, #tpu.memory_space<hbm>> -> memref<50x64xf32, #tpu.memory_space<hbm>>
    %dma_wait3A_325 = arith.constant 0 : i32
    %dma_wait3A_326 = arith.constant 0 : i32
    %dma_wait3A_327 = tpu.memref_slice %arg7[%dma_wait3A_325, %dma_wait3A_326] : memref<100x64xf32, #tpu.memory_space<vmem>> -> memref<50x64xf32, #tpu.memory_space<vmem>>
    tpu.wait_dma2 semaphore(%arg23 : memref<!tpu.dma_semaphore, #tpu.memory_space<semaphore_mem>>) src(%dma_wait3A_327 : memref<50x64xf32, #tpu.memory_space<vmem>>) dst(%dma_wait3A_324 : memref<50x64xf32, #tpu.memory_space<hbm>>)
    %add3A_328 = arith.constant 2 : i32
    %add3A_329 = arith.addi %mul3A_2, %add3A_328 : i32
    %add3A_330 = arith.constant 1 : i32
    %add3A_331 = arith.addi %add3A_329, %add3A_330 : i32
    %dma_wait3A_332 = arith.constant 50 : i32
    %dma_wait3A_333 = arith.constant 0 : i32
    %dma_wait3A_334 = tpu.memref_slice %arg7[%dma_wait3A_332, %dma_wait3A_333] : memref<100x64xf32, #tpu.memory_space<vmem>> -> memref<50x64xf32, #tpu.memory_space<vmem>>
    %dma_wait3A_335 = arith.constant 0 : i32
    %dma_wait3A_336 = arith.constant 0 : i32
    %dma_wait3A_337 = tpu.memref_slice %arg4[%add3A_331, %dma_wait3A_335, %dma_wait3A_336] : memref<16384x50x64xf32, #tpu.memory_space<hbm>> -> memref<1x50x64xf32, #tpu.memory_space<hbm>>
    %dma_wait3A_338 = tpu.memref_squeeze %dma_wait3A_337 : memref<1x50x64xf32, #tpu.memory_space<hbm>> -> memref<50x64xf32, #tpu.memory_space<hbm>>
    %dma_wait3A_339 = arith.constant 0 : i32
    %dma_wait3A_340 = arith.constant 0 : i32
    %dma_wait3A_341 = tpu.memref_slice %arg4[%add3A_331, %dma_wait3A_339, %dma_wait3A_340] : memref<16384x50x64xf32, #tpu.memory_space<hbm>> -> memref<1x50x64xf32, #tpu.memory_space<hbm>>
    %dma_wait3A_342 = tpu.memref_squeeze %dma_wait3A_341 : memref<1x50x64xf32, #tpu.memory_space<hbm>> -> memref<50x64xf32, #tpu.memory_space<hbm>>
    %dma_wait3A_343 = arith.constant 50 : i32
    %dma_wait3A_344 = arith.constant 0 : i32
    %dma_wait3A_345 = tpu.memref_slice %arg7[%dma_wait3A_343, %dma_wait3A_344] : memref<100x64xf32, #tpu.memory_space<vmem>> -> memref<50x64xf32, #tpu.memory_space<vmem>>
    tpu.wait_dma2 semaphore(%arg23 : memref<!tpu.dma_semaphore, #tpu.memory_space<semaphore_mem>>) src(%dma_wait3A_345 : memref<50x64xf32, #tpu.memory_space<vmem>>) dst(%dma_wait3A_342 : memref<50x64xf32, #tpu.memory_space<hbm>>)
    %add3A_346 = arith.constant 4 : i32
    %add3A_347 = arith.addi %mul3A_2, %add3A_346 : i32
    %dma_wait3A_348 = arith.constant 0 : i32
    %dma_wait3A_349 = arith.constant 0 : i32
    %dma_wait3A_350 = tpu.memref_slice %arg8[%dma_wait3A_348, %dma_wait3A_349] : memref<100x64xf32, #tpu.memory_space<vmem>> -> memref<50x64xf32, #tpu.memory_space<vmem>>
    %dma_wait3A_351 = arith.constant 0 : i32
    %dma_wait3A_352 = arith.constant 0 : i32
    %dma_wait3A_353 = tpu.memref_slice %arg4[%add3A_347, %dma_wait3A_351, %dma_wait3A_352] : memref<16384x50x64xf32, #tpu.memory_space<hbm>> -> memref<1x50x64xf32, #tpu.memory_space<hbm>>
    %dma_wait3A_354 = tpu.memref_squeeze %dma_wait3A_353 : memref<1x50x64xf32, #tpu.memory_space<hbm>> -> memref<50x64xf32, #tpu.memory_space<hbm>>
    %dma_wait3A_355 = arith.constant 0 : i32
    %dma_wait3A_356 = arith.constant 0 : i32
    %dma_wait3A_357 = tpu.memref_slice %arg4[%add3A_347, %dma_wait3A_355, %dma_wait3A_356] : memref<16384x50x64xf32, #tpu.memory_space<hbm>> -> memref<1x50x64xf32, #tpu.memory_space<hbm>>
    %dma_wait3A_358 = tpu.memref_squeeze %dma_wait3A_357 : memref<1x50x64xf32, #tpu.memory_space<hbm>> -> memref<50x64xf32, #tpu.memory_space<hbm>>
    %dma_wait3A_359 = arith.constant 0 : i32
    %dma_wait3A_360 = arith.constant 0 : i32
    %dma_wait3A_361 = tpu.memref_slice %arg8[%dma_wait3A_359, %dma_wait3A_360] : memref<100x64xf32, #tpu.memory_space<vmem>> -> memref<50x64xf32, #tpu.memory_space<vmem>>
    tpu.wait_dma2 semaphore(%arg24 : memref<!tpu.dma_semaphore, #tpu.memory_space<semaphore_mem>>) src(%dma_wait3A_361 : memref<50x64xf32, #tpu.memory_space<vmem>>) dst(%dma_wait3A_358 : memref<50x64xf32, #tpu.memory_space<hbm>>)
    %add3A_362 = arith.constant 4 : i32
    %add3A_363 = arith.addi %mul3A_2, %add3A_362 : i32
    %add3A_364 = arith.constant 1 : i32
    %add3A_365 = arith.addi %add3A_363, %add3A_364 : i32
    %dma_wait3A_366 = arith.constant 50 : i32
    %dma_wait3A_367 = arith.constant 0 : i32
    %dma_wait3A_368 = tpu.memref_slice %arg8[%dma_wait3A_366, %dma_wait3A_367] : memref<100x64xf32, #tpu.memory_space<vmem>> -> memref<50x64xf32, #tpu.memory_space<vmem>>
    %dma_wait3A_369 = arith.constant 0 : i32
    %dma_wait3A_370 = arith.constant 0 : i32
    %dma_wait3A_371 = tpu.memref_slice %arg4[%add3A_365, %dma_wait3A_369, %dma_wait3A_370] : memref<16384x50x64xf32, #tpu.memory_space<hbm>> -> memref<1x50x64xf32, #tpu.memory_space<hbm>>
    %dma_wait3A_372 = tpu.memref_squeeze %dma_wait3A_371 : memref<1x50x64xf32, #tpu.memory_space<hbm>> -> memref<50x64xf32, #tpu.memory_space<hbm>>
    %dma_wait3A_373 = arith.constant 0 : i32
    %dma_wait3A_374 = arith.constant 0 : i32
    %dma_wait3A_375 = tpu.memref_slice %arg4[%add3A_365, %dma_wait3A_373, %dma_wait3A_374] : memref<16384x50x64xf32, #tpu.memory_space<hbm>> -> memref<1x50x64xf32, #tpu.memory_space<hbm>>
    %dma_wait3A_376 = tpu.memref_squeeze %dma_wait3A_375 : memref<1x50x64xf32, #tpu.memory_space<hbm>> -> memref<50x64xf32, #tpu.memory_space<hbm>>
    %dma_wait3A_377 = arith.constant 50 : i32
    %dma_wait3A_378 = arith.constant 0 : i32
    %dma_wait3A_379 = tpu.memref_slice %arg8[%dma_wait3A_377, %dma_wait3A_378] : memref<100x64xf32, #tpu.memory_space<vmem>> -> memref<50x64xf32, #tpu.memory_space<vmem>>
    tpu.wait_dma2 semaphore(%arg24 : memref<!tpu.dma_semaphore, #tpu.memory_space<semaphore_mem>>) src(%dma_wait3A_379 : memref<50x64xf32, #tpu.memory_space<vmem>>) dst(%dma_wait3A_376 : memref<50x64xf32, #tpu.memory_space<hbm>>)
    %add3A_380 = arith.constant 6 : i32
    %add3A_381 = arith.addi %mul3A_2, %add3A_380 : i32
    %dma_wait3A_382 = arith.constant 0 : i32
    %dma_wait3A_383 = arith.constant 0 : i32
    %dma_wait3A_384 = tpu.memref_slice %arg9[%dma_wait3A_382, %dma_wait3A_383] : memref<100x64xf32, #tpu.memory_space<vmem>> -> memref<50x64xf32, #tpu.memory_space<vmem>>
    %dma_wait3A_385 = arith.constant 0 : i32
    %dma_wait3A_386 = arith.constant 0 : i32
    %dma_wait3A_387 = tpu.memref_slice %arg4[%add3A_381, %dma_wait3A_385, %dma_wait3A_386] : memref<16384x50x64xf32, #tpu.memory_space<hbm>> -> memref<1x50x64xf32, #tpu.memory_space<hbm>>
    %dma_wait3A_388 = tpu.memref_squeeze %dma_wait3A_387 : memref<1x50x64xf32, #tpu.memory_space<hbm>> -> memref<50x64xf32, #tpu.memory_space<hbm>>
    %dma_wait3A_389 = arith.constant 0 : i32
    %dma_wait3A_390 = arith.constant 0 : i32
    %dma_wait3A_391 = tpu.memref_slice %arg4[%add3A_381, %dma_wait3A_389, %dma_wait3A_390] : memref<16384x50x64xf32, #tpu.memory_space<hbm>> -> memref<1x50x64xf32, #tpu.memory_space<hbm>>
    %dma_wait3A_392 = tpu.memref_squeeze %dma_wait3A_391 : memref<1x50x64xf32, #tpu.memory_space<hbm>> -> memref<50x64xf32, #tpu.memory_space<hbm>>
    %dma_wait3A_393 = arith.constant 0 : i32
    %dma_wait3A_394 = arith.constant 0 : i32
    %dma_wait3A_395 = tpu.memref_slice %arg9[%dma_wait3A_393, %dma_wait3A_394] : memref<100x64xf32, #tpu.memory_space<vmem>> -> memref<50x64xf32, #tpu.memory_space<vmem>>
    tpu.wait_dma2 semaphore(%arg25 : memref<!tpu.dma_semaphore, #tpu.memory_space<semaphore_mem>>) src(%dma_wait3A_395 : memref<50x64xf32, #tpu.memory_space<vmem>>) dst(%dma_wait3A_392 : memref<50x64xf32, #tpu.memory_space<hbm>>)
    %add3A_396 = arith.constant 6 : i32
    %add3A_397 = arith.addi %mul3A_2, %add3A_396 : i32
    %add3A_398 = arith.constant 1 : i32
    %add3A_399 = arith.addi %add3A_397, %add3A_398 : i32
    %dma_wait3A_400 = arith.constant 50 : i32
    %dma_wait3A_401 = arith.constant 0 : i32
    %dma_wait3A_402 = tpu.memref_slice %arg9[%dma_wait3A_400, %dma_wait3A_401] : memref<100x64xf32, #tpu.memory_space<vmem>> -> memref<50x64xf32, #tpu.memory_space<vmem>>
    %dma_wait3A_403 = arith.constant 0 : i32
    %dma_wait3A_404 = arith.constant 0 : i32
    %dma_wait3A_405 = tpu.memref_slice %arg4[%add3A_399, %dma_wait3A_403, %dma_wait3A_404] : memref<16384x50x64xf32, #tpu.memory_space<hbm>> -> memref<1x50x64xf32, #tpu.memory_space<hbm>>
    %dma_wait3A_406 = tpu.memref_squeeze %dma_wait3A_405 : memref<1x50x64xf32, #tpu.memory_space<hbm>> -> memref<50x64xf32, #tpu.memory_space<hbm>>
    %dma_wait3A_407 = arith.constant 0 : i32
    %dma_wait3A_408 = arith.constant 0 : i32
    %dma_wait3A_409 = tpu.memref_slice %arg4[%add3A_399, %dma_wait3A_407, %dma_wait3A_408] : memref<16384x50x64xf32, #tpu.memory_space<hbm>> -> memref<1x50x64xf32, #tpu.memory_space<hbm>>
    %dma_wait3A_410 = tpu.memref_squeeze %dma_wait3A_409 : memref<1x50x64xf32, #tpu.memory_space<hbm>> -> memref<50x64xf32, #tpu.memory_space<hbm>>
    %dma_wait3A_411 = arith.constant 50 : i32
    %dma_wait3A_412 = arith.constant 0 : i32
    %dma_wait3A_413 = tpu.memref_slice %arg9[%dma_wait3A_411, %dma_wait3A_412] : memref<100x64xf32, #tpu.memory_space<vmem>> -> memref<50x64xf32, #tpu.memory_space<vmem>>
    tpu.wait_dma2 semaphore(%arg25 : memref<!tpu.dma_semaphore, #tpu.memory_space<semaphore_mem>>) src(%dma_wait3A_413 : memref<50x64xf32, #tpu.memory_space<vmem>>) dst(%dma_wait3A_410 : memref<50x64xf32, #tpu.memory_space<hbm>>)
    %add3A_414 = arith.constant 8 : i32
    %add3A_415 = arith.addi %mul3A_2, %add3A_414 : i32
    %dma_wait3A_416 = arith.constant 0 : i32
    %dma_wait3A_417 = arith.constant 0 : i32
    %dma_wait3A_418 = tpu.memref_slice %arg10[%dma_wait3A_416, %dma_wait3A_417] : memref<100x64xf32, #tpu.memory_space<vmem>> -> memref<50x64xf32, #tpu.memory_space<vmem>>
    %dma_wait3A_419 = arith.constant 0 : i32
    %dma_wait3A_420 = arith.constant 0 : i32
    %dma_wait3A_421 = tpu.memref_slice %arg4[%add3A_415, %dma_wait3A_419, %dma_wait3A_420] : memref<16384x50x64xf32, #tpu.memory_space<hbm>> -> memref<1x50x64xf32, #tpu.memory_space<hbm>>
    %dma_wait3A_422 = tpu.memref_squeeze %dma_wait3A_421 : memref<1x50x64xf32, #tpu.memory_space<hbm>> -> memref<50x64xf32, #tpu.memory_space<hbm>>
    %dma_wait3A_423 = arith.constant 0 : i32
    %dma_wait3A_424 = arith.constant 0 : i32
    %dma_wait3A_425 = tpu.memref_slice %arg4[%add3A_415, %dma_wait3A_423, %dma_wait3A_424] : memref<16384x50x64xf32, #tpu.memory_space<hbm>> -> memref<1x50x64xf32, #tpu.memory_space<hbm>>
    %dma_wait3A_426 = tpu.memref_squeeze %dma_wait3A_425 : memref<1x50x64xf32, #tpu.memory_space<hbm>> -> memref<50x64xf32, #tpu.memory_space<hbm>>
    %dma_wait3A_427 = arith.constant 0 : i32
    %dma_wait3A_428 = arith.constant 0 : i32
    %dma_wait3A_429 = tpu.memref_slice %arg10[%dma_wait3A_427, %dma_wait3A_428] : memref<100x64xf32, #tpu.memory_space<vmem>> -> memref<50x64xf32, #tpu.memory_space<vmem>>
    tpu.wait_dma2 semaphore(%arg26 : memref<!tpu.dma_semaphore, #tpu.memory_space<semaphore_mem>>) src(%dma_wait3A_429 : memref<50x64xf32, #tpu.memory_space<vmem>>) dst(%dma_wait3A_426 : memref<50x64xf32, #tpu.memory_space<hbm>>)
    %add3A_430 = arith.constant 8 : i32
    %add3A_431 = arith.addi %mul3A_2, %add3A_430 : i32
    %add3A_432 = arith.constant 1 : i32
    %add3A_433 = arith.addi %add3A_431, %add3A_432 : i32
    %dma_wait3A_434 = arith.constant 50 : i32
    %dma_wait3A_435 = arith.constant 0 : i32
    %dma_wait3A_436 = tpu.memref_slice %arg10[%dma_wait3A_434, %dma_wait3A_435] : memref<100x64xf32, #tpu.memory_space<vmem>> -> memref<50x64xf32, #tpu.memory_space<vmem>>
    %dma_wait3A_437 = arith.constant 0 : i32
    %dma_wait3A_438 = arith.constant 0 : i32
    %dma_wait3A_439 = tpu.memref_slice %arg4[%add3A_433, %dma_wait3A_437, %dma_wait3A_438] : memref<16384x50x64xf32, #tpu.memory_space<hbm>> -> memref<1x50x64xf32, #tpu.memory_space<hbm>>
    %dma_wait3A_440 = tpu.memref_squeeze %dma_wait3A_439 : memref<1x50x64xf32, #tpu.memory_space<hbm>> -> memref<50x64xf32, #tpu.memory_space<hbm>>
    %dma_wait3A_441 = arith.constant 0 : i32
    %dma_wait3A_442 = arith.constant 0 : i32
    %dma_wait3A_443 = tpu.memref_slice %arg4[%add3A_433, %dma_wait3A_441, %dma_wait3A_442] : memref<16384x50x64xf32, #tpu.memory_space<hbm>> -> memref<1x50x64xf32, #tpu.memory_space<hbm>>
    %dma_wait3A_444 = tpu.memref_squeeze %dma_wait3A_443 : memref<1x50x64xf32, #tpu.memory_space<hbm>> -> memref<50x64xf32, #tpu.memory_space<hbm>>
    %dma_wait3A_445 = arith.constant 50 : i32
    %dma_wait3A_446 = arith.constant 0 : i32
    %dma_wait3A_447 = tpu.memref_slice %arg10[%dma_wait3A_445, %dma_wait3A_446] : memref<100x64xf32, #tpu.memory_space<vmem>> -> memref<50x64xf32, #tpu.memory_space<vmem>>
    tpu.wait_dma2 semaphore(%arg26 : memref<!tpu.dma_semaphore, #tpu.memory_space<semaphore_mem>>) src(%dma_wait3A_447 : memref<50x64xf32, #tpu.memory_space<vmem>>) dst(%dma_wait3A_444 : memref<50x64xf32, #tpu.memory_space<hbm>>)
    %add3A_448 = arith.constant 10 : i32
    %add3A_449 = arith.addi %mul3A_2, %add3A_448 : i32
    %dma_wait3A_450 = arith.constant 0 : i32
    %dma_wait3A_451 = arith.constant 0 : i32
    %dma_wait3A_452 = tpu.memref_slice %arg11[%dma_wait3A_450, %dma_wait3A_451] : memref<100x64xf32, #tpu.memory_space<vmem>> -> memref<50x64xf32, #tpu.memory_space<vmem>>
    %dma_wait3A_453 = arith.constant 0 : i32
    %dma_wait3A_454 = arith.constant 0 : i32
    %dma_wait3A_455 = tpu.memref_slice %arg4[%add3A_449, %dma_wait3A_453, %dma_wait3A_454] : memref<16384x50x64xf32, #tpu.memory_space<hbm>> -> memref<1x50x64xf32, #tpu.memory_space<hbm>>
    %dma_wait3A_456 = tpu.memref_squeeze %dma_wait3A_455 : memref<1x50x64xf32, #tpu.memory_space<hbm>> -> memref<50x64xf32, #tpu.memory_space<hbm>>
    %dma_wait3A_457 = arith.constant 0 : i32
    %dma_wait3A_458 = arith.constant 0 : i32
    %dma_wait3A_459 = tpu.memref_slice %arg4[%add3A_449, %dma_wait3A_457, %dma_wait3A_458] : memref<16384x50x64xf32, #tpu.memory_space<hbm>> -> memref<1x50x64xf32, #tpu.memory_space<hbm>>
    %dma_wait3A_460 = tpu.memref_squeeze %dma_wait3A_459 : memref<1x50x64xf32, #tpu.memory_space<hbm>> -> memref<50x64xf32, #tpu.memory_space<hbm>>
    %dma_wait3A_461 = arith.constant 0 : i32
    %dma_wait3A_462 = arith.constant 0 : i32
    %dma_wait3A_463 = tpu.memref_slice %arg11[%dma_wait3A_461, %dma_wait3A_462] : memref<100x64xf32, #tpu.memory_space<vmem>> -> memref<50x64xf32, #tpu.memory_space<vmem>>
    tpu.wait_dma2 semaphore(%arg27 : memref<!tpu.dma_semaphore, #tpu.memory_space<semaphore_mem>>) src(%dma_wait3A_463 : memref<50x64xf32, #tpu.memory_space<vmem>>) dst(%dma_wait3A_460 : memref<50x64xf32, #tpu.memory_space<hbm>>)
    %add3A_464 = arith.constant 10 : i32
    %add3A_465 = arith.addi %mul3A_2, %add3A_464 : i32
    %add3A_466 = arith.constant 1 : i32
    %add3A_467 = arith.addi %add3A_465, %add3A_466 : i32
    %dma_wait3A_468 = arith.constant 50 : i32
    %dma_wait3A_469 = arith.constant 0 : i32
    %dma_wait3A_470 = tpu.memref_slice %arg11[%dma_wait3A_468, %dma_wait3A_469] : memref<100x64xf32, #tpu.memory_space<vmem>> -> memref<50x64xf32, #tpu.memory_space<vmem>>
    %dma_wait3A_471 = arith.constant 0 : i32
    %dma_wait3A_472 = arith.constant 0 : i32
    %dma_wait3A_473 = tpu.memref_slice %arg4[%add3A_467, %dma_wait3A_471, %dma_wait3A_472] : memref<16384x50x64xf32, #tpu.memory_space<hbm>> -> memref<1x50x64xf32, #tpu.memory_space<hbm>>
    %dma_wait3A_474 = tpu.memref_squeeze %dma_wait3A_473 : memref<1x50x64xf32, #tpu.memory_space<hbm>> -> memref<50x64xf32, #tpu.memory_space<hbm>>
    %dma_wait3A_475 = arith.constant 0 : i32
    %dma_wait3A_476 = arith.constant 0 : i32
    %dma_wait3A_477 = tpu.memref_slice %arg4[%add3A_467, %dma_wait3A_475, %dma_wait3A_476] : memref<16384x50x64xf32, #tpu.memory_space<hbm>> -> memref<1x50x64xf32, #tpu.memory_space<hbm>>
    %dma_wait3A_478 = tpu.memref_squeeze %dma_wait3A_477 : memref<1x50x64xf32, #tpu.memory_space<hbm>> -> memref<50x64xf32, #tpu.memory_space<hbm>>
    %dma_wait3A_479 = arith.constant 50 : i32
    %dma_wait3A_480 = arith.constant 0 : i32
    %dma_wait3A_481 = tpu.memref_slice %arg11[%dma_wait3A_479, %dma_wait3A_480] : memref<100x64xf32, #tpu.memory_space<vmem>> -> memref<50x64xf32, #tpu.memory_space<vmem>>
    tpu.wait_dma2 semaphore(%arg27 : memref<!tpu.dma_semaphore, #tpu.memory_space<semaphore_mem>>) src(%dma_wait3A_481 : memref<50x64xf32, #tpu.memory_space<vmem>>) dst(%dma_wait3A_478 : memref<50x64xf32, #tpu.memory_space<hbm>>)
    %add3A_482 = arith.constant 12 : i32
    %add3A_483 = arith.addi %mul3A_2, %add3A_482 : i32
    %dma_wait3A_484 = arith.constant 0 : i32
    %dma_wait3A_485 = arith.constant 0 : i32
    %dma_wait3A_486 = tpu.memref_slice %arg12[%dma_wait3A_484, %dma_wait3A_485] : memref<100x64xf32, #tpu.memory_space<vmem>> -> memref<50x64xf32, #tpu.memory_space<vmem>>
    %dma_wait3A_487 = arith.constant 0 : i32
    %dma_wait3A_488 = arith.constant 0 : i32
    %dma_wait3A_489 = tpu.memref_slice %arg4[%add3A_483, %dma_wait3A_487, %dma_wait3A_488] : memref<16384x50x64xf32, #tpu.memory_space<hbm>> -> memref<1x50x64xf32, #tpu.memory_space<hbm>>
    %dma_wait3A_490 = tpu.memref_squeeze %dma_wait3A_489 : memref<1x50x64xf32, #tpu.memory_space<hbm>> -> memref<50x64xf32, #tpu.memory_space<hbm>>
    %dma_wait3A_491 = arith.constant 0 : i32
    %dma_wait3A_492 = arith.constant 0 : i32
    %dma_wait3A_493 = tpu.memref_slice %arg4[%add3A_483, %dma_wait3A_491, %dma_wait3A_492] : memref<16384x50x64xf32, #tpu.memory_space<hbm>> -> memref<1x50x64xf32, #tpu.memory_space<hbm>>
    %dma_wait3A_494 = tpu.memref_squeeze %dma_wait3A_493 : memref<1x50x64xf32, #tpu.memory_space<hbm>> -> memref<50x64xf32, #tpu.memory_space<hbm>>
    %dma_wait3A_495 = arith.constant 0 : i32
    %dma_wait3A_496 = arith.constant 0 : i32
    %dma_wait3A_497 = tpu.memref_slice %arg12[%dma_wait3A_495, %dma_wait3A_496] : memref<100x64xf32, #tpu.memory_space<vmem>> -> memref<50x64xf32, #tpu.memory_space<vmem>>
    tpu.wait_dma2 semaphore(%arg28 : memref<!tpu.dma_semaphore, #tpu.memory_space<semaphore_mem>>) src(%dma_wait3A_497 : memref<50x64xf32, #tpu.memory_space<vmem>>) dst(%dma_wait3A_494 : memref<50x64xf32, #tpu.memory_space<hbm>>)
    %add3A_498 = arith.constant 12 : i32
    %add3A_499 = arith.addi %mul3A_2, %add3A_498 : i32
    %add3A_500 = arith.constant 1 : i32
    %add3A_501 = arith.addi %add3A_499, %add3A_500 : i32
    %dma_wait3A_502 = arith.constant 50 : i32
    %dma_wait3A_503 = arith.constant 0 : i32
    %dma_wait3A_504 = tpu.memref_slice %arg12[%dma_wait3A_502, %dma_wait3A_503] : memref<100x64xf32, #tpu.memory_space<vmem>> -> memref<50x64xf32, #tpu.memory_space<vmem>>
    %dma_wait3A_505 = arith.constant 0 : i32
    %dma_wait3A_506 = arith.constant 0 : i32
    %dma_wait3A_507 = tpu.memref_slice %arg4[%add3A_501, %dma_wait3A_505, %dma_wait3A_506] : memref<16384x50x64xf32, #tpu.memory_space<hbm>> -> memref<1x50x64xf32, #tpu.memory_space<hbm>>
    %dma_wait3A_508 = tpu.memref_squeeze %dma_wait3A_507 : memref<1x50x64xf32, #tpu.memory_space<hbm>> -> memref<50x64xf32, #tpu.memory_space<hbm>>
    %dma_wait3A_509 = arith.constant 0 : i32
    %dma_wait3A_510 = arith.constant 0 : i32
    %dma_wait3A_511 = tpu.memref_slice %arg4[%add3A_501, %dma_wait3A_509, %dma_wait3A_510] : memref<16384x50x64xf32, #tpu.memory_space<hbm>> -> memref<1x50x64xf32, #tpu.memory_space<hbm>>
    %dma_wait3A_512 = tpu.memref_squeeze %dma_wait3A_511 : memref<1x50x64xf32, #tpu.memory_space<hbm>> -> memref<50x64xf32, #tpu.memory_space<hbm>>
    %dma_wait3A_513 = arith.constant 50 : i32
    %dma_wait3A_514 = arith.constant 0 : i32
    %dma_wait3A_515 = tpu.memref_slice %arg12[%dma_wait3A_513, %dma_wait3A_514] : memref<100x64xf32, #tpu.memory_space<vmem>> -> memref<50x64xf32, #tpu.memory_space<vmem>>
    tpu.wait_dma2 semaphore(%arg28 : memref<!tpu.dma_semaphore, #tpu.memory_space<semaphore_mem>>) src(%dma_wait3A_515 : memref<50x64xf32, #tpu.memory_space<vmem>>) dst(%dma_wait3A_512 : memref<50x64xf32, #tpu.memory_space<hbm>>)
    %add3A_516 = arith.constant 14 : i32
    %add3A_517 = arith.addi %mul3A_2, %add3A_516 : i32
    %dma_wait3A_518 = arith.constant 0 : i32
    %dma_wait3A_519 = arith.constant 0 : i32
    %dma_wait3A_520 = tpu.memref_slice %arg13[%dma_wait3A_518, %dma_wait3A_519] : memref<100x64xf32, #tpu.memory_space<vmem>> -> memref<50x64xf32, #tpu.memory_space<vmem>>
    %dma_wait3A_521 = arith.constant 0 : i32
    %dma_wait3A_522 = arith.constant 0 : i32
    %dma_wait3A_523 = tpu.memref_slice %arg4[%add3A_517, %dma_wait3A_521, %dma_wait3A_522] : memref<16384x50x64xf32, #tpu.memory_space<hbm>> -> memref<1x50x64xf32, #tpu.memory_space<hbm>>
    %dma_wait3A_524 = tpu.memref_squeeze %dma_wait3A_523 : memref<1x50x64xf32, #tpu.memory_space<hbm>> -> memref<50x64xf32, #tpu.memory_space<hbm>>
    %dma_wait3A_525 = arith.constant 0 : i32
    %dma_wait3A_526 = arith.constant 0 : i32
    %dma_wait3A_527 = tpu.memref_slice %arg4[%add3A_517, %dma_wait3A_525, %dma_wait3A_526] : memref<16384x50x64xf32, #tpu.memory_space<hbm>> -> memref<1x50x64xf32, #tpu.memory_space<hbm>>
    %dma_wait3A_528 = tpu.memref_squeeze %dma_wait3A_527 : memref<1x50x64xf32, #tpu.memory_space<hbm>> -> memref<50x64xf32, #tpu.memory_space<hbm>>
    %dma_wait3A_529 = arith.constant 0 : i32
    %dma_wait3A_530 = arith.constant 0 : i32
    %dma_wait3A_531 = tpu.memref_slice %arg13[%dma_wait3A_529, %dma_wait3A_530] : memref<100x64xf32, #tpu.memory_space<vmem>> -> memref<50x64xf32, #tpu.memory_space<vmem>>
    tpu.wait_dma2 semaphore(%arg29 : memref<!tpu.dma_semaphore, #tpu.memory_space<semaphore_mem>>) src(%dma_wait3A_531 : memref<50x64xf32, #tpu.memory_space<vmem>>) dst(%dma_wait3A_528 : memref<50x64xf32, #tpu.memory_space<hbm>>)
    %add3A_532 = arith.constant 14 : i32
    %add3A_533 = arith.addi %mul3A_2, %add3A_532 : i32
    %add3A_534 = arith.constant 1 : i32
    %add3A_535 = arith.addi %add3A_533, %add3A_534 : i32
    %dma_wait3A_536 = arith.constant 50 : i32
    %dma_wait3A_537 = arith.constant 0 : i32
    %dma_wait3A_538 = tpu.memref_slice %arg13[%dma_wait3A_536, %dma_wait3A_537] : memref<100x64xf32, #tpu.memory_space<vmem>> -> memref<50x64xf32, #tpu.memory_space<vmem>>
    %dma_wait3A_539 = arith.constant 0 : i32
    %dma_wait3A_540 = arith.constant 0 : i32
    %dma_wait3A_541 = tpu.memref_slice %arg4[%add3A_535, %dma_wait3A_539, %dma_wait3A_540] : memref<16384x50x64xf32, #tpu.memory_space<hbm>> -> memref<1x50x64xf32, #tpu.memory_space<hbm>>
    %dma_wait3A_542 = tpu.memref_squeeze %dma_wait3A_541 : memref<1x50x64xf32, #tpu.memory_space<hbm>> -> memref<50x64xf32, #tpu.memory_space<hbm>>
    %dma_wait3A_543 = arith.constant 0 : i32
    %dma_wait3A_544 = arith.constant 0 : i32
    %dma_wait3A_545 = tpu.memref_slice %arg4[%add3A_535, %dma_wait3A_543, %dma_wait3A_544] : memref<16384x50x64xf32, #tpu.memory_space<hbm>> -> memref<1x50x64xf32, #tpu.memory_space<hbm>>
    %dma_wait3A_546 = tpu.memref_squeeze %dma_wait3A_545 : memref<1x50x64xf32, #tpu.memory_space<hbm>> -> memref<50x64xf32, #tpu.memory_space<hbm>>
    %dma_wait3A_547 = arith.constant 50 : i32
    %dma_wait3A_548 = arith.constant 0 : i32
    %dma_wait3A_549 = tpu.memref_slice %arg13[%dma_wait3A_547, %dma_wait3A_548] : memref<100x64xf32, #tpu.memory_space<vmem>> -> memref<50x64xf32, #tpu.memory_space<vmem>>
    tpu.wait_dma2 semaphore(%arg29 : memref<!tpu.dma_semaphore, #tpu.memory_space<semaphore_mem>>) src(%dma_wait3A_549 : memref<50x64xf32, #tpu.memory_space<vmem>>) dst(%dma_wait3A_546 : memref<50x64xf32, #tpu.memory_space<hbm>>)
    return
  }
}

module attributes {stable_mosaic.version = 14 : i64} {
  func.func @_mask_body(%arg0: i32, %arg1: memref<2000x128xf32, #tpu.memory_space<vmem>>, %arg2: memref<2000x128xf32, #tpu.memory_space<vmem>>) attributes {dimension_semantics = [#tpu.dimension_semantics<arbitrary>], iteration_bounds = array<i64: 250>, scalar_prefetch = 0 : i64, scratch_operands = 0 : i64, tpu.core_type = #tpu.core_type<tc>, window_params = [{transform_indices = @transform_0, window_bounds = array<i64: 2000, 128>}, {transform_indices = @transform_1, window_bounds = array<i64: 2000, 128>}]} {
    %get3A = arith.constant 0 : index
    %get3A_0 = arith.constant 0 : index
    %get3A_1 = vector.load %arg1[%get3A, %get3A_0] : memref<2000x128xf32, #tpu.memory_space<vmem>>, vector<2000x128xf32>
    %iota3A = tpu.iota {dimensions = array<i32: 0>} : vector<2000x128xi32>
    %iota3A_2 = tpu.iota {dimensions = array<i32: 1>} : vector<2000x128xi32>
    %mul3A = arith.constant 256000 : i32
    %mul3A_3 = arith.muli %arg0, %mul3A : i32
    %mul3A_4 = arith.constant 128 : i32
    %mul3A_5 = vector.broadcast %mul3A_4 : i32 to vector<2000x128xi32>
    %mul3A_6 = arith.muli %iota3A, %mul3A_5 : vector<2000x128xi32>
    %add3A = vector.broadcast %mul3A_3 : i32 to vector<2000x128xi32>
    %add3A_7 = arith.addi %add3A, %mul3A_6 : vector<2000x128xi32>
    %add3A_8 = arith.addi %add3A_7, %iota3A_2 : vector<2000x128xi32>
    %broadcast_in_dim3A = arith.constant -2047452283 : i32
    %broadcast_in_dim3A_9 = vector.broadcast %broadcast_in_dim3A : i32 to vector<2000x128xi32>
    %add3A_10 = arith.constant -1749498911 : i32
    %add3A_11 = vector.broadcast %add3A_10 : i32 to vector<2000x128xi32>
    %add3A_12 = arith.addi %add3A_8, %add3A_11 : vector<2000x128xi32>
    %add3A_13 = arith.addi %broadcast_in_dim3A_9, %add3A_12 : vector<2000x128xi32>
    %shift_left3A = arith.constant 13 : i32
    %shift_left3A_14 = vector.broadcast %shift_left3A : i32 to vector<2000x128xi32>
    %shift_left3A_15 = arith.shli %add3A_12, %shift_left3A_14 : vector<2000x128xi32>
    %shift_right_logical3A = arith.constant 19 : i32
    %shift_right_logical3A_16 = vector.broadcast %shift_right_logical3A : i32 to vector<2000x128xi32>
    %shift_right_logical3A_17 = arith.shrui %add3A_12, %shift_right_logical3A_16 : vector<2000x128xi32>
    %or3A = arith.ori %shift_left3A_15, %shift_right_logical3A_17 : vector<2000x128xi32>
    %xor3A = arith.xori %or3A, %add3A_13 : vector<2000x128xi32>
    %add3A_18 = arith.addi %add3A_13, %xor3A : vector<2000x128xi32>
    %shift_left3A_19 = arith.constant 15 : i32
    %shift_left3A_20 = vector.broadcast %shift_left3A_19 : i32 to vector<2000x128xi32>
    %shift_left3A_21 = arith.shli %xor3A, %shift_left3A_20 : vector<2000x128xi32>
    %shift_right_logical3A_22 = arith.constant 17 : i32
    %shift_right_logical3A_23 = vector.broadcast %shift_right_logical3A_22 : i32 to vector<2000x128xi32>
    %shift_right_logical3A_24 = arith.shrui %xor3A, %shift_right_logical3A_23 : vector<2000x128xi32>
    %or3A_25 = arith.ori %shift_left3A_21, %shift_right_logical3A_24 : vector<2000x128xi32>
    %xor3A_26 = arith.xori %or3A_25, %add3A_18 : vector<2000x128xi32>
    %add3A_27 = arith.addi %add3A_18, %xor3A_26 : vector<2000x128xi32>
    %shift_left3A_28 = arith.constant 26 : i32
    %shift_left3A_29 = vector.broadcast %shift_left3A_28 : i32 to vector<2000x128xi32>
    %shift_left3A_30 = arith.shli %xor3A_26, %shift_left3A_29 : vector<2000x128xi32>
    %shift_right_logical3A_31 = arith.constant 6 : i32
    %shift_right_logical3A_32 = vector.broadcast %shift_right_logical3A_31 : i32 to vector<2000x128xi32>
    %shift_right_logical3A_33 = arith.shrui %xor3A_26, %shift_right_logical3A_32 : vector<2000x128xi32>
    %or3A_34 = arith.ori %shift_left3A_30, %shift_right_logical3A_33 : vector<2000x128xi32>
    %xor3A_35 = arith.xori %or3A_34, %add3A_27 : vector<2000x128xi32>
    %add3A_36 = arith.addi %add3A_27, %xor3A_35 : vector<2000x128xi32>
    %shift_left3A_37 = arith.constant 6 : i32
    %shift_left3A_38 = vector.broadcast %shift_left3A_37 : i32 to vector<2000x128xi32>
    %shift_left3A_39 = arith.shli %xor3A_35, %shift_left3A_38 : vector<2000x128xi32>
    %shift_right_logical3A_40 = arith.constant 26 : i32
    %shift_right_logical3A_41 = vector.broadcast %shift_right_logical3A_40 : i32 to vector<2000x128xi32>
    %shift_right_logical3A_42 = arith.shrui %xor3A_35, %shift_right_logical3A_41 : vector<2000x128xi32>
    %or3A_43 = arith.ori %shift_left3A_39, %shift_right_logical3A_42 : vector<2000x128xi32>
    %xor3A_44 = arith.xori %or3A_43, %add3A_36 : vector<2000x128xi32>
    %add3A_45 = arith.constant -1749498911 : i32
    %add3A_46 = vector.broadcast %add3A_45 : i32 to vector<2000x128xi32>
    %add3A_47 = arith.addi %add3A_36, %add3A_46 : vector<2000x128xi32>
    %add3A_48 = arith.constant 161448894 : i32
    %add3A_49 = vector.broadcast %add3A_48 : i32 to vector<2000x128xi32>
    %add3A_50 = arith.addi %xor3A_44, %add3A_49 : vector<2000x128xi32>
    %add3A_51 = arith.constant 1 : i32
    %add3A_52 = vector.broadcast %add3A_51 : i32 to vector<2000x128xi32>
    %add3A_53 = arith.addi %add3A_50, %add3A_52 : vector<2000x128xi32>
    %add3A_54 = arith.addi %add3A_47, %add3A_53 : vector<2000x128xi32>
    %shift_left3A_55 = arith.constant 17 : i32
    %shift_left3A_56 = vector.broadcast %shift_left3A_55 : i32 to vector<2000x128xi32>
    %shift_left3A_57 = arith.shli %add3A_53, %shift_left3A_56 : vector<2000x128xi32>
    %shift_right_logical3A_58 = arith.constant 15 : i32
    %shift_right_logical3A_59 = vector.broadcast %shift_right_logical3A_58 : i32 to vector<2000x128xi32>
    %shift_right_logical3A_60 = arith.shrui %add3A_53, %shift_right_logical3A_59 : vector<2000x128xi32>
    %or3A_61 = arith.ori %shift_left3A_57, %shift_right_logical3A_60 : vector<2000x128xi32>
    %xor3A_62 = arith.xori %or3A_61, %add3A_54 : vector<2000x128xi32>
    %add3A_63 = arith.addi %add3A_54, %xor3A_62 : vector<2000x128xi32>
    %shift_left3A_64 = arith.constant 29 : i32
    %shift_left3A_65 = vector.broadcast %shift_left3A_64 : i32 to vector<2000x128xi32>
    %shift_left3A_66 = arith.shli %xor3A_62, %shift_left3A_65 : vector<2000x128xi32>
    %shift_right_logical3A_67 = arith.constant 3 : i32
    %shift_right_logical3A_68 = vector.broadcast %shift_right_logical3A_67 : i32 to vector<2000x128xi32>
    %shift_right_logical3A_69 = arith.shrui %xor3A_62, %shift_right_logical3A_68 : vector<2000x128xi32>
    %or3A_70 = arith.ori %shift_left3A_66, %shift_right_logical3A_69 : vector<2000x128xi32>
    %xor3A_71 = arith.xori %or3A_70, %add3A_63 : vector<2000x128xi32>
    %add3A_72 = arith.addi %add3A_63, %xor3A_71 : vector<2000x128xi32>
    %shift_left3A_73 = arith.constant 16 : i32
    %shift_left3A_74 = vector.broadcast %shift_left3A_73 : i32 to vector<2000x128xi32>
    %shift_left3A_75 = arith.shli %xor3A_71, %shift_left3A_74 : vector<2000x128xi32>
    %shift_right_logical3A_76 = arith.constant 16 : i32
    %shift_right_logical3A_77 = vector.broadcast %shift_right_logical3A_76 : i32 to vector<2000x128xi32>
    %shift_right_logical3A_78 = arith.shrui %xor3A_71, %shift_right_logical3A_77 : vector<2000x128xi32>
    %or3A_79 = arith.ori %shift_left3A_75, %shift_right_logical3A_78 : vector<2000x128xi32>
    %xor3A_80 = arith.xori %or3A_79, %add3A_72 : vector<2000x128xi32>
    %add3A_81 = arith.addi %add3A_72, %xor3A_80 : vector<2000x128xi32>
    %shift_left3A_82 = arith.constant 24 : i32
    %shift_left3A_83 = vector.broadcast %shift_left3A_82 : i32 to vector<2000x128xi32>
    %shift_left3A_84 = arith.shli %xor3A_80, %shift_left3A_83 : vector<2000x128xi32>
    %shift_right_logical3A_85 = arith.constant 8 : i32
    %shift_right_logical3A_86 = vector.broadcast %shift_right_logical3A_85 : i32 to vector<2000x128xi32>
    %shift_right_logical3A_87 = arith.shrui %xor3A_80, %shift_right_logical3A_86 : vector<2000x128xi32>
    %or3A_88 = arith.ori %shift_left3A_84, %shift_right_logical3A_87 : vector<2000x128xi32>
    %xor3A_89 = arith.xori %or3A_88, %add3A_81 : vector<2000x128xi32>
    %add3A_90 = arith.constant 161448894 : i32
    %add3A_91 = vector.broadcast %add3A_90 : i32 to vector<2000x128xi32>
    %add3A_92 = arith.addi %add3A_81, %add3A_91 : vector<2000x128xi32>
    %add3A_93 = arith.constant -2047452283 : i32
    %add3A_94 = vector.broadcast %add3A_93 : i32 to vector<2000x128xi32>
    %add3A_95 = arith.addi %xor3A_89, %add3A_94 : vector<2000x128xi32>
    %add3A_96 = arith.constant 2 : i32
    %add3A_97 = vector.broadcast %add3A_96 : i32 to vector<2000x128xi32>
    %add3A_98 = arith.addi %add3A_95, %add3A_97 : vector<2000x128xi32>
    %add3A_99 = arith.addi %add3A_92, %add3A_98 : vector<2000x128xi32>
    %shift_left3A_100 = arith.constant 13 : i32
    %shift_left3A_101 = vector.broadcast %shift_left3A_100 : i32 to vector<2000x128xi32>
    %shift_left3A_102 = arith.shli %add3A_98, %shift_left3A_101 : vector<2000x128xi32>
    %shift_right_logical3A_103 = arith.constant 19 : i32
    %shift_right_logical3A_104 = vector.broadcast %shift_right_logical3A_103 : i32 to vector<2000x128xi32>
    %shift_right_logical3A_105 = arith.shrui %add3A_98, %shift_right_logical3A_104 : vector<2000x128xi32>
    %or3A_106 = arith.ori %shift_left3A_102, %shift_right_logical3A_105 : vector<2000x128xi32>
    %xor3A_107 = arith.xori %or3A_106, %add3A_99 : vector<2000x128xi32>
    %add3A_108 = arith.addi %add3A_99, %xor3A_107 : vector<2000x128xi32>
    %shift_left3A_109 = arith.constant 15 : i32
    %shift_left3A_110 = vector.broadcast %shift_left3A_109 : i32 to vector<2000x128xi32>
    %shift_left3A_111 = arith.shli %xor3A_107, %shift_left3A_110 : vector<2000x128xi32>
    %shift_right_logical3A_112 = arith.constant 17 : i32
    %shift_right_logical3A_113 = vector.broadcast %shift_right_logical3A_112 : i32 to vector<2000x128xi32>
    %shift_right_logical3A_114 = arith.shrui %xor3A_107, %shift_right_logical3A_113 : vector<2000x128xi32>
    %or3A_115 = arith.ori %shift_left3A_111, %shift_right_logical3A_114 : vector<2000x128xi32>
    %xor3A_116 = arith.xori %or3A_115, %add3A_108 : vector<2000x128xi32>
    %add3A_117 = arith.addi %add3A_108, %xor3A_116 : vector<2000x128xi32>
    %shift_left3A_118 = arith.constant 26 : i32
    %shift_left3A_119 = vector.broadcast %shift_left3A_118 : i32 to vector<2000x128xi32>
    %shift_left3A_120 = arith.shli %xor3A_116, %shift_left3A_119 : vector<2000x128xi32>
    %shift_right_logical3A_121 = arith.constant 6 : i32
    %shift_right_logical3A_122 = vector.broadcast %shift_right_logical3A_121 : i32 to vector<2000x128xi32>
    %shift_right_logical3A_123 = arith.shrui %xor3A_116, %shift_right_logical3A_122 : vector<2000x128xi32>
    %or3A_124 = arith.ori %shift_left3A_120, %shift_right_logical3A_123 : vector<2000x128xi32>
    %xor3A_125 = arith.xori %or3A_124, %add3A_117 : vector<2000x128xi32>
    %add3A_126 = arith.addi %add3A_117, %xor3A_125 : vector<2000x128xi32>
    %shift_left3A_127 = arith.constant 6 : i32
    %shift_left3A_128 = vector.broadcast %shift_left3A_127 : i32 to vector<2000x128xi32>
    %shift_left3A_129 = arith.shli %xor3A_125, %shift_left3A_128 : vector<2000x128xi32>
    %shift_right_logical3A_130 = arith.constant 26 : i32
    %shift_right_logical3A_131 = vector.broadcast %shift_right_logical3A_130 : i32 to vector<2000x128xi32>
    %shift_right_logical3A_132 = arith.shrui %xor3A_125, %shift_right_logical3A_131 : vector<2000x128xi32>
    %or3A_133 = arith.ori %shift_left3A_129, %shift_right_logical3A_132 : vector<2000x128xi32>
    %xor3A_134 = arith.xori %or3A_133, %add3A_126 : vector<2000x128xi32>
    %add3A_135 = arith.constant -2047452283 : i32
    %add3A_136 = vector.broadcast %add3A_135 : i32 to vector<2000x128xi32>
    %add3A_137 = arith.addi %add3A_126, %add3A_136 : vector<2000x128xi32>
    %add3A_138 = arith.constant -1749498911 : i32
    %add3A_139 = vector.broadcast %add3A_138 : i32 to vector<2000x128xi32>
    %add3A_140 = arith.addi %xor3A_134, %add3A_139 : vector<2000x128xi32>
    %add3A_141 = arith.constant 3 : i32
    %add3A_142 = vector.broadcast %add3A_141 : i32 to vector<2000x128xi32>
    %add3A_143 = arith.addi %add3A_140, %add3A_142 : vector<2000x128xi32>
    %add3A_144 = arith.addi %add3A_137, %add3A_143 : vector<2000x128xi32>
    %shift_left3A_145 = arith.constant 17 : i32
    %shift_left3A_146 = vector.broadcast %shift_left3A_145 : i32 to vector<2000x128xi32>
    %shift_left3A_147 = arith.shli %add3A_143, %shift_left3A_146 : vector<2000x128xi32>
    %shift_right_logical3A_148 = arith.constant 15 : i32
    %shift_right_logical3A_149 = vector.broadcast %shift_right_logical3A_148 : i32 to vector<2000x128xi32>
    %shift_right_logical3A_150 = arith.shrui %add3A_143, %shift_right_logical3A_149 : vector<2000x128xi32>
    %or3A_151 = arith.ori %shift_left3A_147, %shift_right_logical3A_150 : vector<2000x128xi32>
    %xor3A_152 = arith.xori %or3A_151, %add3A_144 : vector<2000x128xi32>
    %add3A_153 = arith.addi %add3A_144, %xor3A_152 : vector<2000x128xi32>
    %shift_left3A_154 = arith.constant 29 : i32
    %shift_left3A_155 = vector.broadcast %shift_left3A_154 : i32 to vector<2000x128xi32>
    %shift_left3A_156 = arith.shli %xor3A_152, %shift_left3A_155 : vector<2000x128xi32>
    %shift_right_logical3A_157 = arith.constant 3 : i32
    %shift_right_logical3A_158 = vector.broadcast %shift_right_logical3A_157 : i32 to vector<2000x128xi32>
    %shift_right_logical3A_159 = arith.shrui %xor3A_152, %shift_right_logical3A_158 : vector<2000x128xi32>
    %or3A_160 = arith.ori %shift_left3A_156, %shift_right_logical3A_159 : vector<2000x128xi32>
    %xor3A_161 = arith.xori %or3A_160, %add3A_153 : vector<2000x128xi32>
    %add3A_162 = arith.addi %add3A_153, %xor3A_161 : vector<2000x128xi32>
    %shift_left3A_163 = arith.constant 16 : i32
    %shift_left3A_164 = vector.broadcast %shift_left3A_163 : i32 to vector<2000x128xi32>
    %shift_left3A_165 = arith.shli %xor3A_161, %shift_left3A_164 : vector<2000x128xi32>
    %shift_right_logical3A_166 = arith.constant 16 : i32
    %shift_right_logical3A_167 = vector.broadcast %shift_right_logical3A_166 : i32 to vector<2000x128xi32>
    %shift_right_logical3A_168 = arith.shrui %xor3A_161, %shift_right_logical3A_167 : vector<2000x128xi32>
    %or3A_169 = arith.ori %shift_left3A_165, %shift_right_logical3A_168 : vector<2000x128xi32>
    %xor3A_170 = arith.xori %or3A_169, %add3A_162 : vector<2000x128xi32>
    %add3A_171 = arith.addi %add3A_162, %xor3A_170 : vector<2000x128xi32>
    %shift_left3A_172 = arith.constant 24 : i32
    %shift_left3A_173 = vector.broadcast %shift_left3A_172 : i32 to vector<2000x128xi32>
    %shift_left3A_174 = arith.shli %xor3A_170, %shift_left3A_173 : vector<2000x128xi32>
    %shift_right_logical3A_175 = arith.constant 8 : i32
    %shift_right_logical3A_176 = vector.broadcast %shift_right_logical3A_175 : i32 to vector<2000x128xi32>
    %shift_right_logical3A_177 = arith.shrui %xor3A_170, %shift_right_logical3A_176 : vector<2000x128xi32>
    %or3A_178 = arith.ori %shift_left3A_174, %shift_right_logical3A_177 : vector<2000x128xi32>
    %xor3A_179 = arith.xori %or3A_178, %add3A_171 : vector<2000x128xi32>
    %add3A_180 = arith.constant -1749498911 : i32
    %add3A_181 = vector.broadcast %add3A_180 : i32 to vector<2000x128xi32>
    %add3A_182 = arith.addi %add3A_171, %add3A_181 : vector<2000x128xi32>
    %add3A_183 = arith.constant 161448894 : i32
    %add3A_184 = vector.broadcast %add3A_183 : i32 to vector<2000x128xi32>
    %add3A_185 = arith.addi %xor3A_179, %add3A_184 : vector<2000x128xi32>
    %add3A_186 = arith.constant 4 : i32
    %add3A_187 = vector.broadcast %add3A_186 : i32 to vector<2000x128xi32>
    %add3A_188 = arith.addi %add3A_185, %add3A_187 : vector<2000x128xi32>
    %add3A_189 = arith.addi %add3A_182, %add3A_188 : vector<2000x128xi32>
    %shift_left3A_190 = arith.constant 13 : i32
    %shift_left3A_191 = vector.broadcast %shift_left3A_190 : i32 to vector<2000x128xi32>
    %shift_left3A_192 = arith.shli %add3A_188, %shift_left3A_191 : vector<2000x128xi32>
    %shift_right_logical3A_193 = arith.constant 19 : i32
    %shift_right_logical3A_194 = vector.broadcast %shift_right_logical3A_193 : i32 to vector<2000x128xi32>
    %shift_right_logical3A_195 = arith.shrui %add3A_188, %shift_right_logical3A_194 : vector<2000x128xi32>
    %or3A_196 = arith.ori %shift_left3A_192, %shift_right_logical3A_195 : vector<2000x128xi32>
    %xor3A_197 = arith.xori %or3A_196, %add3A_189 : vector<2000x128xi32>
    %add3A_198 = arith.addi %add3A_189, %xor3A_197 : vector<2000x128xi32>
    %shift_left3A_199 = arith.constant 15 : i32
    %shift_left3A_200 = vector.broadcast %shift_left3A_199 : i32 to vector<2000x128xi32>
    %shift_left3A_201 = arith.shli %xor3A_197, %shift_left3A_200 : vector<2000x128xi32>
    %shift_right_logical3A_202 = arith.constant 17 : i32
    %shift_right_logical3A_203 = vector.broadcast %shift_right_logical3A_202 : i32 to vector<2000x128xi32>
    %shift_right_logical3A_204 = arith.shrui %xor3A_197, %shift_right_logical3A_203 : vector<2000x128xi32>
    %or3A_205 = arith.ori %shift_left3A_201, %shift_right_logical3A_204 : vector<2000x128xi32>
    %xor3A_206 = arith.xori %or3A_205, %add3A_198 : vector<2000x128xi32>
    %add3A_207 = arith.addi %add3A_198, %xor3A_206 : vector<2000x128xi32>
    %shift_left3A_208 = arith.constant 26 : i32
    %shift_left3A_209 = vector.broadcast %shift_left3A_208 : i32 to vector<2000x128xi32>
    %shift_left3A_210 = arith.shli %xor3A_206, %shift_left3A_209 : vector<2000x128xi32>
    %shift_right_logical3A_211 = arith.constant 6 : i32
    %shift_right_logical3A_212 = vector.broadcast %shift_right_logical3A_211 : i32 to vector<2000x128xi32>
    %shift_right_logical3A_213 = arith.shrui %xor3A_206, %shift_right_logical3A_212 : vector<2000x128xi32>
    %or3A_214 = arith.ori %shift_left3A_210, %shift_right_logical3A_213 : vector<2000x128xi32>
    %xor3A_215 = arith.xori %or3A_214, %add3A_207 : vector<2000x128xi32>
    %add3A_216 = arith.addi %add3A_207, %xor3A_215 : vector<2000x128xi32>
    %shift_left3A_217 = arith.constant 6 : i32
    %shift_left3A_218 = vector.broadcast %shift_left3A_217 : i32 to vector<2000x128xi32>
    %shift_left3A_219 = arith.shli %xor3A_215, %shift_left3A_218 : vector<2000x128xi32>
    %shift_right_logical3A_220 = arith.constant 26 : i32
    %shift_right_logical3A_221 = vector.broadcast %shift_right_logical3A_220 : i32 to vector<2000x128xi32>
    %shift_right_logical3A_222 = arith.shrui %xor3A_215, %shift_right_logical3A_221 : vector<2000x128xi32>
    %or3A_223 = arith.ori %shift_left3A_219, %shift_right_logical3A_222 : vector<2000x128xi32>
    %xor3A_224 = arith.xori %or3A_223, %add3A_216 : vector<2000x128xi32>
    %add3A_225 = arith.constant 161448894 : i32
    %add3A_226 = vector.broadcast %add3A_225 : i32 to vector<2000x128xi32>
    %add3A_227 = arith.addi %add3A_216, %add3A_226 : vector<2000x128xi32>
    %add3A_228 = arith.constant -2047452283 : i32
    %add3A_229 = vector.broadcast %add3A_228 : i32 to vector<2000x128xi32>
    %add3A_230 = arith.addi %xor3A_224, %add3A_229 : vector<2000x128xi32>
    %add3A_231 = arith.constant 5 : i32
    %add3A_232 = vector.broadcast %add3A_231 : i32 to vector<2000x128xi32>
    %add3A_233 = arith.addi %add3A_230, %add3A_232 : vector<2000x128xi32>
    %xor3A_234 = arith.xori %add3A_227, %add3A_233 : vector<2000x128xi32>
    %lt3A = arith.constant -429496832 : i32
    %lt3A_235 = vector.broadcast %lt3A : i32 to vector<2000x128xi32>
    %lt3A_236 = arith.cmpi ult, %xor3A_234, %lt3A_235 : vector<2000x128xi32>
    %mul3A_237 = arith.constant 1.11111116 : f32
    %mul3A_238 = vector.broadcast %mul3A_237 : f32 to vector<2000x128xf32>
    %mul3A_239 = arith.mulf %get3A_1, %mul3A_238 : vector<2000x128xf32>
    %jit3A = arith.constant 0.000000e+00 : f32
    %broadcast_in_dim3A_240 = vector.broadcast %jit3A : f32 to vector<2000x128xf32>
    %select_n3A = arith.select %lt3A_236, %mul3A_239, %broadcast_in_dim3A_240 : vector<2000x128xi1>, vector<2000x128xf32>
    %swap3A = arith.constant 0 : index
    %swap3A_241 = arith.constant 0 : index
    %swap3A_242 = vector.load %arg2[%swap3A, %swap3A_241] : memref<2000x128xf32, #tpu.memory_space<vmem>>, vector<2000x128xf32>
    tpu.vector_store %arg2[%swap3A, %swap3A_241], %select_n3A {strides = array<i32>} : memref<2000x128xf32, #tpu.memory_space<vmem>>, vector<2000x128xf32>,
    return
  }
  func.func @transform_0(%arg0: i32) -> (i32, i32) {
    %c0_i32 = arith.constant 0 : i32
    %c0_i32_0 = arith.constant 0 : i32
    return %arg0, %c0_i32 : i32, i32
  }
  func.func @transform_1(%arg0: i32) -> (i32, i32) {
    %c0_i32 = arith.constant 0 : i32
    %c0_i32_0 = arith.constant 0 : i32
    return %arg0, %c0_i32 : i32, i32
  }
}

</mosaic_0001>

<sc_bundles>
// kernel: kernel.4.cloned.1.call-start
scs
__scs_entry_jumppad:
0x0: {  	(pc) =	sbr.rel $0x88, $3  }
0x1: {  	(tag) =	ssettag $0x0;
	lr =	simm.s32 $0x1  }
0x2: {  	[smem:$0x3F9F] =	sst lr;
	_ =	strace $0xD0000000  }
0x3: {  	_ = 	snop  }
0x4: {  	_ = 	snop  }
0x5: {  	_ = 	snop  }
0x6: {  	_ = 	snop  }
0x7: {  	_ = 	snop  }
__scs_overlays_trampoline_lowered:
0x8: {  	[smem:$0x3FAE] =	sst s0  }
0x9: {  	[smem:$0x3FAF] =	sst s1  }
0xa: {  	[smem:$0x3FB0] =	sst s2  }
0xb: {  	[smem:$0x3FB1] =	sst s3  }
0xc: {  	[smem:$0x3FB2] =	sst s4  }
0xd: {  	[smem:$0x3FB3] =	sst s5  }
0xe: {  	[smem:$0x3FB4] =	sst s6  }
0xf: {  	[smem:$0x3FB5] =	sst s7  }
0x10: {  	[smem:$0x3FB6] =	sst s8  }
0x11: {  	[smem:$0x3FB7] =	sst s9;
	s0 =	simm.s32 @!p0 $0x0  }
0x12: {  	s1 =	sld [smem:$0x3F9D];
	s0 =	simm.s32 @p0 $0x1  }
0x13: {  	[smem:$0x3FB8] =	sst s0;
	s0 =	simm.s32 @!p1 $0x0  }
0x14: {  	s2 =	sld [smem:$0x3F9C];
	s0 =	simm.s32 @p1 $0x1  }
0x15: {  	[smem:$0x3FB9] =	sst s0;
	s0 =	simm.s32 @!p2 $0x0  }
0x16: {  	s3 =	sld [smem:$0x3FDB];
	s0 =	simm.s32 @p2 $0x1  }
0x17: {  	s4 =	simm.s32 $0x1BF5;
	[smem:$0x3FBB] =	sst s0  }
0x18: {  	s0 =	sld [smem:$0x3F9E];
	_ =	swait.ge [sflag:s4], $0x0  }
0x19: {  	s7 =	sld [smem:$0x3F9F]  }
0x1a: {  	s8 =	sadd.s32 $0xFFFFE003, lr  }
0x1b: {  	s9 =	sadd.s32 $0xFFFFFEF7, lr;
	s5 =	simm.s32 $0xFFFFFFFF;
	p2 =	slt.u32 s8, $0xFFFFF086  }
0x1c: {  	p1 =	slt.u32 s9, $0xF7A;
	s5 =	simm.s32 @!p2 $0x0  }
0x1d: {  	s5 =	simm.s32 @p1 $0x1;
	p0 =	seq.s32 s7, s2  }
0x1e: {  	s7 =	smul.u32 @!p0 $0xF7A, s2;
	p2 =	seq.s32 @!p0 s5, $0x0  }
0x1f: {  	s9 =	smul.u32 $0xF7A, s1;
	s8 =	simm.s32 @!p0 $0x1BF5;
	p2 =	por !p2, p0  }
0x20: {  	[sflag:s8] =	ssyncset.s32 @!p0 $0xFFFFF086;
	s6 =	sadd.s32 @!p0 s3, s7;
	s7 =	simm.s32 @!p0 $0x108  }
0x21: {  	s3 =	sadd.s32 s3, s9;
	s6 =	sadd.s32 @!p0 $0x88, s6;
	s7 =	simm.s32 @p2 $0x1082  }
0x22: {  	[simem:s7], [sflag:s8] =	dma.local @!p0 [hbm:s6], $0xF7A  }
0x23: {  	s9 =	sor.u32 $0xD0000000, s2;
	s6 =	simm.s32 $0x108;
	_ =	swait.ge @!p0 [sflag:s8], $0x0  }
0x24: {  	s3 =	sadd.s32 $0x88, s3;
	s6 =	simm.s32 @!p1 $0x1082;
	[sflag:s4] =	ssyncset.s32 $0xFFFFF086  }
0x25: {  	[simem:s6], [sflag:s4] =	dma.local [hbm:s3], $0xF7A  }
0x26: {  	[smem:$0x3F9F] =	sst s1;
	(tag) =	ssettag s2;
	_ =	strace s9  }
0x27: {  	s1 =	sld [smem:$0x3FAF]  }
0x28: {  	s2 =	sld [smem:$0x3FB0]  }
0x29: {  	s4 =	sld [smem:$0x3FB2]  }
0x2a: {  	p0 =	seq.s32 s5, $0x0;
	s5 =	sld [smem:$0x3FB3]  }
0x2b: {  	s6 =	sld [smem:$0x3FB4]  }
0x2c: {  	s7 =	sld [smem:$0x3FB5]  }
0x2d: {  	s3 =	simm.s32 $0x108;
	s8 =	sld [smem:$0x3FB6]  }
0x2e: {  	s3 =	simm.s32 @!p0 $0x1082;
	s9 =	sld [smem:$0x3FB7]  }
0x2f: {  	lr =	sadd.s32 s0, s3;
	s0 =	sld [smem:$0x3FAE]  }
0x30: {  	s3 =	sld [smem:$0x3FB1]  }
0x31: {  	[smem:$0x3FBA] =	sst s10  }
0x32: {  	s10 =	sld [smem:$0x3FB8];
	_ =	sdelay $0x3  }
0x33: {  	p0 =	seq.s32 s10, $0x1;
	s10 =	sld [smem:$0x3FBA];
	_ =	sdelay $0x3  }
0x34: {  	[smem:$0x3FBA] =	sst s10  }
0x35: {  	s10 =	sld [smem:$0x3FB9];
	_ =	sdelay $0x3  }
0x36: {  	p1 =	seq.s32 s10, $0x1;
	s10 =	sld [smem:$0x3FBA];
	_ =	sdelay $0x3  }
0x37: {  	[smem:$0x3FBA] =	sst s10  }
0x38: {  	s10 =	sld [smem:$0x3FBB]  }
0x39: {  	_ = 	snop;
	(pc) =	sbr.ind lr, $3  }
0x3a: {  	_ = 	snop  }
0x3b: {  	_ = 	snop  }
0x3c: {  	p2 =	seq.s32 s10, $0x1;
	s10 =	sld [smem:$0x3FBA]  }
0x3d: {  	_ =	shalt  }
0x3e: {  	_ =	shalt  }
0x3f: {  	_ =	shalt  }
0x40: {  	_ =	shalt  }
0x41: {  	_ =	shalt  }
0x42: {  	_ =	shalt  }
0x43: {  	_ =	shalt  }
0x44: {  	_ =	shalt  }
0x45: {  	_ =	shalt  }
0x46: {  	_ =	shalt  }
0x47: {  	_ =	shalt  }
0x48: {  	_ =	shalt  }
0x49: {  	_ =	shalt  }
0x4a: {  	_ =	shalt  }
0x4b: {  	_ =	shalt  }
0x4c: {  	_ =	shalt  }
0x4d: {  	_ =	shalt  }
0x4e: {  	_ =	shalt  }
0x4f: {  	_ =	shalt  }
0x50: {  	_ =	shalt  }
0x51: {  	_ =	shalt  }
0x52: {  	_ =	shalt  }
0x53: {  	_ =	shalt  }
0x54: {  	_ =	shalt  }
0x55: {  	_ =	shalt  }
0x56: {  	_ =	shalt  }
0x57: {  	_ =	shalt  }
0x58: {  	_ =	shalt  }
0x59: {  	_ =	shalt  }
0x5a: {  	_ =	shalt  }
0x5b: {  	_ =	shalt  }
0x5c: {  	_ =	shalt  }
0x5d: {  	_ =	shalt  }
0x5e: {  	_ =	shalt  }
0x5f: {  	_ =	shalt  }
0x60: {  	_ =	shalt  }
0x61: {  	_ =	shalt  }
0x62: {  	_ =	shalt  }
0x63: {  	_ =	shalt  }
0x64: {  	_ =	shalt  }
0x65: {  	_ =	shalt  }
0x66: {  	_ =	shalt  }
0x67: {  	_ =	shalt  }
0x68: {  	_ =	shalt  }
0x69: {  	_ =	shalt  }
0x6a: {  	_ =	shalt  }
0x6b: {  	_ =	shalt  }
0x6c: {  	_ =	shalt  }
0x6d: {  	_ =	shalt  }
0x6e: {  	_ =	shalt  }
0x6f: {  	_ =	shalt  }
0x70: {  	_ =	shalt  }
0x71: {  	_ =	shalt  }
0x72: {  	_ =	shalt  }
0x73: {  	_ =	shalt  }
0x74: {  	_ =	shalt  }
0x75: {  	_ =	shalt  }
0x76: {  	_ =	shalt  }
0x77: {  	_ =	shalt  }
0x78: {  	_ =	shalt  }
0x79: {  	_ =	shalt  }
0x7a: {  	_ =	shalt  }
0x7b: {  	_ =	shalt  }
0x7c: {  	_ =	shalt  }
0x7d: {  	_ =	shalt  }
0x7e: {  	_ =	shalt  }
0x7f: {  	_ =	shalt  }
0x80: {  	_ =	shalt  }
0x81: {  	_ =	shalt  }
0x82: {  	_ =	shalt  }
0x83: {  	_ =	shalt  }
0x84: {  	_ =	shalt  }
0x85: {  	_ =	shalt  }
0x86: {  	_ =	shalt  }
0x87: {  	_ =	shalt  }
.Lfunc_end0:
.L_simem_size_0:
called_computation.1_lowered:
.L_overlay_start_0:
0x88: {  	s2 =	sld [smem:$0x3FD9]  }
0x89: {  	s3 =	sld [smem:$0x3FFE];
	_ =	sdelay $0x1  }
0x8a: {  	s1 =	srdreg.scid  }
0x8b: {  	s0 =	sand.u32 $0x1, s1  }
0x8c: {  	s17 =	sshll.u32 s0, $0xA;
	s2 =	sadd.s32 s3, s2  }
0x8d: {  	s2 =	sadd.s32 s2, s17  }
0x8e: {  	[smem:$0x3FC6] =	sst s2  }
0x8f: {  	_ = 	snop  }
0x90: {  	s2 =	sld [smem:$0x3FD0];
	(tm) =	ssettm $0x1  }
0x91: {  	s18 =	sld [smem:$0x3FFB];
	_ =	sdelay $0x3  }
0x92: {  	_ =	strace s18  }
0x93: {  	s3 =	sld [smem:$0x3FFC];
	_ =	sdelay $0x3  }
0x94: {  	_ =	strace s3  }
0x95: {  	s3 =	sld [smem:$0x3FFD];
	_ =	sdelay $0x3  }
0x96: {  	_ =	strace s3  }
0x97: {  	_ =	strace $0x8FFFFFFF  }
0x98: {  	s19 =	sld [smem:$0x3FDB];
	_ =	sdelay $0x1  }
0x99: {  	s4 =	simm.s32 $_scs_section_size  }
0x9a: {  	s5 =	simm.s32 $_size__tile_overlayer_lowered;
	s6 =	simm.s32 $_tile_overlayer_lowered  }
0x9b: {  	s22 =	simm.s32 $0x1BFF;
	s21 =	sshll.u32 s6, $0x1;
	s3 =	sadd.s32 s4, s19  }
0x9c: {  	s7 =	simm.s32 $0x0;
	s20 =	sshll.u32 s5, $0x1;
	s5 =	sadd.s32 s21, s3  }
0x9d: {  	[timem:s7], [sflag:s22] =	dma.local [hbm:s5], s20  }
0x9e: {  	_ =	swait.ge [sflag:s22], s20  }
0x9f: {  	s4 =	ssub.s32 $0x0, s20;
	[sflag:s22] =	ssyncset.done $0x0  }
0xa0: {  	[sflag:s22] =	ssyncadd.s32 s4;
	_ =	sdelay $0x1  }
0xa1: {  	s23 =	simm.s32 $0x1B8B  }
0xa2: {  	_ =	swait.ge [sflag:s23], $0x1  }
0xa3: {  	[sflag:s23] =	ssyncset.done $0x0  }
0xa4: {  	s25 =	simm.s32 $0x1B8E;
	s24 =	sld [smem:$0x3FFE];
	[sflag:s23] =	ssyncadd.s32 $0xFFFFFFFF  }
0xa5: {  	s26 =	simm.s32 $execute0_lowered;
	[smem:$0x3FD2] =	sst s25  }
0xa6: {  	s5 =	sshll.u32 s26, $0x1;
	_ =	strace $0x80000046;
	[dreg:$0x1] =	wrdreg $0xFFFFFFFF  }
0xa7: {  	s28 =	simm.s32 $_size_execute0_lowered;
	s3 =	sadd.s32 s3, s5;
	[dreg:$0x0] =	wrdreg $0x0  }
0xa8: {  	s5 =	sshll.u32 s28, $0x1;
	[dreg:$0x2] =	wrdreg s3  }
0xa9: {  	[dreg:$0x3] =	wrdreg s5  }
0xaa: {  	[dreg:$0x4] =	wrdreg $0xC0  }
0xab: {  	_ =	task [dreg:s7], $0x5FFFF  }
0xac: {  	[dreg:$0x1] =	wrdreg $0xFFFFFFFF  }
0xad: {  	[dreg:$0x0] =	wrdreg $0x60  }
0xae: {  	[dreg:$0x2] =	wrdreg s24  }
0xaf: {  	[dreg:$0x3] =	wrdreg s2  }
0xb0: {  	[dreg:$0x4] =	wrdreg $0x9  }
0xb1: {  	_ =	task.clear_ibuf [dreg:s7], $0x5FFFF;
	_ =	strace $0x90000046  }
0xb2: {  	s29 =	simm.s32 $0x9;
	_ =	strace $0x80000048  }
0xb3: {  	_ =	swait.ge [sflag:s29], $0x1  }
0xb4: {  	[sflag:s29] =	ssyncadd.s32 $0xFFFFFFFF  }
0xb5: {  	_ =	strace $0x90000048  }
0xb6: {  	_ =	sfence  }
0xb7: {  	s30 =	sld [smem:$0x0];
	_ =	sdelay $0x2  }
0xb8: {  	s31 =	sshll.u32 s1, $0xD;
	s1 =	sshrl.u32 s1, $0x2  }
0xb9: {  	s3 =	sand.u32 $0x4000, s31;
	s1 =	sadd.s32 s1, s30  }
0xba: {  	s0 =	sor.u32 s3, s0;
	s1 =	sshll.u32 s1, $0x11  }
0xbb: {  	s0 =	sor.u32 s1, s0  }
0xbc: {  	s0 =	sadd.s32 $0x8F2B, s0  }
0xbd: {  	[sflag:s0] =	ssyncadd.remote.s32 $0x1  }
0xbe: {  	_ =	sfence.sel $0xFFFF  }
0xbf: {  	[dreg:$0x0] =	wrdreg $0xFFFFFFFF;
	(pc) =	sbr.abs _section_cstart, $3  }
0xc0: {  	[dreg:$0x1] =	wrdreg $0xFFFFFFFF  }
0xc1: {  	_ =	task.clear_ibuf [dreg:s7], $0x2FFFF;
	_ =	strace $0x9FFFFFFF  }
0xc2: {  	(tm) =	ssettm $0x7FFFFFFF  }
0xc3: {  	_ =	shalt  }
tec
execute0_lowered:
.L_overlay_start_1:
0x0: {  	(tag) =	ssettag $0x1  }
0x1: {  	s0 =	srdreg.scid;
	s8 =	stileid.u32  }
0x2: {  	s4 =	sand.u32 $0x1, s0;
	s11 =	smul.u32 $0x64000, s8  }
0x3: {  	s1 =	rddreg [dreg:$0x0];
	s2 =	sshll.u32 s8, $0x1;
	s20 =	smul.u32 $0x190000, s4  }
0x4: {  	s3 =	sor.u32 s4, s2;
	s7 =	ssub.s32 $0x2, s4;
	s4 =	smul.u32 $0x32000, s4  }
0x5: {  	s0 =	rddreg [dreg:$0x1];
	s2 =	simm.s32 $0x0;
	s5 =	smul.u32 $0xD00, s3  }
0x6: {  	[smem:$0x7FF] =	sst s2;
	s6 =	smul.u32 $0x32000, s3;
	s13 =	sadd.s32 s11, s0  }
0x7: {  	s3 =	sadd.s32 $0xA00, s1;
	_ =	strace $0x80000047;
	s4 =	sadd.s32 s4, s13  }
0x8: {  	s1 =	sadd.s32 s5, s1;
	s9 =	sadd.s32 s0, s6;
	[dreg:$0x4] =	wrdreg s4  }
0x9: {  	s1 =	sadd.s32 $0x7A1C00, s1;
	[dreg:$0xc] =	wrdreg s9  }
0xa: {  	s15 =	sadd.s32 $0x190, s9;
	[dreg:$0xd] =	wrdreg s1  }
0xb: {  	s16 =	sadd.s32 $0x320, s9;
	[dreg:$0xe] =	wrdreg s15  }
0xc: {  	s17 =	sadd.s32 $0x4B0, s9;
	[dreg:$0xf] =	wrdreg s16  }
0xd: {  	s6 =	sadd.s32 $0x640, s9;
	[dreg:$0x10] =	wrdreg s17  }
0xe: {  	s19 =	sadd.s32 $0x7D0, s9;
	[dreg:$0x11] =	wrdreg s6  }
0xf: {  	s21 =	sadd.s32 $0x960, s9;
	[dreg:$0x12] =	wrdreg s19  }
0x10: {  	s28 =	simm.s32 $0xA680;
	s22 =	sadd.s32 $0xAF0, s9;
	[dreg:$0x13] =	wrdreg s21  }
0x11: {  	s30 =	simm.s32 $0xBF80;
	s23 =	sadd.s32 $0xC80, s9;
	[dreg:$0x14] =	wrdreg s22  }
0x12: {  	s18 =	smul.u32 $0x320000, s8;
	s24 =	sadd.s32 $0xE10, s9;
	[dreg:$0x15] =	wrdreg s23  }
0x13: {  	s8 =	simm.s32 $0xF180;
	s25 =	sadd.s32 $0xFA0, s9;
	[dreg:$0x16] =	wrdreg s24  }
0x14: {  	s14 =	sshrl.u32 s7, $0x1;
	s26 =	sadd.s32 $0x1130, s9;
	[dreg:$0x17] =	wrdreg s25  }
0x15: {  	s13 =	simm.s32 $0xA;
	s29 =	sadd.s32 $0x12C0, s9;
	[dreg:$0x18] =	wrdreg s26  }
0x16: {  	s5 =	ssub.s32 s7, s14;
	s10 =	sadd.s32 $0x1450, s9;
	[dreg:$0x19] =	wrdreg s29  }
0x17: {  	s7 =	simm.s32 $0xE500;
	s12 =	sadd.s32 $0x15E0, s9;
	[dreg:$0x1a] =	wrdreg s10  }
0x18: {  	s5 =	smax.u32 s5, $0x1;
	s1 =	sadd.s32 s20, s18;
	[dreg:$0x1b] =	wrdreg s12  }
0x19: {  	s23 =	sadd.s32 $0x1770, s9;
	[dreg:$0x1d] =	wrdreg s5;
	s5 =	simm.s32 $0x6800  }
0x1a: {  	s9 =	simm.s32 $0xFE00;
	s10 =	simm.s32 $0x10A80;
	s12 =	simm.s32 $0x64  }
0x1b: {  	s31 =	sor.u32 $0xC80, s1;
	s14 =	sor.u32 $0xBB80, s1;
	s16 =	sor.u32 $0xA280, s1  }
0x1c: {  	s20 =	sor.u32 $0x8980, s1;
	s22 =	sor.u32 $0x7080, s1;
	[dreg:$0x1c] =	wrdreg s23  }
0x1d: {  	s25 =	sor.u32 $0x5780, s1;
	s29 =	sor.u32 $0x3E80, s1;
	s1 =	sor.u32 $0x2580, s1  }
0x1e: {  	s23 =	simm.s32 $0x8D80;
	s6 =	sshrl.u32 s31, $0x3;
	s15 =	sshrl.u32 s14, $0x3  }
0x1f: {  	s18 =	sshrl.u32 s16, $0x3;
	s21 =	sshrl.u32 s20, $0x3;
	s26 =	sshrl.u32 s25, $0x3  }
0x20: {  	s1 =	sshrl.u32 s1, $0x3;
	s20 =	simm.s32 $0x7480;
	s25 =	simm.s32 $0xD880  }
0x21: {  	s14 =	simm.s32 $0xB;
	s16 =	simm.s32 $0xD;
	s6 =	sadd.s32 s6, s0  }
0x22: {  	s17 =	sadd.s32 s15, s0;
	s19 =	sadd.s32 s18, s0;
	[dreg:$0x3] =	wrdreg s6  }
0x23: {  	s4 =	sadd.s32 s21, s0;
	s21 =	simm.s32 $0x9A00;
	[dreg:$0x5] =	wrdreg s17  }
0x24: {  	s15 =	simm.s32 $0xC;
	s18 =	simm.s32 $0xF;
	[dreg:$0x6] =	wrdreg s19  }
0x25: {  	s6 =	sshrl.u32 s22, $0x3;
	[dreg:$0x7] =	wrdreg s4;
	s4 =	sadd.s32 s26, s0  }
0x26: {  	s17 =	simm.s32 $0xE;
	s19 =	simm.s32 $0x10;
	s26 =	simm.s32 $0x3  }
0x27: {  	s24 =	sadd.s32 s6, s0;
	s6 =	sshrl.u32 s29, $0x3;
	[dreg:$0x9] =	wrdreg s4  }
0x28: {  	s22 =	simm.s32 $0x0;
	[dreg:$0x8] =	wrdreg s24;
	s31 =	sadd.s32 s6, s0  }
0x29: {  	s4 =	simm.s32 $0xB300;
	s0 =	sadd.s32 s1, s0;
	[dreg:$0xa] =	wrdreg s31  }
0x2a: {  	s1 =	simm.s32 $0x8100;
	s6 =	simm.s32 $0xCC00;
	[dreg:$0xb] =	wrdreg s0  }
.LBB2_1:
0x2b: {  	[dreg:$0x1e] =	wrdreg s22  }
0x2c: {  	s0 =	rddreg [dreg:$0xd];
	s22 =	simm.s32 $0x11  }
0x2d: {  	[tilespmem:s2], [sflag:$0x11] =	stream.linear.gather [hbm4b:s0+s2], $0x6800, $0x38;
	[tilespmem:$0x13000] =	vst v63  }
0x2e: {  	_ =	swait.ge [sflag:s22], $0x6800  }
0x2f: {  	[sflag:s22] =	ssyncset.done $0x0  }
0x30: {  	s24 =	rddreg [dreg:$0xc];
	[sflag:s22] =	ssyncadd.s32 $0xFFFF9800  }
0x31: {  	[hbm4b:s24+s2] =	stream.linear.scatter [tilespmem:s5], [sflag:$0x9], $0xC80, $0x38;
	[tilespmem:$0x13000] =	vst v63  }
0x32: {  	s29 =	rddreg [dreg:$0xe]  }
0x33: {  	[hbm4b:s29+s2] =	stream.linear.scatter [tilespmem:s20], [sflag:$0x9], $0xC80, $0x38;
	[tilespmem:$0x13000] =	vst v63  }
0x34: {  	s31 =	rddreg [dreg:$0xf]  }
0x35: {  	[hbm4b:s31+s2] =	stream.linear.scatter [tilespmem:s1], [sflag:$0xA], $0xC80, $0x38;
	[tilespmem:$0x13000] =	vst v63  }
0x36: {  	s11 =	rddreg [dreg:$0x10]  }
0x37: {  	[hbm4b:s11+s2] =	stream.linear.scatter [tilespmem:s23], [sflag:$0xA], $0xC80, $0x38;
	[tilespmem:$0x13000] =	vst v63  }
0x38: {  	s22 =	rddreg [dreg:$0x11]  }
0x39: {  	[hbm4b:s22+s2] =	stream.linear.scatter [tilespmem:s21], [sflag:$0xB], $0xC80, $0x38;
	[tilespmem:$0x13000] =	vst v63  }
0x3a: {  	s23 =	rddreg [dreg:$0x12]  }
0x3b: {  	[hbm4b:s23+s2] =	stream.linear.scatter [tilespmem:s28], [sflag:$0xB], $0xC80, $0x38;
	[tilespmem:$0x13000] =	vst v63  }
0x3c: {  	s24 =	rddreg [dreg:$0x13]  }
0x3d: {  	[hbm4b:s24+s2] =	stream.linear.scatter [tilespmem:s4], [sflag:$0xC], $0xC80, $0x38;
	[tilespmem:$0x13000] =	vst v63  }
0x3e: {  	s29 =	rddreg [dreg:$0x14]  }
0x3f: {  	[hbm4b:s29+s2] =	stream.linear.scatter [tilespmem:s30], [sflag:$0xC], $0xC80, $0x38;
	[tilespmem:$0x13000] =	vst v63  }
0x40: {  	s31 =	rddreg [dreg:$0x15]  }
0x41: {  	[hbm4b:s31+s2] =	stream.linear.scatter [tilespmem:s6], [sflag:$0xD], $0xC80, $0x38;
	[tilespmem:$0x13000] =	vst v63  }
0x42: {  	s1 =	rddreg [dreg:$0x16]  }
0x43: {  	[hbm4b:s1+s2] =	stream.linear.scatter [tilespmem:s25], [sflag:$0xD], $0xC80, $0x38;
	[tilespmem:$0x13000] =	vst v63  }
0x44: {  	s6 =	rddreg [dreg:$0x17]  }
0x45: {  	[hbm4b:s6+s2] =	stream.linear.scatter [tilespmem:s7], [sflag:$0xE], $0xC80, $0x38;
	[tilespmem:$0x13000] =	vst v63  }
0x46: {  	s7 =	rddreg [dreg:$0x18]  }
0x47: {  	[hbm4b:s7+s2] =	stream.linear.scatter [tilespmem:s8], [sflag:$0xE], $0xC80, $0x38;
	[tilespmem:$0x13000] =	vst v63  }
0x48: {  	s8 =	rddreg [dreg:$0x19]  }
0x49: {  	[hbm4b:s8+s2] =	stream.linear.scatter [tilespmem:s9], [sflag:$0xF], $0xC80, $0x38;
	[tilespmem:$0x13000] =	vst v63  }
0x4a: {  	s9 =	rddreg [dreg:$0x1a]  }
0x4b: {  	[hbm4b:s9+s2] =	stream.linear.scatter [tilespmem:s10], [sflag:$0xF], $0xC80, $0x38;
	[tilespmem:$0x13000] =	vst v63  }
0x4c: {  	s11 =	rddreg [dreg:$0x1b];
	s22 =	simm.s32 $0x11700  }
0x4d: {  	[hbm4b:s11+s2] =	stream.linear.scatter [tilespmem:s22], [sflag:$0x10], $0xC80, $0x38;
	[tilespmem:$0x13000] =	vst v63  }
0x4e: {  	s23 =	rddreg [dreg:$0x1c];
	s24 =	simm.s32 $0x12380;
	s25 =	simm.s32 $0x9  }
0x4f: {  	[hbm4b:s23+s2] =	stream.linear.scatter [tilespmem:s24], [sflag:$0x10], $0xC80, $0x38;
	[tilespmem:$0x13000] =	vst v63  }
0x50: {  	s0 =	rddreg [dreg:$0x4];
	_ =	swait.ge [sflag:s25], $0xC80  }
0x51: {  	[sflag:s25] =	ssyncset.done $0x0  }
0x52: {  	[sflag:s25] =	ssyncadd.s32 $0xFFFFF380  }
0x53: {  	s22 =	rddreg [dreg:$0x3];
	_ =	swait.ge [sflag:s25], $0xC80  }
0x54: {  	[sflag:s25] =	ssyncset.done $0x0  }
0x55: {  	[sflag:s25] =	ssyncadd.s32 $0xFFFFF380  }
0x56: {  	[tilespmem:s5], [sflag:$0x1] =	stream.indirect.gather [hbm4b:s3+s12], $0x40, s2, s12, $0xb8;
	[tilespmem:$0x13000] =	vst v63  }
0x57: {  	_ =	swait.ge [sflag:s13], $0xC80  }
0x58: {  	[sflag:s13] =	ssyncset.done $0x0  }
0x59: {  	[sflag:s13] =	ssyncadd.s32 $0xFFFFF380  }
0x5a: {  	s5 =	rddreg [dreg:$0xb];
	_ =	swait.ge [sflag:s13], $0xC80  }
0x5b: {  	[sflag:s13] =	ssyncset.done $0x0  }
0x5c: {  	s31 =	simm.s32 $0x8100;
	s8 =	simm.s32 $0x68;
	[sflag:s13] =	ssyncadd.s32 $0xFFFFF380  }
0x5d: {  	[tilespmem:s31], [sflag:$0x2] =	stream.indirect.gather [hbm4b:s3+s12], $0x40, s8, s12, $0xb8;
	[tilespmem:$0x13000] =	vst v63  }
0x5e: {  	_ =	swait.ge [sflag:s14], $0xC80  }
0x5f: {  	[sflag:s14] =	ssyncset.done $0x0  }
0x60: {  	[sflag:s14] =	ssyncadd.s32 $0xFFFFF380  }
0x61: {  	s6 =	rddreg [dreg:$0xa];
	_ =	swait.ge [sflag:s14], $0xC80  }
0x62: {  	[sflag:s14] =	ssyncset.done $0x0  }
0x63: {  	s9 =	simm.s32 $0xD0;
	[sflag:s14] =	ssyncadd.s32 $0xFFFFF380  }
0x64: {  	[tilespmem:s21], [sflag:$0x3] =	stream.indirect.gather [hbm4b:s3+s12], $0x40, s9, s12, $0xb8;
	[tilespmem:$0x13000] =	vst v63  }
0x65: {  	_ =	swait.ge [sflag:s15], $0xC80  }
0x66: {  	[sflag:s15] =	ssyncset.done $0x0  }
0x67: {  	[sflag:s15] =	ssyncadd.s32 $0xFFFFF380  }
0x68: {  	s7 =	rddreg [dreg:$0x9];
	_ =	swait.ge [sflag:s15], $0xC80  }
0x69: {  	[sflag:s15] =	ssyncset.done $0x0  }
0x6a: {  	s10 =	simm.s32 $0x138;
	[sflag:s15] =	ssyncadd.s32 $0xFFFFF380  }
0x6b: {  	[tilespmem:s4], [sflag:$0x4] =	stream.indirect.gather [hbm4b:s3+s12], $0x40, s10, s12, $0xb8;
	[tilespmem:$0x13000] =	vst v63  }
0x6c: {  	_ =	swait.ge [sflag:s16], $0xC80  }
0x6d: {  	[sflag:s16] =	ssyncset.done $0x0  }
0x6e: {  	[sflag:s16] =	ssyncadd.s32 $0xFFFFF380  }
0x6f: {  	s8 =	rddreg [dreg:$0x8];
	_ =	swait.ge [sflag:s16], $0xC80  }
0x70: {  	[sflag:s16] =	ssyncset.done $0x0  }
0x71: {  	s29 =	simm.s32 $0xCC00;
	s11 =	simm.s32 $0x1A0;
	[sflag:s16] =	ssyncadd.s32 $0xFFFFF380  }
0x72: {  	[tilespmem:s29], [sflag:$0x5] =	stream.indirect.gather [hbm4b:s3+s12], $0x40, s11, s12, $0xb8;
	[tilespmem:$0x13000] =	vst v63  }
0x73: {  	_ =	swait.ge [sflag:s17], $0xC80  }
0x74: {  	[sflag:s17] =	ssyncset.done $0x0  }
0x75: {  	[sflag:s17] =	ssyncadd.s32 $0xFFFFF380  }
0x76: {  	s9 =	rddreg [dreg:$0x7];
	_ =	swait.ge [sflag:s17], $0xC80  }
0x77: {  	[sflag:s17] =	ssyncset.done $0x0  }
0x78: {  	s24 =	simm.s32 $0xE500;
	s23 =	simm.s32 $0x208;
	[sflag:s17] =	ssyncadd.s32 $0xFFFFF380  }
0x79: {  	[tilespmem:s24], [sflag:$0x6] =	stream.indirect.gather [hbm4b:s3+s12], $0x40, s23, s12, $0xb8;
	[tilespmem:$0x13000] =	vst v63  }
0x7a: {  	_ =	swait.ge [sflag:s18], $0xC80  }
0x7b: {  	[sflag:s18] =	ssyncset.done $0x0  }
0x7c: {  	[sflag:s18] =	ssyncadd.s32 $0xFFFFF380  }
0x7d: {  	s10 =	rddreg [dreg:$0x6];
	_ =	swait.ge [sflag:s18], $0xC80  }
0x7e: {  	[sflag:s18] =	ssyncset.done $0x0  }
0x7f: {  	s25 =	simm.s32 $0x270;
	s29 =	simm.s32 $0xFE00;
	[sflag:s18] =	ssyncadd.s32 $0xFFFFF380  }
0x80: {  	[tilespmem:s29], [sflag:$0x7] =	stream.indirect.gather [hbm4b:s3+s12], $0x40, s25, s12, $0xb8;
	[tilespmem:$0x13000] =	vst v63  }
0x81: {  	_ =	swait.ge [sflag:s19], $0xC80  }
0x82: {  	[sflag:s19] =	ssyncset.done $0x0  }
0x83: {  	[sflag:s19] =	ssyncadd.s32 $0xFFFFF380  }
0x84: {  	s23 =	rddreg [dreg:$0x5];
	_ =	swait.ge [sflag:s19], $0xC80  }
0x85: {  	[sflag:s19] =	ssyncset.done $0x0  }
0x86: {  	s1 =	simm.s32 $0x2D8;
	s11 =	simm.s32 $0x11700;
	[sflag:s19] =	ssyncadd.s32 $0xFFFFF380  }
0x87: {  	[tilespmem:s11], [sflag:$0x8] =	stream.indirect.gather [hbm4b:s3+s12], $0x40, s1, s12, $0xb8;
	[tilespmem:$0x13000] =	vst v63  }
0x88: {  	s1 =	simm.s32 $0x1  }
0x89: {  	_ =	swait.ge [sflag:s1], $0x1900  }
0x8a: {  	[sflag:s1] =	ssyncset.done $0x0  }
0x8b: {  	s0 =	sadd.s32 $0x0, s0;
	[sflag:s1] =	ssyncadd.s32 $0xFFFFE700;
	s1 =	simm.s32 $0x6800  }
0x8c: {  	[hbm4b:s0+s2] =	stream.linear.scatter [tilespmem:s1], [sflag:$0x9], $0xC80, $0x38;
	[tilespmem:$0x13000] =	vst v63  }
0x8d: {  	s22 =	sadd.s32 $0x0, s22;
	s1 =	simm.s32 $0x2  }
0x8e: {  	[hbm4b:s22+s2] =	stream.linear.scatter [tilespmem:s20], [sflag:$0x9], $0xC80, $0x38;
	[tilespmem:$0x13000] =	vst v63  }
0x8f: {  	_ =	swait.ge [sflag:s1], $0x1900  }
0x90: {  	[sflag:s1] =	ssyncset.done $0x0  }
0x91: {  	s22 =	sadd.s32 $0x320, s0;
	[sflag:s1] =	ssyncadd.s32 $0xFFFFE700  }
0x92: {  	[hbm4b:s22+s2] =	stream.linear.scatter [tilespmem:s31], [sflag:$0xA], $0xC80, $0x38;
	[tilespmem:$0x13000] =	vst v63  }
0x93: {  	s5 =	sadd.s32 $0x0, s5;
	s25 =	simm.s32 $0x8D80  }
0x94: {  	[hbm4b:s5+s2] =	stream.linear.scatter [tilespmem:s25], [sflag:$0xA], $0xC80, $0x38;
	[tilespmem:$0x13000] =	vst v63  }
0x95: {  	_ =	swait.ge [sflag:s26], $0x1900  }
0x96: {  	[sflag:s26] =	ssyncset.done $0x0  }
0x97: {  	s20 =	sadd.s32 $0x640, s0;
	[sflag:s26] =	ssyncadd.s32 $0xFFFFE700  }
0x98: {  	[hbm4b:s20+s2] =	stream.linear.scatter [tilespmem:s21], [sflag:$0xB], $0xC80, $0x38;
	[tilespmem:$0x13000] =	vst v63  }
0x99: {  	s22 =	sadd.s32 $0x0, s6;
	s25 =	simm.s32 $0x4  }
0x9a: {  	[hbm4b:s22+s2] =	stream.linear.scatter [tilespmem:s28], [sflag:$0xB], $0xC80, $0x38;
	[tilespmem:$0x13000] =	vst v63  }
0x9b: {  	_ =	swait.ge [sflag:s25], $0x1900  }
0x9c: {  	[sflag:s25] =	ssyncset.done $0x0  }
0x9d: {  	s26 =	sadd.s32 $0x960, s0;
	[sflag:s25] =	ssyncadd.s32 $0xFFFFE700  }
0x9e: {  	[hbm4b:s26+s2] =	stream.linear.scatter [tilespmem:s4], [sflag:$0xC], $0xC80, $0x38;
	[tilespmem:$0x13000] =	vst v63  }
0x9f: {  	s28 =	sadd.s32 $0x0, s7  }
0xa0: {  	[hbm4b:s28+s2] =	stream.linear.scatter [tilespmem:s30], [sflag:$0xC], $0xC80, $0x38;
	[tilespmem:$0x13000] =	vst v63  }
0xa1: {  	s30 =	simm.s32 $0x5  }
0xa2: {  	_ =	swait.ge [sflag:s30], $0x1900  }
0xa3: {  	[sflag:s30] =	ssyncset.done $0x0  }
0xa4: {  	s31 =	sadd.s32 $0xC80, s0;
	s6 =	simm.s32 $0xCC00;
	[sflag:s30] =	ssyncadd.s32 $0xFFFFE700  }
0xa5: {  	[hbm4b:s31+s2] =	stream.linear.scatter [tilespmem:s6], [sflag:$0xD], $0xC80, $0x38;
	[tilespmem:$0x13000] =	vst v63  }
0xa6: {  	s5 =	simm.s32 $0xD880;
	s7 =	sadd.s32 $0x0, s8;
	s8 =	simm.s32 $0x6  }
0xa7: {  	[hbm4b:s7+s2] =	stream.linear.scatter [tilespmem:s5], [sflag:$0xD], $0xC80, $0x38;
	[tilespmem:$0x13000] =	vst v63  }
0xa8: {  	_ =	swait.ge [sflag:s8], $0x1900  }
0xa9: {  	[sflag:s8] =	ssyncset.done $0x0  }
0xaa: {  	s20 =	sadd.s32 $0xFA0, s0;
	[sflag:s8] =	ssyncadd.s32 $0xFFFFE700  }
0xab: {  	[hbm4b:s20+s2] =	stream.linear.scatter [tilespmem:s24], [sflag:$0xE], $0xC80, $0x38;
	[tilespmem:$0x13000] =	vst v63  }
0xac: {  	s21 =	sadd.s32 $0x0, s9;
	s22 =	simm.s32 $0xF180;
	s24 =	simm.s32 $0x7  }
0xad: {  	[hbm4b:s21+s2] =	stream.linear.scatter [tilespmem:s22], [sflag:$0xE], $0xC80, $0x38;
	[tilespmem:$0x13000] =	vst v63  }
0xae: {  	_ =	swait.ge [sflag:s24], $0x1900  }
0xaf: {  	[sflag:s24] =	ssyncset.done $0x0  }
0xb0: {  	s25 =	sadd.s32 $0x12C0, s0;
	[sflag:s24] =	ssyncadd.s32 $0xFFFFE700  }
0xb1: {  	[hbm4b:s25+s2] =	stream.linear.scatter [tilespmem:s29], [sflag:$0xF], $0xC80, $0x38;
	[tilespmem:$0x13000] =	vst v63  }
0xb2: {  	s26 =	sadd.s32 $0x0, s10;
	s28 =	simm.s32 $0x10A80;
	s29 =	simm.s32 $0x8  }
0xb3: {  	[hbm4b:s26+s2] =	stream.linear.scatter [tilespmem:s28], [sflag:$0xF], $0xC80, $0x38;
	[tilespmem:$0x13000] =	vst v63  }
0xb4: {  	_ =	swait.ge [sflag:s29], $0x1900  }
0xb5: {  	s11 =	simm.s32 $0x11700;
	[sflag:s29] =	ssyncset.done $0x0  }
0xb6: {  	s0 =	sadd.s32 $0x15E0, s0;
	s30 =	sadd.s32 $0x0, s23;
	[sflag:s29] =	ssyncadd.s32 $0xFFFFE700  }
0xb7: {  	[hbm4b:s0+s2] =	stream.linear.scatter [tilespmem:s11], [sflag:$0x10], $0xC80, $0x38;
	[tilespmem:$0x13000] =	vst v63  }
0xb8: {  	s31 =	simm.s32 $0x12380;
	s6 =	simm.s32 $0x0;
	s0 =	simm.s32 $0x1900  }
0xb9: {  	[hbm4b:s30+s2] =	stream.linear.scatter [tilespmem:s31], [sflag:$0x10], $0xC80, $0x38;
	[tilespmem:$0x13000] =	vst v63  }
.LBB2_2:
0xba: {  	s1 =	simm.s32 $0x9  }
0xbb: {  	s10 =	rddreg [dreg:$0x4];
	_ =	swait.ge [sflag:s1], $0xC80  }
0xbc: {  	[sflag:s1] =	ssyncset.done $0x0  }
0xbd: {  	[sflag:s1] =	ssyncadd.s32 $0xFFFFF380  }
0xbe: {  	s23 =	rddreg [dreg:$0x3];
	_ =	swait.ge [sflag:s1], $0xC80  }
0xbf: {  	[sflag:s1] =	ssyncset.done $0x0  }
0xc0: {  	s6 =	sadd.s32 $0x340, s6;
	s26 =	simm.s32 $0x6800;
	[sflag:s1] =	ssyncadd.s32 $0xFFFFF380  }
0xc1: {  	[tilespmem:s26], [sflag:$0x1] =	stream.indirect.gather [hbm4b:s3+s12], $0x40, s6, s12, $0xb8;
	[tilespmem:$0x13000] =	vst v63  }
0xc2: {  	_ =	swait.ge [sflag:s13], $0xC80  }
0xc3: {  	[sflag:s13] =	ssyncset.done $0x0  }
0xc4: {  	[sflag:s13] =	ssyncadd.s32 $0xFFFFF380  }
0xc5: {  	s25 =	rddreg [dreg:$0xb];
	_ =	swait.ge [sflag:s13], $0xC80  }
0xc6: {  	[sflag:s13] =	ssyncset.done $0x0  }
0xc7: {  	s29 =	simm.s32 $0x8100;
	s11 =	sadd.s32 $0x68, s6;
	[sflag:s13] =	ssyncadd.s32 $0xFFFFF380  }
0xc8: {  	[tilespmem:s29], [sflag:$0x2] =	stream.indirect.gather [hbm4b:s3+s12], $0x40, s11, s12, $0xb8;
	[tilespmem:$0x13000] =	vst v63  }
0xc9: {  	_ =	swait.ge [sflag:s14], $0xC80  }
0xca: {  	[sflag:s14] =	ssyncset.done $0x0  }
0xcb: {  	[sflag:s14] =	ssyncadd.s32 $0xFFFFF380  }
0xcc: {  	s28 =	rddreg [dreg:$0xa];
	_ =	swait.ge [sflag:s14], $0xC80  }
0xcd: {  	[sflag:s14] =	ssyncset.done $0x0  }
0xce: {  	s22 =	simm.s32 $0x9A00;
	s20 =	sadd.s32 $0xD0, s6;
	[sflag:s14] =	ssyncadd.s32 $0xFFFFF380  }
0xcf: {  	[tilespmem:s22], [sflag:$0x3] =	stream.indirect.gather [hbm4b:s3+s12], $0x40, s20, s12, $0xb8;
	[tilespmem:$0x13000] =	vst v63  }
0xd0: {  	_ =	swait.ge [sflag:s15], $0xC80  }
0xd1: {  	[sflag:s15] =	ssyncset.done $0x0  }
0xd2: {  	[sflag:s15] =	ssyncadd.s32 $0xFFFFF380  }
0xd3: {  	s30 =	rddreg [dreg:$0x9];
	_ =	swait.ge [sflag:s15], $0xC80  }
0xd4: {  	[sflag:s15] =	ssyncset.done $0x0  }
0xd5: {  	s21 =	sadd.s32 $0x138, s6;
	s11 =	simm.s32 $0xB300;
	[sflag:s15] =	ssyncadd.s32 $0xFFFFF380  }
0xd6: {  	[tilespmem:s11], [sflag:$0x4] =	stream.indirect.gather [hbm4b:s3+s12], $0x40, s21, s12, $0xb8;
	[tilespmem:$0x13000] =	vst v63  }
0xd7: {  	_ =	swait.ge [sflag:s16], $0xC80  }
0xd8: {  	[sflag:s16] =	ssyncset.done $0x0  }
0xd9: {  	[sflag:s16] =	ssyncadd.s32 $0xFFFFF380  }
0xda: {  	s1 =	rddreg [dreg:$0x8];
	_ =	swait.ge [sflag:s16], $0xC80  }
0xdb: {  	[sflag:s16] =	ssyncset.done $0x0  }
0xdc: {  	s31 =	simm.s32 $0xCC00;
	s5 =	sadd.s32 $0x1A0, s6;
	[sflag:s16] =	ssyncadd.s32 $0xFFFFF380  }
0xdd: {  	[tilespmem:s31], [sflag:$0x5] =	stream.indirect.gather [hbm4b:s3+s12], $0x40, s5, s12, $0xb8;
	[tilespmem:$0x13000] =	vst v63  }
0xde: {  	_ =	swait.ge [sflag:s17], $0xC80  }
0xdf: {  	[sflag:s17] =	ssyncset.done $0x0  }
0xe0: {  	[sflag:s17] =	ssyncadd.s32 $0xFFFFF380  }
0xe1: {  	s5 =	rddreg [dreg:$0x7];
	_ =	swait.ge [sflag:s17], $0xC80  }
0xe2: {  	[sflag:s17] =	ssyncset.done $0x0  }
0xe3: {  	s7 =	sadd.s32 $0x208, s6;
	s21 =	simm.s32 $0xE500;
	[sflag:s17] =	ssyncadd.s32 $0xFFFFF380  }
0xe4: {  	[tilespmem:s21], [sflag:$0x6] =	stream.indirect.gather [hbm4b:s3+s12], $0x40, s7, s12, $0xb8;
	[tilespmem:$0x13000] =	vst v63  }
0xe5: {  	_ =	swait.ge [sflag:s18], $0xC80  }
0xe6: {  	[sflag:s18] =	ssyncset.done $0x0  }
0xe7: {  	[sflag:s18] =	ssyncadd.s32 $0xFFFFF380  }
0xe8: {  	s7 =	rddreg [dreg:$0x6];
	_ =	swait.ge [sflag:s18], $0xC80  }
0xe9: {  	[sflag:s18] =	ssyncset.done $0x0  }
0xea: {  	s4 =	simm.s32 $0xFE00;
	s9 =	sadd.s32 $0x270, s6;
	[sflag:s18] =	ssyncadd.s32 $0xFFFFF380  }
0xeb: {  	[tilespmem:s4], [sflag:$0x7] =	stream.indirect.gather [hbm4b:s3+s12], $0x40, s9, s12, $0xb8;
	[tilespmem:$0x13000] =	vst v63  }
0xec: {  	_ =	swait.ge [sflag:s19], $0xC80  }
0xed: {  	[sflag:s19] =	ssyncset.done $0x0  }
0xee: {  	[sflag:s19] =	ssyncadd.s32 $0xFFFFF380  }
0xef: {  	s9 =	rddreg [dreg:$0x5];
	_ =	swait.ge [sflag:s19], $0xC80  }
0xf0: {  	[sflag:s19] =	ssyncset.done $0x0  }
0xf1: {  	s24 =	simm.s32 $0x11700;
	s20 =	sadd.s32 $0x2D8, s6;
	[sflag:s19] =	ssyncadd.s32 $0xFFFFF380  }
0xf2: {  	[tilespmem:s24], [sflag:$0x8] =	stream.indirect.gather [hbm4b:s3+s12], $0x40, s20, s12, $0xb8;
	[tilespmem:$0x13000] =	vst v63  }
0xf3: {  	s20 =	simm.s32 $0x1  }
0xf4: {  	_ =	swait.ge [sflag:s20], $0x1900  }
0xf5: {  	s8 =	smov.u32 s0;
	[sflag:s20] =	ssyncset.done $0x0  }
0xf6: {  	s10 =	sadd.s32 s8, s10;
	[sflag:s20] =	ssyncadd.s32 $0xFFFFE700  }
0xf7: {  	[hbm4b:s10+s2] =	stream.linear.scatter [tilespmem:s26], [sflag:$0x9], $0xC80, $0x38;
	[tilespmem:$0x13000] =	vst v63  }
0xf8: {  	s23 =	sadd.s32 s8, s23;
	s20 =	simm.s32 $0x2;
	s26 =	simm.s32 $0x7480  }
0xf9: {  	[hbm4b:s23+s2] =	stream.linear.scatter [tilespmem:s26], [sflag:$0x9], $0xC80, $0x38;
	[tilespmem:$0x13000] =	vst v63  }
0xfa: {  	_ =	swait.ge [sflag:s20], $0x1900  }
0xfb: {  	[sflag:s20] =	ssyncset.done $0x0  }
0xfc: {  	s26 =	sadd.s32 $0x320, s10;
	[sflag:s20] =	ssyncadd.s32 $0xFFFFE700  }
0xfd: {  	[hbm4b:s26+s2] =	stream.linear.scatter [tilespmem:s29], [sflag:$0xA], $0xC80, $0x38;
	[tilespmem:$0x13000] =	vst v63  }
0xfe: {  	s23 =	simm.s32 $0x8D80;
	s20 =	simm.s32 $0x3;
	s29 =	sadd.s32 s8, s25  }
0xff: {  	[hbm4b:s29+s2] =	stream.linear.scatter [tilespmem:s23], [sflag:$0xA], $0xC80, $0x38;
	[tilespmem:$0x13000] =	vst v63  }
0x100: {  	_ =	swait.ge [sflag:s20], $0x1900  }
0x101: {  	[sflag:s20] =	ssyncset.done $0x0  }
0x102: {  	s29 =	sadd.s32 $0x640, s10;
	[sflag:s20] =	ssyncadd.s32 $0xFFFFE700  }
0x103: {  	[hbm4b:s29+s2] =	stream.linear.scatter [tilespmem:s22], [sflag:$0xB], $0xC80, $0x38;
	[tilespmem:$0x13000] =	vst v63  }
0x104: {  	s20 =	simm.s32 $0x4;
	s29 =	sadd.s32 s8, s28;
	s28 =	simm.s32 $0xA680  }
0x105: {  	[hbm4b:s29+s2] =	stream.linear.scatter [tilespmem:s28], [sflag:$0xB], $0xC80, $0x38;
	[tilespmem:$0x13000] =	vst v63  }
0x106: {  	_ =	swait.ge [sflag:s20], $0x1900  }
0x107: {  	[sflag:s20] =	ssyncset.done $0x0  }
0x108: {  	s22 =	sadd.s32 $0x960, s10;
	[sflag:s20] =	ssyncadd.s32 $0xFFFFE700  }
0x109: {  	[hbm4b:s22+s2] =	stream.linear.scatter [tilespmem:s11], [sflag:$0xC], $0xC80, $0x38;
	[tilespmem:$0x13000] =	vst v63  }
0x10a: {  	s26 =	sadd.s32 s8, s30;
	s30 =	simm.s32 $0xBF80;
	s29 =	simm.s32 $0x5  }
0x10b: {  	[hbm4b:s26+s2] =	stream.linear.scatter [tilespmem:s30], [sflag:$0xC], $0xC80, $0x38;
	[tilespmem:$0x13000] =	vst v63  }
0x10c: {  	_ =	swait.ge [sflag:s29], $0x1900  }
0x10d: {  	[sflag:s29] =	ssyncset.done $0x0  }
0x10e: {  	s11 =	sadd.s32 $0xC80, s10;
	[sflag:s29] =	ssyncadd.s32 $0xFFFFE700  }
0x10f: {  	[hbm4b:s11+s2] =	stream.linear.scatter [tilespmem:s31], [sflag:$0xD], $0xC80, $0x38;
	[tilespmem:$0x13000] =	vst v63  }
0x110: {  	s1 =	sadd.s32 s8, s1;
	s25 =	simm.s32 $0xD880;
	s22 =	simm.s32 $0x6  }
0x111: {  	[hbm4b:s1+s2] =	stream.linear.scatter [tilespmem:s25], [sflag:$0xD], $0xC80, $0x38;
	[tilespmem:$0x13000] =	vst v63  }
0x112: {  	_ =	swait.ge [sflag:s22], $0x1900  }
0x113: {  	[sflag:s22] =	ssyncset.done $0x0  }
0x114: {  	s26 =	sadd.s32 $0xFA0, s10;
	[sflag:s22] =	ssyncadd.s32 $0xFFFFE700  }
0x115: {  	[hbm4b:s26+s2] =	stream.linear.scatter [tilespmem:s21], [sflag:$0xE], $0xC80, $0x38;
	[tilespmem:$0x13000] =	vst v63  }
0x116: {  	s29 =	sadd.s32 s8, s5;
	s31 =	simm.s32 $0xF180;
	s1 =	simm.s32 $0x7  }
0x117: {  	[hbm4b:s29+s2] =	stream.linear.scatter [tilespmem:s31], [sflag:$0xE], $0xC80, $0x38;
	[tilespmem:$0x13000] =	vst v63  }
0x118: {  	_ =	swait.ge [sflag:s1], $0x1900  }
0x119: {  	[sflag:s1] =	ssyncset.done $0x0  }
0x11a: {  	s11 =	sadd.s32 $0x12C0, s10;
	[sflag:s1] =	ssyncadd.s32 $0xFFFFE700  }
0x11b: {  	[hbm4b:s11+s2] =	stream.linear.scatter [tilespmem:s4], [sflag:$0xF], $0xC80, $0x38;
	[tilespmem:$0x13000] =	vst v63  }
0x11c: {  	s20 =	sadd.s32 s8, s7;
	s22 =	simm.s32 $0x8;
	s21 =	simm.s32 $0x10A80  }
0x11d: {  	[hbm4b:s20+s2] =	stream.linear.scatter [tilespmem:s21], [sflag:$0xF], $0xC80, $0x38;
	[tilespmem:$0x13000] =	vst v63  }
0x11e: {  	p0 =	sne.s32 s0, $0x30700;
	_ =	swait.ge [sflag:s22], $0x1900  }
.Ltmp0:
0x11f: {  	[sflag:s22] =	ssyncset.done $0x0;
	(pc) =	sbr.rel @p0 .LBB2_2-.Ltmp0, $4  }
0x120: {  	s26 =	sadd.s32 $0x15E0, s10;
	[sflag:s22] =	ssyncadd.s32 $0xFFFFE700  }
0x121: {  	[hbm4b:s26+s2] =	stream.linear.scatter [tilespmem:s24], [sflag:$0x10], $0xC80, $0x38;
	[tilespmem:$0x13000] =	vst v63  }
0x122: {  	s0 =	sadd.s32 $0x1900, s0;
	s29 =	sadd.s32 s8, s9;
	s31 =	simm.s32 $0x12380  }
0x123: {  	[hbm4b:s29+s2] =	stream.linear.scatter [tilespmem:s31], [sflag:$0x10], $0xC80, $0x38;
	[tilespmem:$0x13000] =	vst v63  }
0x124: {  	s0 =	simm.s32 $0x9  }
0x125: {  	_ =	swait.ge [sflag:s0], $0xC80  }
0x126: {  	[sflag:s0] =	ssyncset.done $0x0  }
0x127: {  	[sflag:s0] =	ssyncadd.s32 $0xFFFFF380  }
0x128: {  	_ =	swait.ge [sflag:s0], $0xC80  }
0x129: {  	[sflag:s0] =	ssyncset.done $0x0  }
0x12a: {  	[sflag:s0] =	ssyncadd.s32 $0xFFFFF380  }
0x12b: {  	_ =	swait.ge [sflag:s13], $0xC80  }
0x12c: {  	[sflag:s13] =	ssyncset.done $0x0  }
0x12d: {  	[sflag:s13] =	ssyncadd.s32 $0xFFFFF380  }
0x12e: {  	_ =	swait.ge [sflag:s13], $0xC80  }
0x12f: {  	[sflag:s13] =	ssyncset.done $0x0  }
0x130: {  	[sflag:s13] =	ssyncadd.s32 $0xFFFFF380  }
0x131: {  	_ =	swait.ge [sflag:s14], $0xC80  }
0x132: {  	[sflag:s14] =	ssyncset.done $0x0  }
0x133: {  	[sflag:s14] =	ssyncadd.s32 $0xFFFFF380  }
0x134: {  	_ =	swait.ge [sflag:s14], $0xC80  }
0x135: {  	[sflag:s14] =	ssyncset.done $0x0  }
0x136: {  	[sflag:s14] =	ssyncadd.s32 $0xFFFFF380  }
0x137: {  	_ =	swait.ge [sflag:s15], $0xC80  }
0x138: {  	[sflag:s15] =	ssyncset.done $0x0  }
0x139: {  	[sflag:s15] =	ssyncadd.s32 $0xFFFFF380  }
0x13a: {  	_ =	swait.ge [sflag:s15], $0xC80  }
0x13b: {  	[sflag:s15] =	ssyncset.done $0x0  }
0x13c: {  	[sflag:s15] =	ssyncadd.s32 $0xFFFFF380  }
0x13d: {  	_ =	swait.ge [sflag:s16], $0xC80  }
0x13e: {  	[sflag:s16] =	ssyncset.done $0x0  }
0x13f: {  	[sflag:s16] =	ssyncadd.s32 $0xFFFFF380  }
0x140: {  	_ =	swait.ge [sflag:s16], $0xC80  }
0x141: {  	[sflag:s16] =	ssyncset.done $0x0  }
0x142: {  	[sflag:s16] =	ssyncadd.s32 $0xFFFFF380  }
0x143: {  	_ =	swait.ge [sflag:s17], $0xC80  }
0x144: {  	[sflag:s17] =	ssyncset.done $0x0  }
0x145: {  	[sflag:s17] =	ssyncadd.s32 $0xFFFFF380  }
0x146: {  	_ =	swait.ge [sflag:s17], $0xC80  }
0x147: {  	[sflag:s17] =	ssyncset.done $0x0  }
0x148: {  	[sflag:s17] =	ssyncadd.s32 $0xFFFFF380  }
0x149: {  	_ =	swait.ge [sflag:s18], $0xC80  }
0x14a: {  	[sflag:s18] =	ssyncset.done $0x0  }
0x14b: {  	[sflag:s18] =	ssyncadd.s32 $0xFFFFF380  }
0x14c: {  	_ =	swait.ge [sflag:s18], $0xC80  }
0x14d: {  	[sflag:s18] =	ssyncset.done $0x0  }
0x14e: {  	[sflag:s18] =	ssyncadd.s32 $0xFFFFF380  }
0x14f: {  	_ =	swait.ge [sflag:s19], $0xC80  }
0x150: {  	[sflag:s19] =	ssyncset.done $0x0  }
0x151: {  	[sflag:s19] =	ssyncadd.s32 $0xFFFFF380  }
0x152: {  	_ =	swait.ge [sflag:s19], $0xC80  }
0x153: {  	s22 =	rddreg [dreg:$0x1e]  }
0x154: {  	s31 =	rddreg [dreg:$0x1d];
	s22 =	sadd.s32 $0x1, s22  }
0x155: {  	p0 =	sne.s32 s22, s31  }
.Ltmp1:
0x156: {  	s5 =	simm.s32 $0x6800;
	(pc) =	sbr.rel @p0 .LBB2_1-.Ltmp1, $4  }
0x157: {  	s20 =	simm.s32 $0x7480;
	s1 =	simm.s32 $0x8100;
	s21 =	simm.s32 $0x9A00  }
0x158: {  	s4 =	simm.s32 $0xB300;
	s6 =	simm.s32 $0xCC00;
	s7 =	simm.s32 $0xE500  }
0x159: {  	s8 =	simm.s32 $0xF180;
	s9 =	simm.s32 $0xFE00;
	[sflag:s19] =	ssyncset.done $0x0  }
0x15a: {  	s10 =	simm.s32 $0x10A80;
	s26 =	simm.s32 $0x3;
	[sflag:s19] =	ssyncadd.s32 $0xFFFFF380  }
0x15b: {  	_ =	sfence.sel $0x180000  }
0x15c: {  	[bflag:$0x0] =	sbarrier.arrive $0xFFFF  }
0x15d: {  	_ =	strace $0x90000047  }
0x15e: {  	s0 =	stileid.u32;
	[bflag:$0x2] =	sbarrier.arrive $0xFFFF  }
0x15f: {  	p0 =	sne.s32 s0, $0x0;
	s0 =	rddreg [dreg:$0x2]  }
0x160: {  	s0 =	sadd.s32 @!p0 $0x100000, s0  }
0x161: {  	[sflag:s0] =	ssyncadd.tile.s32 @!p0 $0x1;
	_ =	shalt  }
.Lfunc_end2:
_tile_overlayer_lowered:
.L_overlay_start_2:
0x162: {  	(tag) =	ssettag $0x2  }
0x163: {  	s0 =	rddreg [dreg:$0x0];
	s2 =	stileid.u32  }
0x164: {  	s1 =	rddreg [dreg:$0x1];
	p0 =	sne.s32 s2, $0x0  }
0x165: {  	s3 =	rddreg [dreg:$0x2];
	[bflag:$0x3] =	sbarrier.arrive $0xFFFF;
	s2 =	simm.s32 @!p0 $0x1C11  }
0x166: {  	[timem:s3], [sflag:s2] =	dma.local @!p0 [hbm:s0], s1  }
0x167: {  	s0 =	simm.s32 @!p0 $0x11  }
0x168: {  	_ =	swait.ge @!p0 [sflag:s0], s1  }
0x169: {  	s1 =	ssub.s32 @!p0 $0x0, s1;
	[sflag:s0] =	ssyncset.done @!p0 $0x0  }
0x16a: {  	[sflag:s0] =	ssyncadd.s32 @!p0 s1  }
0x16b: {  	[bflag:$0x3] =	sbarrier.arrive $0xFFFF  }
0x16c: {  	_ =	shalt  }

// kernel: sparse-core-data-format-call.cloned.1.call-start
scs
called_computation_lowered:
.L_overlay_start_0:
0x0: {  	s2 =	sld [smem:$0x3FD9]  }
0x1: {  	s3 =	sld [smem:$0x3FFE];
	_ =	sdelay $0x1  }
0x2: {  	s1 =	srdreg.scid  }
0x3: {  	s0 =	sand.u32 $0x1, s1  }
0x4: {  	s18 =	sshll.u32 s0, $0xA;
	s2 =	sadd.s32 s3, s2  }
0x5: {  	s2 =	sadd.s32 s2, s18  }
0x6: {  	[smem:$0x3FC6] =	sst s2  }
0x7: {  	_ = 	snop  }
0x8: {  	s2 =	sld [smem:$0x3FD0];
	(tm) =	ssettm $0x1  }
0x9: {  	s19 =	sld [smem:$0x3FFB];
	_ =	sdelay $0x3  }
0xa: {  	_ =	strace s19  }
0xb: {  	s3 =	sld [smem:$0x3FFC];
	_ =	sdelay $0x3  }
0xc: {  	_ =	strace s3  }
0xd: {  	s3 =	sld [smem:$0x3FFD];
	_ =	sdelay $0x3  }
0xe: {  	_ =	strace s3  }
0xf: {  	_ =	strace $0x8FFFFFFF  }
0x10: {  	s20 =	sld [smem:$0x3FDB];
	_ =	sdelay $0x1  }
0x11: {  	s4 =	simm.s32 $_scs_section_size  }
0x12: {  	s5 =	simm.s32 $_size__tile_overlayer_lowered;
	s6 =	simm.s32 $_tile_overlayer_lowered  }
0x13: {  	s23 =	simm.s32 $0x1BFF;
	s22 =	sshll.u32 s6, $0x1;
	s3 =	sadd.s32 s4, s20  }
0x14: {  	s7 =	simm.s32 $0x0;
	s21 =	sshll.u32 s5, $0x1;
	s5 =	sadd.s32 s22, s3  }
0x15: {  	[timem:s7], [sflag:s23] =	dma.local [hbm:s5], s21  }
0x16: {  	_ =	swait.ge [sflag:s23], s21  }
0x17: {  	s4 =	ssub.s32 $0x0, s21;
	[sflag:s23] =	ssyncset.done $0x0  }
0x18: {  	[sflag:s23] =	ssyncadd.s32 s4;
	_ =	sdelay $0x1  }
0x19: {  	s24 =	simm.s32 $0x1B8B  }
0x1a: {  	_ =	swait.ge [sflag:s24], $0x1  }
0x1b: {  	[sflag:s24] =	ssyncset.done $0x0  }
0x1c: {  	s26 =	simm.s32 $0x1B8E;
	s25 =	sld [smem:$0x3FFE];
	[sflag:s24] =	ssyncadd.s32 $0xFFFFFFFF  }
0x1d: {  	s27 =	simm.s32 $execute0_lowered;
	[smem:$0x3FD2] =	sst s26  }
0x1e: {  	s5 =	sshll.u32 s27, $0x1;
	_ =	strace $0x80000049;
	[dreg:$0x1] =	wrdreg $0xFFFFFFFF  }
0x1f: {  	s28 =	simm.s32 $_size_execute0_lowered;
	s3 =	sadd.s32 s3, s5;
	[dreg:$0x0] =	wrdreg $0x0  }
0x20: {  	s5 =	sshll.u32 s28, $0x1;
	[dreg:$0x2] =	wrdreg s3  }
0x21: {  	[dreg:$0x3] =	wrdreg s5  }
0x22: {  	[dreg:$0x4] =	wrdreg $0xC0  }
0x23: {  	_ =	task [dreg:s7], $0x5FFFF  }
0x24: {  	[dreg:$0x1] =	wrdreg $0xFFFFFFFF  }
0x25: {  	[dreg:$0x0] =	wrdreg $0x60  }
0x26: {  	[dreg:$0x2] =	wrdreg s25  }
0x27: {  	[dreg:$0x3] =	wrdreg s2  }
0x28: {  	[dreg:$0x4] =	wrdreg $0x9  }
0x29: {  	_ =	task.clear_ibuf [dreg:s7], $0x5FFFF;
	_ =	strace $0x90000049  }
0x2a: {  	s29 =	simm.s32 $0x9;
	_ =	strace $0x8000004B  }
0x2b: {  	_ =	swait.ge [sflag:s29], $0x1  }
0x2c: {  	[sflag:s29] =	ssyncadd.s32 $0xFFFFFFFF  }
0x2d: {  	_ =	strace $0x9000004B  }
0x2e: {  	_ =	sfence  }
0x2f: {  	s30 =	sld [smem:$0x0];
	_ =	sdelay $0x2  }
0x30: {  	s31 =	sshll.u32 s1, $0xD;
	s1 =	sshrl.u32 s1, $0x2  }
0x31: {  	s3 =	sand.u32 $0x4000, s31;
	s1 =	sadd.s32 s1, s30  }
0x32: {  	s0 =	sor.u32 s3, s0;
	s1 =	sshll.u32 s1, $0x11  }
0x33: {  	s0 =	sor.u32 s1, s0  }
0x34: {  	s0 =	sadd.s32 $0x8F2B, s0  }
0x35: {  	[sflag:s0] =	ssyncadd.remote.s32 $0x1  }
0x36: {  	_ =	sfence.sel $0xFFFF  }
0x37: {  	[dreg:$0x0] =	wrdreg $0xFFFFFFFF;
	(pc) =	sbr.abs _section_cstart, $3  }
0x38: {  	[dreg:$0x1] =	wrdreg $0xFFFFFFFF  }
0x39: {  	_ =	task.clear_ibuf [dreg:s7], $0x2FFFF;
	_ =	strace $0x9FFFFFFF  }
0x3a: {  	(tm) =	ssettm $0x7FFFFFFF  }
0x3b: {  	_ =	shalt  }
tec
execute0_lowered:
.L_overlay_start_1:
0x0: {  	(tag) =	ssettag $0x1  }
0x1: {  	s0 =	srdreg.scid  }
0x2: {  	s1 =	sshll.u32 s0, $0x4  }
0x3: {  	s0 =	stileid.u32;
	s1 =	sand.u32 $0x10, s1  }
0x4: {  	s1 =	sor.u32 s0, s1  }
0x5: {  	s6 =	rddreg [dreg:$0x0];
	s4 =	simm.s32 $0x1;
	s2 =	sshll.u32 s1, $0x7  }
0x6: {  	s7 =	simm.s32 $0x2;
	s12 =	simm.s32 $0x0;
	s1 =	ssub.s32 $0x4000, s2  }
0x7: {  	s8 =	simm.s32 $0x20000;
	s13 =	simm.s32 $0x0;
	s3 =	sand.u32 $0xF80, s1  }
0x8: {  	s9 =	simm.s32 $0x0;
	s5 =	sshrl.u32 s1, $0xC;
	p0 =	sne.s32 s3, $0x0  }
.Ltmp0:
0x9: {  	s1 =	rddreg [dreg:$0x2];
	s4 =	simm.s32 @!p0 $0x0;
	(pc) =	sbr.rel .LBB1_1-.Ltmp0, $4  }
0xa: {  	s11 =	simm.s32 $0x0;
	s3 =	rddreg [dreg:$0x1];
	s5 =	sadd.s32 s4, s5  }
0xb: {  	_ =	strace $0x8000004A;
	s4 =	simm.s32 $0x1;
	s5 =	smul.u32 $0x32, s5  }
0xc: {  	s6 =	sadd.s32 $0xA00, s6;
	s10 =	smov.u32 s2;
	[sflag:s4] =	ssyncpa.u1 $0x0  }
0xd: {  	p0 =	por $0x0, $0x0;
	[sflag:s7] =	ssyncpa.u1 $0x0;
	s7 =	sor.u32 $0x1, s5  }
.LBB1_4:
0xe: {  	s16 =	sshll.u32 s13, $0x3;
	s17 =	sand.u32 $0x78, s13  }
0xf: {  	s30 =	sand.u32 $0x1F800, s13;
	s12 =	sshll.u32 s12, $0x11;
	s16 =	sand.u32 $0x3C00, s16  }
0x10: {  	[tilespmem:s15+$0x810 ss:$0x81] =	vst.msk $0xffff, v2;
	s31 =	sand.u32 $0x7, s13;
	s16 =	sor.u32 s17, s16;
	s17 =	sadd.s32 s3, s30  }
0x11: {  	[tilespmem:s15+$0x1020 ss:$0x81] =	vst.msk $0xffff, v0;
	s13 =	sshll.u32 s31, $0x12;
	s12 =	sadd.s32 s12, s17;
	s16 =	sshrl.u32 s16, $0x3  }
0x12: {  	[tilespmem:s15+$0x0 ss:$0x81] =	vst.msk $0xffff, v1;
	s13 =	sor.u32 $0x400, s13;
	s12 =	sadd.s32 s16, s12  }
0x13: {  	[hbm4b:s12+s13] =	stream.strided.scatter [tilespmem:s14], [sflag:$0x2], $0x2000, s8, s13, $0x20;
	[tilespmem:$0x8080] =	vst v63  }
.LBB1_5:
0x14: {  	s14 =	sadd.s32 $0x1, s9  }
0x15: {  	s12 =	sadd.s32 $0x1000, s10;
	s16 =	smov.u32 s10;
	p2 =	sgt.s32 s14, $0x31  }
0x16: {  	s16 =	smov.u32 @p2 s12  }
0x17: {  	s14 =	simm.s32 @p2 $0x0;
	p2 =	sgt.s32 s16, $0x3FFF  }
0x18: {  	s16 =	smov.u32 @p2 s2;
	p2 =	sne.s32 s11, s7  }
.Ltmp1:
0x19: {  	p1 =	slt.u32 s11, $0x2;
	(pc) =	sbr.rel @!p2 .LBB1_6-.Ltmp1, $4  }
0x1a: {  	s15 =	simm.s32 @!p1 $0x2  }
0x1b: {  	s13 =	smov.u32 s10;
	p0 =	por !p0, !p0;
	_ =	swait.ge @!p1 [sflag:s15], $0x2000  }
0x1c: {  	s12 =	smov.u32 s9;
	[sflag:s15] =	ssyncset.done @!p1 $0x0;
	s9 =	smov.u32 s14  }
0x1d: {  	s11 =	sadd.s32 $0x1, s11;
	[sflag:s15] =	ssyncadd.s32 @!p1 $0xFFFFE000;
	s10 =	smov.u32 s16  }
.LBB1_1:
0x1e: {  	p1 =	sge.u32 s11, s5  }
0x1f: {  	s14 =	sand.u32 @!p1 $0x1FFFFFF, s9  }
0x20: {  	s15 =	smulhi.u32 @!p1 $0x4924925, s14;
	_ =	sdelay $0x1  }
0x21: {  	s15 =	smul.u32 @!p1 $0x38, s15  }
0x22: {  	s16 =	sxor.u32 @!p1 $0xFFFFFFFF, s11;
	s17 =	smul.u32 @!p1 $0x380, s10  }
0x23: {  	s31 =	sadd.s32 $0xFFFFFFFF, s11;
	s16 =	sshll.u32 @!p1 s16, $0xD;
	s14 =	ssub.s32 @!p1 s14, s15  }
0x24: {  	s15 =	sand.u32 @!p1 $0x2000, s16;
	s16 =	sadd.s32 @!p1 s6, s17;
	s14 =	sshll.u32 @!p1 s14, $0x4  }
0x25: {  	s17 =	simm.s32 @!p1 $0x1C00;
	s14 =	sadd.s32 @!p1 s14, s16;
	s16 =	simm.s32 @!p1 $0x40  }
0x26: {  	[tilespmem:s15], [sflag:$0x1] =	stream.strided.gather @!p1 [hbm4b:s14+s16], $0x2000, s17, s16, $0x38;
	[tilespmem:$0x8080] =	vst v63  }
0x27: {  	p1 =	sge.u32 s31, s5  }
.Ltmp2:
0x28: {  	_ = 	snop;
	(pc) =	sbr.rel @p1 .LBB1_5-.Ltmp2, $1  }
0x29: {  	_ =	sdelay $0x3  }
0x2a: {  	s14 =	simm.s32 $0x1  }
0x2b: {  	_ =	swait.ge [sflag:s4], $0x2000;
	s14 =	simm.s32 @!p0 $0x0  }
0x2c: {  	[sflag:s4] =	ssyncset.done $0x0;
	s15 =	sshll.u32 s14, $0xD  }
0x2d: {  	[sflag:s4] =	ssyncadd.s32 $0xFFFFE000;
	s18 =	sor.u32 $0x20, s15  }
0x2e: {  	s14 =	smul.u32 $0x8100, s14;
	v3 =	vld [tilespmem:s18+$0x10]  }
0x2f: {  	s30 =	sand.u32 $0x1, s11;
	v2 =	vld [tilespmem:s18+$0xFFFFFFF0]  }
0x30: {  	s15 =	smul.u32 $0x8100, s30;
	s14 =	sshrl.u32 s14, $0x2;
	v0 =	vld [tilespmem:s18+$0x0]  }
0x31: {  	v1 =	vld [tilespmem:s18+$0xFFFFFFE0];
	s16 =	sor.u32 $0x4000, s14  }
0x32: {  	s31 =	sshrl.u32 s15, $0x2;
	s15 =	sadd.s32 $0x0, s16  }
0x33: {  	s17 =	simm.s32 $0x4;
	s18 =	sadd.s32 $0x40, s18;
	s14 =	sor.u32 $0x4000, s31;
	[tilespmem:s15+$0x1830 ss:$0x81] =	vst.msk $0xffff, v3  }
.LBB1_3:
0x34: {  	v3 =	vld [tilespmem:s18+$0x10];
	p1 =	sne.s32 s17, $0x1FC;
	[tilespmem:s15+$0x810 ss:$0x81] =	vst.msk $0xffff, v2;
	s19 =	smov.u32 s17;
	s17 =	sadd.s32 $0x4, s17  }
.Ltmp3:
0x35: {  	v2 =	vld [tilespmem:s18+$0xFFFFFFF0];
	[tilespmem:s15+$0x1020 ss:$0x81] =	vst.msk $0xffff, v0;
	(pc) =	sbr.rel @p1 .LBB1_3-.Ltmp3, $4  }
0x36: {  	v0 =	vld [tilespmem:s18+$0x0];
	[tilespmem:s15+$0x0 ss:$0x81] =	vst.msk $0xffff, v1  }
0x37: {  	s15 =	sshra.s32 s19, $0x2;
	v1 =	vld [tilespmem:s18+$0xFFFFFFE0]  }
0x38: {  	s15 =	sadd.s32 s15, s16  }
0x39: {  	s18 =	sadd.s32 $0x40, s18;
	[tilespmem:s15+$0x1830 ss:$0x81] =	vst.msk $0xffff, v3  }
.Ltmp4:
0x3a: {  	_ = 	snop;
	(pc) =	sbr.rel .LBB1_4-.Ltmp4, $1  }
0x3b: {  	_ =	sdelay $0x3  }
.LBB1_6:
0x3c: {  	_ =	sfence.sel $0x180000  }
0x3d: {  	s2 =	simm.s32 $0x1;
	[bflag:$0x0] =	sbarrier.arrive $0xFFFF  }
0x3e: {  	s31 =	simm.s32 $0x2;
	[sflag:s2] =	ssyncpa.u1 $0x1  }
0x3f: {  	[sflag:s31] =	ssyncpa.u1 $0x1  }
0x40: {  	p0 =	sne.s32 s0, $0x0;
	_ =	strace $0x9000004A  }
0x41: {  	s0 =	sadd.s32 @!p0 $0x100000, s1;
	[bflag:$0x2] =	sbarrier.arrive $0xFFFF  }
0x42: {  	[sflag:s0] =	ssyncadd.tile.s32 @!p0 $0x1;
	_ =	shalt  }
.Lfunc_end1:
_tile_overlayer_lowered:
.L_overlay_start_2:
0x43: {  	(tag) =	ssettag $0x2  }
0x44: {  	s0 =	rddreg [dreg:$0x0];
	s2 =	stileid.u32  }
0x45: {  	s1 =	rddreg [dreg:$0x1];
	p0 =	sne.s32 s2, $0x0  }
0x46: {  	s3 =	rddreg [dreg:$0x2];
	[bflag:$0x3] =	sbarrier.arrive $0xFFFF;
	s2 =	simm.s32 @!p0 $0x1C01  }
0x47: {  	[timem:s3], [sflag:s2] =	dma.local @!p0 [hbm:s0], s1  }
0x48: {  	s0 =	simm.s32 @!p0 $0x1  }
0x49: {  	_ =	swait.ge @!p0 [sflag:s0], s1  }
0x4a: {  	s1 =	ssub.s32 @!p0 $0x0, s1;
	[sflag:s0] =	ssyncset.done @!p0 $0x0  }
0x4b: {  	[sflag:s0] =	ssyncadd.s32 @!p0 s1  }
0x4c: {  	[bflag:$0x3] =	sbarrier.arrive $0xFFFF  }
0x4d: {  	_ =	shalt  }

</sc_bundles>
